<compile_context>
chip_gen: v7x
topology: tpu7x:2x2x1
jax: 0.10.2.dev20260603
libtpu: 0.0.44.dev20260713+nightly
codegen_flags: <defaults>
</compile_context>

<pallas_src>
import functools

import jax
import jax.numpy as jnp
from jax import lax
from jax.experimental import pallas as pl
from jax.experimental.pallas import tpu as pltpu
from jax.experimental.pallas import tpu_sc as plsc

TOK = 2048
HID = 768
NE = 8
BLK = 256
NT = 24
PAD_T = NT * BLK
NW = 32
TPW = TOK // NW


def _router_body(h_ref, gw_ref, p1_ref, p2_ref, w1_ref, w2_ref, te_ref,
                 nt_ref, aux_ref):
    h = h_ref[...]
    gw = gw_ref[...]
    logits = lax.dot_general(h, gw, (((1,), (1,)), ((), ())),
                             preferred_element_type=jnp.float32)
    iota_e = lax.broadcasted_iota(jnp.int32, (TOK, NE), 1)
    m1 = jnp.max(logits, axis=1, keepdims=True)
    i1 = jnp.min(jnp.where(logits == m1, iota_e, NE), axis=1, keepdims=True)
    masked = jnp.where(iota_e == i1, -1e30, logits)
    m2 = jnp.max(masked, axis=1, keepdims=True)
    i2 = jnp.min(jnp.where(masked == m2, iota_e, NE), axis=1, keepdims=True)
    e2 = jnp.exp(m2 - m1)
    w1_ref[...] = 1.0 / (1.0 + e2)
    w2_ref[...] = e2 / (1.0 + e2)
    p = jnp.exp(logits - m1)
    p = p / jnp.sum(p, axis=1, keepdims=True)
    avg_prob = jnp.mean(p, axis=0, keepdims=True)
    m1h = (iota_e == i1).astype(jnp.float32)
    m2h = (iota_e == i2).astype(jnp.float32)
    cnt1 = jnp.sum(m1h, axis=0, keepdims=True)
    cnt = cnt1 + jnp.sum(m2h, axis=0, keepdims=True)
    aux_ref[...] = jnp.sum(cnt * (1.0 / TOK) * avg_prob * (0.01 * NE),
                           axis=1, keepdims=True)
    rr = lax.broadcasted_iota(jnp.int32, (TOK, TOK), 0)
    cc = lax.broadcasted_iota(jnp.int32, (TOK, TOK), 1)
    tri = (cc < rr).astype(jnp.bfloat16)
    m12 = jnp.concatenate([m1h, m2h], axis=1).astype(jnp.bfloat16)
    csum = lax.dot_general(tri, m12, (((1,), (0,)), ((), ())),
                           preferred_element_type=jnp.float32)
    c1 = csum[:, :NE]
    c2 = csum[:, NE:]
    sz = jnp.floor((cnt + (BLK - 1.0)) * (1.0 / BLK)) * BLK
    re8 = lax.broadcasted_iota(jnp.int32, (NE, NE), 0)
    ce8 = lax.broadcasted_iota(jnp.int32, (NE, NE), 1)
    triu = (re8 < ce8).astype(jnp.float32)
    g = lax.dot_general(sz, triu, (((1,), (0,)), ((), ())),
                        preferred_element_type=jnp.float32)
    gnext = g + sz
    nrows = jnp.sum(sz, axis=1, keepdims=True)
    nt_ref[...] = (nrows * (1.0 / BLK)).astype(jnp.int32)
    p1 = jnp.sum(m1h * (g + c1), axis=1, keepdims=True)
    p2 = jnp.sum(m2h * (g + cnt1 + c2), axis=1, keepdims=True)
    p1_ref[...] = p1.astype(jnp.int32)
    p2_ref[...] = p2.astype(jnp.int32)
    tt = lax.broadcasted_iota(jnp.int32, (NT, NE), 0).astype(jnp.float32) \
        * float(BLK)
    texp = jnp.sum((gnext <= tt).astype(jnp.float32), axis=1, keepdims=True)
    maxte = jnp.sum((gnext <= nrows - BLK).astype(jnp.float32))
    te_ref[...] = jnp.minimum(texp, maxte).astype(jnp.int32)


def _expert_body(te_ref, nt_ref, x_ref, wg_ref, wl_ref, bg_ref, bl_ref,
                 w2_ref, b2_ref, o_ref):
    t = pl.program_id(0)

    @pl.when(t < nt_ref[0])
    def _():
        e = te_ref[t]
        x = x_ref[...].astype(jnp.bfloat16)
        hg = lax.dot_general(x, wg_ref[e], (((1,), (1,)), ((), ())),
                             preferred_element_type=jnp.float32)
        hl = lax.dot_general(x, wl_ref[e], (((1,), (1,)), ((), ())),
                             preferred_element_type=jnp.float32)
        xg = jnp.minimum(hg + bg_ref[e], 7.0)
        xl = jnp.clip(hl + bl_ref[e], -7.0, 7.0)
        act = xg * (1.0 / (1.0 + jnp.exp(-1.702 * xg))) * (xl + 1.0)
        o = lax.dot_general(act.astype(jnp.bfloat16), w2_ref[e],
                            (((1,), (1,)), ((), ())),
                            preferred_element_type=jnp.float32)
        o_ref[...] = o + b2_ref[e]


def _sc_mesh():
    return plsc.VectorSubcoreMesh(core_axis_name="c", subcore_axis_name="s")


def _dispatch(h, p1f, p2f):
    @functools.partial(
        pl.kernel,
        out_type=jax.ShapeDtypeStruct((PAD_T, HID), jnp.float32),
        mesh=_sc_mesh(),
        scratch_types=[
            pltpu.VMEM((TPW,), jnp.int32),
            pltpu.VMEM((TPW,), jnp.int32),
            pltpu.VMEM((TPW, HID), jnp.float32),
            pltpu.SemaphoreType.DMA,
            pltpu.SemaphoreType.DMA,
        ],
    )
    def disp(h_hbm, p1_hbm, p2_hbm, xg_hbm, i1_v, i2_v, rows_v, sem, sem2):
        wid = lax.axis_index("s") * 2 + lax.axis_index("c")
        base = wid * TPW
        a1 = pltpu.async_copy(p1_hbm.at[pl.ds(base, TPW)], i1_v, sem2)
        a2 = pltpu.async_copy(p2_hbm.at[pl.ds(base, TPW)], i2_v, sem2)
        a3 = pltpu.async_copy(h_hbm.at[pl.ds(base, TPW)], rows_v, sem2)
        a1.wait()
        a2.wait()
        a3.wait()
        c1 = pltpu.async_copy(rows_v, xg_hbm.at[i1_v], sem)
        c2 = pltpu.async_copy(rows_v, xg_hbm.at[i2_v], sem)
        c1.wait()
        c2.wait()

    return disp(h, p1f, p2f)


def _combine(og, p1f, p2f, w1f, w2f):
    @functools.partial(
        pl.kernel,
        out_type=jax.ShapeDtypeStruct((TOK, HID), jnp.float32),
        mesh=_sc_mesh(),
        scratch_types=[
            pltpu.VMEM((TPW,), jnp.int32),
            pltpu.VMEM((TPW,), jnp.int32),
            pltpu.VMEM((TPW + 16,), jnp.float32),
            pltpu.VMEM((TPW + 16,), jnp.float32),
            pltpu.VMEM((TPW, HID), jnp.float32),
            pltpu.VMEM((TPW, HID), jnp.float32),
            pltpu.SemaphoreType.DMA,
            pltpu.SemaphoreType.DMA,
        ],
    )
    def comb(og_hbm, p1_hbm, p2_hbm, w1_hbm, w2_hbm, out_hbm,
             i1_v, i2_v, a_v, b_v, r1_v, r2_v, sem, sem2):
        wid = lax.axis_index("s") * 2 + lax.axis_index("c")
        base = wid * TPW
        a1 = pltpu.async_copy(p1_hbm.at[pl.ds(base, TPW)], i1_v, sem2)
        a2 = pltpu.async_copy(p2_hbm.at[pl.ds(base, TPW)], i2_v, sem2)
        a3 = pltpu.async_copy(w1_hbm.at[pl.ds(base, TPW)],
                              a_v.at[pl.ds(0, TPW)], sem2)
        a4 = pltpu.async_copy(w2_hbm.at[pl.ds(base, TPW)],
                              b_v.at[pl.ds(0, TPW)], sem2)
        a1.wait()
        a2.wait()
        a3.wait()
        a4.wait()
        g1 = pltpu.async_copy(og_hbm.at[i1_v], r1_v, sem)
        g2 = pltpu.async_copy(og_hbm.at[i2_v], r2_v, sem)
        g1.wait()
        g2.wait()

        def body(j, carry):
            wa = a_v[pl.ds(j, 16)][0]
            wb = b_v[pl.ds(j, 16)][0]
            row1 = r1_v.at[j]
            row2 = r2_v.at[j]
            for k0 in range(HID // 16):
                sl = pl.ds(k0 * 16, 16)
                row1[sl] = wa * row1[sl] + wb * row2[sl]
            return carry

        lax.fori_loop(0, TPW, body, 0)
        pltpu.sync_copy(r1_v, out_hbm.at[pl.ds(base, TPW)])

    return comb(og, p1f, p2f, w1f, w2f)


def _expert_grid_spec():
    return pltpu.PrefetchScalarGridSpec(
        num_scalar_prefetch=2,
        grid=(NT,),
        in_specs=[
            pl.BlockSpec((BLK, HID), lambda t, te, nt: (t, 0)),
            pl.BlockSpec((NE, HID, HID), lambda t, te, nt: (0, 0, 0)),
            pl.BlockSpec((NE, HID, HID), lambda t, te, nt: (0, 0, 0)),
            pl.BlockSpec((NE, 1, HID), lambda t, te, nt: (0, 0, 0)),
            pl.BlockSpec((NE, 1, HID), lambda t, te, nt: (0, 0, 0)),
            pl.BlockSpec((NE, HID, HID), lambda t, te, nt: (0, 0, 0)),
            pl.BlockSpec((NE, 1, HID), lambda t, te, nt: (0, 0, 0)),
        ],
        out_specs=pl.BlockSpec((BLK, HID), lambda t, te, nt: (t, 0)),
    )


def kernel(hidden_states, gate_w, mlp1_weight, mlp1_bias, mlp2_weight,
           mlp2_bias):
    h = hidden_states.reshape(TOK, HID)
    p1, p2, w1, w2, te, nt, aux = pl.pallas_call(
        _router_body,
        out_shape=[
            jax.ShapeDtypeStruct((TOK, 1), jnp.int32),
            jax.ShapeDtypeStruct((TOK, 1), jnp.int32),
            jax.ShapeDtypeStruct((TOK, 1), jnp.float32),
            jax.ShapeDtypeStruct((TOK, 1), jnp.float32),
            jax.ShapeDtypeStruct((NT, 1), jnp.int32),
            jax.ShapeDtypeStruct((1, 1), jnp.int32),
            jax.ShapeDtypeStruct((1, 1), jnp.float32),
        ],
    )(h, gate_w)
    p1f = p1.reshape(TOK)
    p2f = p2.reshape(TOK)
    xg = _dispatch(h, p1f, p2f)
    w1b = mlp1_weight.astype(jnp.bfloat16).reshape(NE, HID, 2, HID)
    wg = w1b[:, :, 0, :]
    wl = w1b[:, :, 1, :]
    b1r = mlp1_bias.reshape(NE, 1, HID, 2)
    og = pl.pallas_call(
        _expert_body,
        grid_spec=_expert_grid_spec(),
        out_shape=jax.ShapeDtypeStruct((PAD_T, HID), jnp.float32),
        compiler_params=pltpu.CompilerParams(
            vmem_limit_bytes=60 * 1024 * 1024),
    )(te.reshape(NT), nt.reshape(1), xg, wg, wl,
      b1r[..., 0], b1r[..., 1], mlp2_weight.astype(jnp.bfloat16),
      mlp2_bias.reshape(NE, 1, HID))
    out = _combine(og, p1f, p2f, w1.reshape(TOK), w2.reshape(TOK))
    return out.reshape(1, TOK, HID), aux[0, 0]

# --- scband reference (transcript-rebuilt; emitter-appended) ---
"""Pipeline reference for scband-mo-elayer-18683107737928 (READ-ONLY COPY).

The authoritative reference and input builder live on the scoring server;
editing this copy changes nothing except your own understanding.
"""

import jax, jax.numpy as jnp
import numpy as np

HIDDEN = 768
INTER = 768
NUM_EXPERTS = 8
TOP_K = 2
LIMIT = 7.0
AUX_COEF = 0.01
BATCH = 1
SEQ = 2048


def _swiglu(x, limit=LIMIT):
    x_glu = x[..., ::2]
    x_lin = x[..., 1::2]
    x_glu = jnp.minimum(x_glu, limit)
    x_lin = jnp.clip(x_lin, -limit, limit)
    return x_glu * jax.nn.sigmoid(1.702 * x_glu) * (x_lin + 1.0)


def setup_inputs(seed: int = 0):
    key = jax.random.key(seed)
    k0, k1, k2, k3 = jax.random.split(key, 4)
    std = (3.0 ** 0.5) * HIDDEN ** (-0.5)
    hidden_states = jax.random.normal(k0, (BATCH, SEQ, HIDDEN), dtype=jnp.float32)
    gate_w = jax.random.normal(k1, (NUM_EXPERTS, HIDDEN), dtype=jnp.float32) * HIDDEN ** (-0.5)
    mlp1_weight = jax.random.normal(k2, (NUM_EXPERTS, INTER * 2, HIDDEN), dtype=jnp.float32) * std
    mlp1_bias = jnp.zeros((NUM_EXPERTS, INTER * 2), dtype=jnp.float32)
    mlp2_weight = jax.random.normal(k3, (NUM_EXPERTS, HIDDEN, INTER), dtype=jnp.float32) * std
    mlp2_bias = jnp.zeros((NUM_EXPERTS, HIDDEN), dtype=jnp.float32)
    return {
        "hidden_states": hidden_states,
        "gate_w": gate_w,
        "mlp1_weight": mlp1_weight,
        "mlp1_bias": mlp1_bias,
        "mlp2_weight": mlp2_weight,
        "mlp2_bias": mlp2_bias,
    }


def reference(hidden_states, gate_w, mlp1_weight, mlp1_bias, mlp2_weight, mlp2_bias):
    batch, seq, hidden = hidden_states.shape
    num_tokens = batch * seq
    h_flat = hidden_states.reshape(num_tokens, hidden)
    # Router: gate linear (no bias), top-k, softmax over selected logits
    router_logits = h_flat @ gate_w.T
    top_vals, top_idx = jax.lax.top_k(router_logits, TOP_K)
    expert_weights = jax.nn.softmax(top_vals, axis=-1)
    # Aux load-balancing loss
    router_probs = jax.nn.softmax(router_logits, axis=-1)
    expert_mask = jax.nn.one_hot(top_idx, NUM_EXPERTS, dtype=jnp.float32).sum(axis=1)
    tokens_per_expert = expert_mask.sum(axis=0)
    avg_prob = router_probs.mean(axis=0)
    aux_loss = AUX_COEF * NUM_EXPERTS * jnp.sum(tokens_per_expert / num_tokens * avg_prob)
    # Expert computation: loop over experts; per-token weight is zero for
    # non-selected tokens, which is math-equivalent to torch's masked index_add.
    final_output = jnp.zeros_like(h_flat)
    for e in range(NUM_EXPERTS):
        w_e = jnp.sum(expert_weights * (top_idx == e).astype(expert_weights.dtype), axis=1)
        h1 = h_flat @ mlp1_weight[e].T + mlp1_bias[e]
        h1 = _swiglu(h1, LIMIT)
        expert_out = h1 @ mlp2_weight[e].T + mlp2_bias[e]
        final_output = final_output + expert_out * w_e[:, None]
    output = final_output.reshape(batch, seq, hidden)
    return (output, aux_loss)

if __name__ == "__main__":
    import jax
    _d = setup_inputs()
    print(jax.jit(kernel)(*tuple(_d.values())))

</pallas_src>

<mosaic_0001>
#map = affine_map<(d0, d1) -> (0, 0)>
#map1 = affine_map<(d0, d1) -> (0)>
module attributes {stable_mosaic.version = 14 : i64} {
  func.func @comb(%arg0: i32, %arg1: i32, %arg2: memref<6144x768xf32, #tpu.memory_space<hbm>>, %arg3: memref<2048xi32, #tpu.memory_space<hbm>>, %arg4: memref<2048xi32, #tpu.memory_space<hbm>>, %arg5: memref<2048xf32, #tpu.memory_space<hbm>>, %arg6: memref<2048xf32, #tpu.memory_space<hbm>>, %arg7: memref<2048x768xf32, #tpu.memory_space<hbm>>, %arg8: memref<64xi32, #tpu.memory_space<vmem>>, %arg9: memref<64xi32, #tpu.memory_space<vmem>>, %arg10: memref<80xf32, #tpu.memory_space<vmem>>, %arg11: memref<80xf32, #tpu.memory_space<vmem>>, %arg12: memref<64x768xf32, #tpu.memory_space<vmem>>, %arg13: memref<64x768xf32, #tpu.memory_space<vmem>>, %arg14: memref<!tpu.dma_semaphore, #tpu.memory_space<semaphore_mem>>, %arg15: memref<!tpu.dma_semaphore, #tpu.memory_space<semaphore_mem>>) attributes {dimension_semantics = [#tpu.dimension_semantics<core_parallel>, #tpu.dimension_semantics<subcore_parallel>], iteration_bounds = array<i64: 2, 16>, scalar_prefetch = 0 : i64, scratch_operands = 8 : i64, tpu.core_type = #tpu.core_type<sc_vector_subcore>, window_params = [{transform_indices = #map}, {transform_indices = #map1}, {transform_indices = #map1}, {transform_indices = #map1}, {transform_indices = #map1}, {transform_indices = #map}]} {
    %mul3A = arith.constant 2 : i32
    %mul3A_0 = arith.muli %arg1, %mul3A : i32
    %add3A = arith.addi %mul3A_0, %arg0 : i32
    %mul3A_1 = arith.constant 64 : i32
    %mul3A_2 = arith.muli %add3A, %mul3A_1 : i32
    %dma_start3A = tpu.memref_slice %arg3[%mul3A_2] : memref<2048xi32, #tpu.memory_space<hbm>> -> memref<64xi32, #tpu.memory_space<hbm>>
    %dma_start3A_3 = tpu.memref_slice %arg3[%mul3A_2] : memref<2048xi32, #tpu.memory_space<hbm>> -> memref<64xi32, #tpu.memory_space<hbm>>
    tpu.enqueue_dma source(%dma_start3A_3 : memref<64xi32, #tpu.memory_space<hbm>>) target(%arg8 : memref<64xi32, #tpu.memory_space<vmem>>) target_semaphore(%arg15 : memref<!tpu.dma_semaphore, #tpu.memory_space<semaphore_mem>>)
    %dma_start3A_4 = tpu.memref_slice %arg4[%mul3A_2] : memref<2048xi32, #tpu.memory_space<hbm>> -> memref<64xi32, #tpu.memory_space<hbm>>
    %dma_start3A_5 = tpu.memref_slice %arg4[%mul3A_2] : memref<2048xi32, #tpu.memory_space<hbm>> -> memref<64xi32, #tpu.memory_space<hbm>>
    tpu.enqueue_dma source(%dma_start3A_5 : memref<64xi32, #tpu.memory_space<hbm>>) target(%arg9 : memref<64xi32, #tpu.memory_space<vmem>>) target_semaphore(%arg15 : memref<!tpu.dma_semaphore, #tpu.memory_space<semaphore_mem>>)
    %dma_start3A_6 = arith.constant 0 : i32
    %dma_start3A_7 = tpu.memref_slice %arg10[%dma_start3A_6] : memref<80xf32, #tpu.memory_space<vmem>> -> memref<64xf32, #tpu.memory_space<vmem>>
    %dma_start3A_8 = tpu.memref_slice %arg5[%mul3A_2] : memref<2048xf32, #tpu.memory_space<hbm>> -> memref<64xf32, #tpu.memory_space<hbm>>
    %dma_start3A_9 = arith.constant 0 : i32
    %dma_start3A_10 = tpu.memref_slice %arg10[%dma_start3A_9] : memref<80xf32, #tpu.memory_space<vmem>> -> memref<64xf32, #tpu.memory_space<vmem>>
    %dma_start3A_11 = tpu.memref_slice %arg5[%mul3A_2] : memref<2048xf32, #tpu.memory_space<hbm>> -> memref<64xf32, #tpu.memory_space<hbm>>
    tpu.enqueue_dma source(%dma_start3A_11 : memref<64xf32, #tpu.memory_space<hbm>>) target(%dma_start3A_10 : memref<64xf32, #tpu.memory_space<vmem>>) target_semaphore(%arg15 : memref<!tpu.dma_semaphore, #tpu.memory_space<semaphore_mem>>)
    %dma_start3A_12 = arith.constant 0 : i32
    %dma_start3A_13 = tpu.memref_slice %arg11[%dma_start3A_12] : memref<80xf32, #tpu.memory_space<vmem>> -> memref<64xf32, #tpu.memory_space<vmem>>
    %dma_start3A_14 = tpu.memref_slice %arg6[%mul3A_2] : memref<2048xf32, #tpu.memory_space<hbm>> -> memref<64xf32, #tpu.memory_space<hbm>>
    %dma_start3A_15 = arith.constant 0 : i32
    %dma_start3A_16 = tpu.memref_slice %arg11[%dma_start3A_15] : memref<80xf32, #tpu.memory_space<vmem>> -> memref<64xf32, #tpu.memory_space<vmem>>
    %dma_start3A_17 = tpu.memref_slice %arg6[%mul3A_2] : memref<2048xf32, #tpu.memory_space<hbm>> -> memref<64xf32, #tpu.memory_space<hbm>>
    tpu.enqueue_dma source(%dma_start3A_17 : memref<64xf32, #tpu.memory_space<hbm>>) target(%dma_start3A_16 : memref<64xf32, #tpu.memory_space<vmem>>) target_semaphore(%arg15 : memref<!tpu.dma_semaphore, #tpu.memory_space<semaphore_mem>>)
    %dma_wait3A = tpu.memref_slice %arg3[%mul3A_2] : memref<2048xi32, #tpu.memory_space<hbm>> -> memref<64xi32, #tpu.memory_space<hbm>>
    %dma_wait3A_18 = tpu.memref_slice %arg3[%mul3A_2] : memref<2048xi32, #tpu.memory_space<hbm>> -> memref<64xi32, #tpu.memory_space<hbm>>
    tpu.wait_dma2 semaphore(%arg15 : memref<!tpu.dma_semaphore, #tpu.memory_space<semaphore_mem>>) src(%dma_wait3A_18 : memref<64xi32, #tpu.memory_space<hbm>>) dst(%arg8 : memref<64xi32, #tpu.memory_space<vmem>>)
    %dma_wait3A_19 = tpu.memref_slice %arg4[%mul3A_2] : memref<2048xi32, #tpu.memory_space<hbm>> -> memref<64xi32, #tpu.memory_space<hbm>>
    %dma_wait3A_20 = tpu.memref_slice %arg4[%mul3A_2] : memref<2048xi32, #tpu.memory_space<hbm>> -> memref<64xi32, #tpu.memory_space<hbm>>
    tpu.wait_dma2 semaphore(%arg15 : memref<!tpu.dma_semaphore, #tpu.memory_space<semaphore_mem>>) src(%dma_wait3A_20 : memref<64xi32, #tpu.memory_space<hbm>>) dst(%arg9 : memref<64xi32, #tpu.memory_space<vmem>>)
    %dma_wait3A_21 = arith.constant 0 : i32
    %dma_wait3A_22 = tpu.memref_slice %arg10[%dma_wait3A_21] : memref<80xf32, #tpu.memory_space<vmem>> -> memref<64xf32, #tpu.memory_space<vmem>>
    %dma_wait3A_23 = tpu.memref_slice %arg5[%mul3A_2] : memref<2048xf32, #tpu.memory_space<hbm>> -> memref<64xf32, #tpu.memory_space<hbm>>
    %dma_wait3A_24 = arith.constant 0 : i32
    %dma_wait3A_25 = tpu.memref_slice %arg10[%dma_wait3A_24] : memref<80xf32, #tpu.memory_space<vmem>> -> memref<64xf32, #tpu.memory_space<vmem>>
    %dma_wait3A_26 = tpu.memref_slice %arg5[%mul3A_2] : memref<2048xf32, #tpu.memory_space<hbm>> -> memref<64xf32, #tpu.memory_space<hbm>>
    tpu.wait_dma2 semaphore(%arg15 : memref<!tpu.dma_semaphore, #tpu.memory_space<semaphore_mem>>) src(%dma_wait3A_26 : memref<64xf32, #tpu.memory_space<hbm>>) dst(%dma_wait3A_25 : memref<64xf32, #tpu.memory_space<vmem>>)
    %dma_wait3A_27 = arith.constant 0 : i32
    %dma_wait3A_28 = tpu.memref_slice %arg11[%dma_wait3A_27] : memref<80xf32, #tpu.memory_space<vmem>> -> memref<64xf32, #tpu.memory_space<vmem>>
    %dma_wait3A_29 = tpu.memref_slice %arg6[%mul3A_2] : memref<2048xf32, #tpu.memory_space<hbm>> -> memref<64xf32, #tpu.memory_space<hbm>>
    %dma_wait3A_30 = arith.constant 0 : i32
    %dma_wait3A_31 = tpu.memref_slice %arg11[%dma_wait3A_30] : memref<80xf32, #tpu.memory_space<vmem>> -> memref<64xf32, #tpu.memory_space<vmem>>
    %dma_wait3A_32 = tpu.memref_slice %arg6[%mul3A_2] : memref<2048xf32, #tpu.memory_space<hbm>> -> memref<64xf32, #tpu.memory_space<hbm>>
    tpu.wait_dma2 semaphore(%arg15 : memref<!tpu.dma_semaphore, #tpu.memory_space<semaphore_mem>>) src(%dma_wait3A_32 : memref<64xf32, #tpu.memory_space<hbm>>) dst(%dma_wait3A_31 : memref<64xf32, #tpu.memory_space<vmem>>)
    %dma_start3A_33 = arith.constant 0 : i32
    %dma_start3A_34 = arith.constant 0 : i32
    %dma_start3A_35 = tpu.memref_slice %arg2[%dma_start3A_33, %dma_start3A_34] : memref<6144x768xf32, #tpu.memory_space<hbm>> -> memref<6144x768xf32, #tpu.memory_space<hbm>>
    tpu.enqueue_indirect_dma source(%dma_start3A_35 : memref<6144x768xf32, #tpu.memory_space<hbm>>) target(%arg12 : memref<64x768xf32, #tpu.memory_space<vmem>>) offsets(%arg8 : memref<64xi32, #tpu.memory_space<vmem>>) semaphore(%arg14 : memref<!tpu.dma_semaphore, #tpu.memory_space<semaphore_mem>>)
    %dma_start3A_36 = arith.constant 0 : i32
    %dma_start3A_37 = arith.constant 0 : i32
    %dma_start3A_38 = tpu.memref_slice %arg2[%dma_start3A_36, %dma_start3A_37] : memref<6144x768xf32, #tpu.memory_space<hbm>> -> memref<6144x768xf32, #tpu.memory_space<hbm>>
    tpu.enqueue_indirect_dma source(%dma_start3A_38 : memref<6144x768xf32, #tpu.memory_space<hbm>>) target(%arg13 : memref<64x768xf32, #tpu.memory_space<vmem>>) offsets(%arg9 : memref<64xi32, #tpu.memory_space<vmem>>) semaphore(%arg14 : memref<!tpu.dma_semaphore, #tpu.memory_space<semaphore_mem>>)
    %dma_wait3A_39 = arith.constant 0 : i32
    %dma_wait3A_40 = arith.constant 0 : i32
    %dma_wait3A_41 = tpu.memref_slice %arg2[%dma_wait3A_39, %dma_wait3A_40] : memref<6144x768xf32, #tpu.memory_space<hbm>> -> memref<6144x768xf32, #tpu.memory_space<hbm>>
    tpu.wait_indirect_dma semaphore(%arg14 : memref<!tpu.dma_semaphore, #tpu.memory_space<semaphore_mem>>) src(%dma_wait3A_41 : memref<6144x768xf32, #tpu.memory_space<hbm>>) dst(%arg12 : memref<64x768xf32, #tpu.memory_space<vmem>>)
    %dma_wait3A_42 = arith.constant 0 : i32
    %dma_wait3A_43 = arith.constant 0 : i32
    %dma_wait3A_44 = tpu.memref_slice %arg2[%dma_wait3A_42, %dma_wait3A_43] : memref<6144x768xf32, #tpu.memory_space<hbm>> -> memref<6144x768xf32, #tpu.memory_space<hbm>>
    tpu.wait_indirect_dma semaphore(%arg14 : memref<!tpu.dma_semaphore, #tpu.memory_space<semaphore_mem>>) src(%dma_wait3A_44 : memref<6144x768xf32, #tpu.memory_space<hbm>>) dst(%arg13 : memref<64x768xf32, #tpu.memory_space<vmem>>)
    %scan3A = arith.constant 0 : i32
    %scan3A_45 = arith.constant 0 : i32
    %scan3A_46 = arith.constant 64 : i32
    %scan3A_47 = arith.addi %scan3A_45, %scan3A_46 : i32
    %scan3A_48 = arith.constant 1 : i32
    scf.for %scan3A_50 = %scan3A_45 to %scan3A_47 step %scan3A_48  : i32 {
      %get3A = arith.index_cast %scan3A_50 : i32 to index
      %get3A_51 = tpu.vector_load %arg10[%get3A] {strides = array<i32>} : memref<80xf32, #tpu.memory_space<vmem>>, vector<16xf32>,
      %get3A_52 = vector.shape_cast %get3A_51 : vector<16xf32> to vector<16xf32>
      %slice3A = vector.extract_strided_slice %get3A_52 {offsets = [0], sizes = [1], strides = [1]} : vector<16xf32> to vector<1xf32>
      %squeeze3A = vector.extract %slice3A[0] : f32 from vector<1xf32>
      %get3A_53 = arith.index_cast %scan3A_50 : i32 to index
      %get3A_54 = tpu.vector_load %arg11[%get3A_53] {strides = array<i32>} : memref<80xf32, #tpu.memory_space<vmem>>, vector<16xf32>,
      %get3A_55 = vector.shape_cast %get3A_54 : vector<16xf32> to vector<16xf32>
      %slice3A_56 = vector.extract_strided_slice %get3A_55 {offsets = [0], sizes = [1], strides = [1]} : vector<16xf32> to vector<1xf32>
      %squeeze3A_57 = vector.extract %slice3A_56[0] : f32 from vector<1xf32>
      %get3A_58 = arith.constant 0 : i32
      %get3A_59 = tpu.memref_slice %arg12[%scan3A_50, %get3A_58] : memref<64x768xf32, #tpu.memory_space<vmem>> -> memref<1x768xf32, #tpu.memory_space<vmem>>
      %get3A_60 = tpu.memref_squeeze %get3A_59 : memref<1x768xf32, #tpu.memory_space<vmem>> -> memref<768xf32, #tpu.memory_space<vmem>>
      %get3A_61 = arith.constant 0 : index
      %get3A_62 = tpu.vector_load %get3A_60[%get3A_61] {strides = array<i32>} : memref<768xf32, #tpu.memory_space<vmem>>, vector<16xf32>,
      %get3A_63 = vector.shape_cast %get3A_62 : vector<16xf32> to vector<16xf32>
      %mul3A_64 = vector.broadcast %squeeze3A : f32 to vector<16xf32>
      %mul3A_65 = arith.mulf %mul3A_64, %get3A_63 : vector<16xf32>
      %get3A_66 = arith.constant 0 : i32
      %get3A_67 = tpu.memref_slice %arg13[%scan3A_50, %get3A_66] : memref<64x768xf32, #tpu.memory_space<vmem>> -> memref<1x768xf32, #tpu.memory_space<vmem>>
      %get3A_68 = tpu.memref_squeeze %get3A_67 : memref<1x768xf32, #tpu.memory_space<vmem>> -> memref<768xf32, #tpu.memory_space<vmem>>
      %get3A_69 = arith.constant 0 : index
      %get3A_70 = tpu.vector_load %get3A_68[%get3A_69] {strides = array<i32>} : memref<768xf32, #tpu.memory_space<vmem>>, vector<16xf32>,
      %get3A_71 = vector.shape_cast %get3A_70 : vector<16xf32> to vector<16xf32>
      %mul3A_72 = vector.broadcast %squeeze3A_57 : f32 to vector<16xf32>
      %mul3A_73 = arith.mulf %mul3A_72, %get3A_71 : vector<16xf32>
      %add3A_74 = arith.addf %mul3A_65, %mul3A_73 : vector<16xf32>
      %swap3A = arith.constant 0 : i32
      %swap3A_75 = tpu.memref_slice %arg12[%scan3A_50, %swap3A] : memref<64x768xf32, #tpu.memory_space<vmem>> -> memref<1x768xf32, #tpu.memory_space<vmem>>
      %swap3A_76 = tpu.memref_squeeze %swap3A_75 : memref<1x768xf32, #tpu.memory_space<vmem>> -> memref<768xf32, #tpu.memory_space<vmem>>
      %swap3A_77 = arith.constant 0 : index
      %swap3A_78 = tpu.vector_load %swap3A_76[%swap3A_77] {strides = array<i32>} : memref<768xf32, #tpu.memory_space<vmem>>, vector<16xf32>,
      %swap3A_79 = vector.shape_cast %swap3A_78 : vector<16xf32> to vector<16xf32>
      %swap3A_80 = vector.shape_cast %add3A_74 : vector<16xf32> to vector<16xf32>
      tpu.vector_store %swap3A_76[%swap3A_77], %swap3A_80 {strides = array<i32>} : memref<768xf32, #tpu.memory_space<vmem>>, vector<16xf32>,
      %get3A_81 = arith.constant 0 : i32
      %get3A_82 = tpu.memref_slice %arg12[%scan3A_50, %get3A_81] : memref<64x768xf32, #tpu.memory_space<vmem>> -> memref<1x768xf32, #tpu.memory_space<vmem>>
      %get3A_83 = tpu.memref_squeeze %get3A_82 : memref<1x768xf32, #tpu.memory_space<vmem>> -> memref<768xf32, #tpu.memory_space<vmem>>
      %get3A_84 = arith.constant 16 : index
      %get3A_85 = tpu.vector_load %get3A_83[%get3A_84] {strides = array<i32>} : memref<768xf32, #tpu.memory_space<vmem>>, vector<16xf32>,
      %get3A_86 = vector.shape_cast %get3A_85 : vector<16xf32> to vector<16xf32>
      %mul3A_87 = vector.broadcast %squeeze3A : f32 to vector<16xf32>
      %mul3A_88 = arith.mulf %mul3A_87, %get3A_86 : vector<16xf32>
      %get3A_89 = arith.constant 0 : i32
      %get3A_90 = tpu.memref_slice %arg13[%scan3A_50, %get3A_89] : memref<64x768xf32, #tpu.memory_space<vmem>> -> memref<1x768xf32, #tpu.memory_space<vmem>>
      %get3A_91 = tpu.memref_squeeze %get3A_90 : memref<1x768xf32, #tpu.memory_space<vmem>> -> memref<768xf32, #tpu.memory_space<vmem>>
      %get3A_92 = arith.constant 16 : index
      %get3A_93 = tpu.vector_load %get3A_91[%get3A_92] {strides = array<i32>} : memref<768xf32, #tpu.memory_space<vmem>>, vector<16xf32>,
      %get3A_94 = vector.shape_cast %get3A_93 : vector<16xf32> to vector<16xf32>
      %mul3A_95 = vector.broadcast %squeeze3A_57 : f32 to vector<16xf32>
      %mul3A_96 = arith.mulf %mul3A_95, %get3A_94 : vector<16xf32>
      %add3A_97 = arith.addf %mul3A_88, %mul3A_96 : vector<16xf32>
      %swap3A_98 = arith.constant 0 : i32
      %swap3A_99 = tpu.memref_slice %arg12[%scan3A_50, %swap3A_98] : memref<64x768xf32, #tpu.memory_space<vmem>> -> memref<1x768xf32, #tpu.memory_space<vmem>>
      %swap3A_100 = tpu.memref_squeeze %swap3A_99 : memref<1x768xf32, #tpu.memory_space<vmem>> -> memref<768xf32, #tpu.memory_space<vmem>>
      %swap3A_101 = arith.constant 16 : index
      %swap3A_102 = tpu.vector_load %swap3A_100[%swap3A_101] {strides = array<i32>} : memref<768xf32, #tpu.memory_space<vmem>>, vector<16xf32>,
      %swap3A_103 = vector.shape_cast %swap3A_102 : vector<16xf32> to vector<16xf32>
      %swap3A_104 = vector.shape_cast %add3A_97 : vector<16xf32> to vector<16xf32>
      tpu.vector_store %swap3A_100[%swap3A_101], %swap3A_104 {strides = array<i32>} : memref<768xf32, #tpu.memory_space<vmem>>, vector<16xf32>,
      %get3A_105 = arith.constant 0 : i32
      %get3A_106 = tpu.memref_slice %arg12[%scan3A_50, %get3A_105] : memref<64x768xf32, #tpu.memory_space<vmem>> -> memref<1x768xf32, #tpu.memory_space<vmem>>
      %get3A_107 = tpu.memref_squeeze %get3A_106 : memref<1x768xf32, #tpu.memory_space<vmem>> -> memref<768xf32, #tpu.memory_space<vmem>>
      %get3A_108 = arith.constant 32 : index
      %get3A_109 = tpu.vector_load %get3A_107[%get3A_108] {strides = array<i32>} : memref<768xf32, #tpu.memory_space<vmem>>, vector<16xf32>,
      %get3A_110 = vector.shape_cast %get3A_109 : vector<16xf32> to vector<16xf32>
      %mul3A_111 = vector.broadcast %squeeze3A : f32 to vector<16xf32>
      %mul3A_112 = arith.mulf %mul3A_111, %get3A_110 : vector<16xf32>
      %get3A_113 = arith.constant 0 : i32
      %get3A_114 = tpu.memref_slice %arg13[%scan3A_50, %get3A_113] : memref<64x768xf32, #tpu.memory_space<vmem>> -> memref<1x768xf32, #tpu.memory_space<vmem>>
      %get3A_115 = tpu.memref_squeeze %get3A_114 : memref<1x768xf32, #tpu.memory_space<vmem>> -> memref<768xf32, #tpu.memory_space<vmem>>
      %get3A_116 = arith.constant 32 : index
      %get3A_117 = tpu.vector_load %get3A_115[%get3A_116] {strides = array<i32>} : memref<768xf32, #tpu.memory_space<vmem>>, vector<16xf32>,
      %get3A_118 = vector.shape_cast %get3A_117 : vector<16xf32> to vector<16xf32>
      %mul3A_119 = vector.broadcast %squeeze3A_57 : f32 to vector<16xf32>
      %mul3A_120 = arith.mulf %mul3A_119, %get3A_118 : vector<16xf32>
      %add3A_121 = arith.addf %mul3A_112, %mul3A_120 : vector<16xf32>
      %swap3A_122 = arith.constant 0 : i32
      %swap3A_123 = tpu.memref_slice %arg12[%scan3A_50, %swap3A_122] : memref<64x768xf32, #tpu.memory_space<vmem>> -> memref<1x768xf32, #tpu.memory_space<vmem>>
      %swap3A_124 = tpu.memref_squeeze %swap3A_123 : memref<1x768xf32, #tpu.memory_space<vmem>> -> memref<768xf32, #tpu.memory_space<vmem>>
      %swap3A_125 = arith.constant 32 : index
      %swap3A_126 = tpu.vector_load %swap3A_124[%swap3A_125] {strides = array<i32>} : memref<768xf32, #tpu.memory_space<vmem>>, vector<16xf32>,
      %swap3A_127 = vector.shape_cast %swap3A_126 : vector<16xf32> to vector<16xf32>
      %swap3A_128 = vector.shape_cast %add3A_121 : vector<16xf32> to vector<16xf32>
      tpu.vector_store %swap3A_124[%swap3A_125], %swap3A_128 {strides = array<i32>} : memref<768xf32, #tpu.memory_space<vmem>>, vector<16xf32>,
      %get3A_129 = arith.constant 0 : i32
      %get3A_130 = tpu.memref_slice %arg12[%scan3A_50, %get3A_129] : memref<64x768xf32, #tpu.memory_space<vmem>> -> memref<1x768xf32, #tpu.memory_space<vmem>>
      %get3A_131 = tpu.memref_squeeze %get3A_130 : memref<1x768xf32, #tpu.memory_space<vmem>> -> memref<768xf32, #tpu.memory_space<vmem>>
      %get3A_132 = arith.constant 48 : index
      %get3A_133 = tpu.vector_load %get3A_131[%get3A_132] {strides = array<i32>} : memref<768xf32, #tpu.memory_space<vmem>>, vector<16xf32>,
      %get3A_134 = vector.shape_cast %get3A_133 : vector<16xf32> to vector<16xf32>
      %mul3A_135 = vector.broadcast %squeeze3A : f32 to vector<16xf32>
      %mul3A_136 = arith.mulf %mul3A_135, %get3A_134 : vector<16xf32>
      %get3A_137 = arith.constant 0 : i32
      %get3A_138 = tpu.memref_slice %arg13[%scan3A_50, %get3A_137] : memref<64x768xf32, #tpu.memory_space<vmem>> -> memref<1x768xf32, #tpu.memory_space<vmem>>
      %get3A_139 = tpu.memref_squeeze %get3A_138 : memref<1x768xf32, #tpu.memory_space<vmem>> -> memref<768xf32, #tpu.memory_space<vmem>>
      %get3A_140 = arith.constant 48 : index
      %get3A_141 = tpu.vector_load %get3A_139[%get3A_140] {strides = array<i32>} : memref<768xf32, #tpu.memory_space<vmem>>, vector<16xf32>,
      %get3A_142 = vector.shape_cast %get3A_141 : vector<16xf32> to vector<16xf32>
      %mul3A_143 = vector.broadcast %squeeze3A_57 : f32 to vector<16xf32>
      %mul3A_144 = arith.mulf %mul3A_143, %get3A_142 : vector<16xf32>
      %add3A_145 = arith.addf %mul3A_136, %mul3A_144 : vector<16xf32>
      %swap3A_146 = arith.constant 0 : i32
      %swap3A_147 = tpu.memref_slice %arg12[%scan3A_50, %swap3A_146] : memref<64x768xf32, #tpu.memory_space<vmem>> -> memref<1x768xf32, #tpu.memory_space<vmem>>
      %swap3A_148 = tpu.memref_squeeze %swap3A_147 : memref<1x768xf32, #tpu.memory_space<vmem>> -> memref<768xf32, #tpu.memory_space<vmem>>
      %swap3A_149 = arith.constant 48 : index
      %swap3A_150 = tpu.vector_load %swap3A_148[%swap3A_149] {strides = array<i32>} : memref<768xf32, #tpu.memory_space<vmem>>, vector<16xf32>,
      %swap3A_151 = vector.shape_cast %swap3A_150 : vector<16xf32> to vector<16xf32>
      %swap3A_152 = vector.shape_cast %add3A_145 : vector<16xf32> to vector<16xf32>
      tpu.vector_store %swap3A_148[%swap3A_149], %swap3A_152 {strides = array<i32>} : memref<768xf32, #tpu.memory_space<vmem>>, vector<16xf32>,
      %get3A_153 = arith.constant 0 : i32
      %get3A_154 = tpu.memref_slice %arg12[%scan3A_50, %get3A_153] : memref<64x768xf32, #tpu.memory_space<vmem>> -> memref<1x768xf32, #tpu.memory_space<vmem>>
      %get3A_155 = tpu.memref_squeeze %get3A_154 : memref<1x768xf32, #tpu.memory_space<vmem>> -> memref<768xf32, #tpu.memory_space<vmem>>
      %get3A_156 = arith.constant 64 : index
      %get3A_157 = tpu.vector_load %get3A_155[%get3A_156] {strides = array<i32>} : memref<768xf32, #tpu.memory_space<vmem>>, vector<16xf32>,
      %get3A_158 = vector.shape_cast %get3A_157 : vector<16xf32> to vector<16xf32>
      %mul3A_159 = vector.broadcast %squeeze3A : f32 to vector<16xf32>
      %mul3A_160 = arith.mulf %mul3A_159, %get3A_158 : vector<16xf32>
      %get3A_161 = arith.constant 0 : i32
      %get3A_162 = tpu.memref_slice %arg13[%scan3A_50, %get3A_161] : memref<64x768xf32, #tpu.memory_space<vmem>> -> memref<1x768xf32, #tpu.memory_space<vmem>>
      %get3A_163 = tpu.memref_squeeze %get3A_162 : memref<1x768xf32, #tpu.memory_space<vmem>> -> memref<768xf32, #tpu.memory_space<vmem>>
      %get3A_164 = arith.constant 64 : index
      %get3A_165 = tpu.vector_load %get3A_163[%get3A_164] {strides = array<i32>} : memref<768xf32, #tpu.memory_space<vmem>>, vector<16xf32>,
      %get3A_166 = vector.shape_cast %get3A_165 : vector<16xf32> to vector<16xf32>
      %mul3A_167 = vector.broadcast %squeeze3A_57 : f32 to vector<16xf32>
      %mul3A_168 = arith.mulf %mul3A_167, %get3A_166 : vector<16xf32>
      %add3A_169 = arith.addf %mul3A_160, %mul3A_168 : vector<16xf32>
      %swap3A_170 = arith.constant 0 : i32
      %swap3A_171 = tpu.memref_slice %arg12[%scan3A_50, %swap3A_170] : memref<64x768xf32, #tpu.memory_space<vmem>> -> memref<1x768xf32, #tpu.memory_space<vmem>>
      %swap3A_172 = tpu.memref_squeeze %swap3A_171 : memref<1x768xf32, #tpu.memory_space<vmem>> -> memref<768xf32, #tpu.memory_space<vmem>>
      %swap3A_173 = arith.constant 64 : index
      %swap3A_174 = tpu.vector_load %swap3A_172[%swap3A_173] {strides = array<i32>} : memref<768xf32, #tpu.memory_space<vmem>>, vector<16xf32>,
      %swap3A_175 = vector.shape_cast %swap3A_174 : vector<16xf32> to vector<16xf32>
      %swap3A_176 = vector.shape_cast %add3A_169 : vector<16xf32> to vector<16xf32>
      tpu.vector_store %swap3A_172[%swap3A_173], %swap3A_176 {strides = array<i32>} : memref<768xf32, #tpu.memory_space<vmem>>, vector<16xf32>,
      %get3A_177 = arith.constant 0 : i32
      %get3A_178 = tpu.memref_slice %arg12[%scan3A_50, %get3A_177] : memref<64x768xf32, #tpu.memory_space<vmem>> -> memref<1x768xf32, #tpu.memory_space<vmem>>
      %get3A_179 = tpu.memref_squeeze %get3A_178 : memref<1x768xf32, #tpu.memory_space<vmem>> -> memref<768xf32, #tpu.memory_space<vmem>>
      %get3A_180 = arith.constant 80 : index
      %get3A_181 = tpu.vector_load %get3A_179[%get3A_180] {strides = array<i32>} : memref<768xf32, #tpu.memory_space<vmem>>, vector<16xf32>,
      %get3A_182 = vector.shape_cast %get3A_181 : vector<16xf32> to vector<16xf32>
      %mul3A_183 = vector.broadcast %squeeze3A : f32 to vector<16xf32>
      %mul3A_184 = arith.mulf %mul3A_183, %get3A_182 : vector<16xf32>
      %get3A_185 = arith.constant 0 : i32
      %get3A_186 = tpu.memref_slice %arg13[%scan3A_50, %get3A_185] : memref<64x768xf32, #tpu.memory_space<vmem>> -> memref<1x768xf32, #tpu.memory_space<vmem>>
      %get3A_187 = tpu.memref_squeeze %get3A_186 : memref<1x768xf32, #tpu.memory_space<vmem>> -> memref<768xf32, #tpu.memory_space<vmem>>
      %get3A_188 = arith.constant 80 : index
      %get3A_189 = tpu.vector_load %get3A_187[%get3A_188] {strides = array<i32>} : memref<768xf32, #tpu.memory_space<vmem>>, vector<16xf32>,
      %get3A_190 = vector.shape_cast %get3A_189 : vector<16xf32> to vector<16xf32>
      %mul3A_191 = vector.broadcast %squeeze3A_57 : f32 to vector<16xf32>
      %mul3A_192 = arith.mulf %mul3A_191, %get3A_190 : vector<16xf32>
      %add3A_193 = arith.addf %mul3A_184, %mul3A_192 : vector<16xf32>
      %swap3A_194 = arith.constant 0 : i32
      %swap3A_195 = tpu.memref_slice %arg12[%scan3A_50, %swap3A_194] : memref<64x768xf32, #tpu.memory_space<vmem>> -> memref<1x768xf32, #tpu.memory_space<vmem>>
      %swap3A_196 = tpu.memref_squeeze %swap3A_195 : memref<1x768xf32, #tpu.memory_space<vmem>> -> memref<768xf32, #tpu.memory_space<vmem>>
      %swap3A_197 = arith.constant 80 : index
      %swap3A_198 = tpu.vector_load %swap3A_196[%swap3A_197] {strides = array<i32>} : memref<768xf32, #tpu.memory_space<vmem>>, vector<16xf32>,
      %swap3A_199 = vector.shape_cast %swap3A_198 : vector<16xf32> to vector<16xf32>
      %swap3A_200 = vector.shape_cast %add3A_193 : vector<16xf32> to vector<16xf32>
      tpu.vector_store %swap3A_196[%swap3A_197], %swap3A_200 {strides = array<i32>} : memref<768xf32, #tpu.memory_space<vmem>>, vector<16xf32>,
      %get3A_201 = arith.constant 0 : i32
      %get3A_202 = tpu.memref_slice %arg12[%scan3A_50, %get3A_201] : memref<64x768xf32, #tpu.memory_space<vmem>> -> memref<1x768xf32, #tpu.memory_space<vmem>>
      %get3A_203 = tpu.memref_squeeze %get3A_202 : memref<1x768xf32, #tpu.memory_space<vmem>> -> memref<768xf32, #tpu.memory_space<vmem>>
      %get3A_204 = arith.constant 96 : index
      %get3A_205 = tpu.vector_load %get3A_203[%get3A_204] {strides = array<i32>} : memref<768xf32, #tpu.memory_space<vmem>>, vector<16xf32>,
      %get3A_206 = vector.shape_cast %get3A_205 : vector<16xf32> to vector<16xf32>
      %mul3A_207 = vector.broadcast %squeeze3A : f32 to vector<16xf32>
      %mul3A_208 = arith.mulf %mul3A_207, %get3A_206 : vector<16xf32>
      %get3A_209 = arith.constant 0 : i32
      %get3A_210 = tpu.memref_slice %arg13[%scan3A_50, %get3A_209] : memref<64x768xf32, #tpu.memory_space<vmem>> -> memref<1x768xf32, #tpu.memory_space<vmem>>
      %get3A_211 = tpu.memref_squeeze %get3A_210 : memref<1x768xf32, #tpu.memory_space<vmem>> -> memref<768xf32, #tpu.memory_space<vmem>>
      %get3A_212 = arith.constant 96 : index
      %get3A_213 = tpu.vector_load %get3A_211[%get3A_212] {strides = array<i32>} : memref<768xf32, #tpu.memory_space<vmem>>, vector<16xf32>,
      %get3A_214 = vector.shape_cast %get3A_213 : vector<16xf32> to vector<16xf32>
      %mul3A_215 = vector.broadcast %squeeze3A_57 : f32 to vector<16xf32>
      %mul3A_216 = arith.mulf %mul3A_215, %get3A_214 : vector<16xf32>
      %add3A_217 = arith.addf %mul3A_208, %mul3A_216 : vector<16xf32>
      %swap3A_218 = arith.constant 0 : i32
      %swap3A_219 = tpu.memref_slice %arg12[%scan3A_50, %swap3A_218] : memref<64x768xf32, #tpu.memory_space<vmem>> -> memref<1x768xf32, #tpu.memory_space<vmem>>
      %swap3A_220 = tpu.memref_squeeze %swap3A_219 : memref<1x768xf32, #tpu.memory_space<vmem>> -> memref<768xf32, #tpu.memory_space<vmem>>
      %swap3A_221 = arith.constant 96 : index
      %swap3A_222 = tpu.vector_load %swap3A_220[%swap3A_221] {strides = array<i32>} : memref<768xf32, #tpu.memory_space<vmem>>, vector<16xf32>,
      %swap3A_223 = vector.shape_cast %swap3A_222 : vector<16xf32> to vector<16xf32>
      %swap3A_224 = vector.shape_cast %add3A_217 : vector<16xf32> to vector<16xf32>
      tpu.vector_store %swap3A_220[%swap3A_221], %swap3A_224 {strides = array<i32>} : memref<768xf32, #tpu.memory_space<vmem>>, vector<16xf32>,
      %get3A_225 = arith.constant 0 : i32
      %get3A_226 = tpu.memref_slice %arg12[%scan3A_50, %get3A_225] : memref<64x768xf32, #tpu.memory_space<vmem>> -> memref<1x768xf32, #tpu.memory_space<vmem>>
      %get3A_227 = tpu.memref_squeeze %get3A_226 : memref<1x768xf32, #tpu.memory_space<vmem>> -> memref<768xf32, #tpu.memory_space<vmem>>
      %get3A_228 = arith.constant 112 : index
      %get3A_229 = tpu.vector_load %get3A_227[%get3A_228] {strides = array<i32>} : memref<768xf32, #tpu.memory_space<vmem>>, vector<16xf32>,
      %get3A_230 = vector.shape_cast %get3A_229 : vector<16xf32> to vector<16xf32>
      %mul3A_231 = vector.broadcast %squeeze3A : f32 to vector<16xf32>
      %mul3A_232 = arith.mulf %mul3A_231, %get3A_230 : vector<16xf32>
      %get3A_233 = arith.constant 0 : i32
      %get3A_234 = tpu.memref_slice %arg13[%scan3A_50, %get3A_233] : memref<64x768xf32, #tpu.memory_space<vmem>> -> memref<1x768xf32, #tpu.memory_space<vmem>>
      %get3A_235 = tpu.memref_squeeze %get3A_234 : memref<1x768xf32, #tpu.memory_space<vmem>> -> memref<768xf32, #tpu.memory_space<vmem>>
      %get3A_236 = arith.constant 112 : index
      %get3A_237 = tpu.vector_load %get3A_235[%get3A_236] {strides = array<i32>} : memref<768xf32, #tpu.memory_space<vmem>>, vector<16xf32>,
      %get3A_238 = vector.shape_cast %get3A_237 : vector<16xf32> to vector<16xf32>
      %mul3A_239 = vector.broadcast %squeeze3A_57 : f32 to vector<16xf32>
      %mul3A_240 = arith.mulf %mul3A_239, %get3A_238 : vector<16xf32>
      %add3A_241 = arith.addf %mul3A_232, %mul3A_240 : vector<16xf32>
      %swap3A_242 = arith.constant 0 : i32
      %swap3A_243 = tpu.memref_slice %arg12[%scan3A_50, %swap3A_242] : memref<64x768xf32, #tpu.memory_space<vmem>> -> memref<1x768xf32, #tpu.memory_space<vmem>>
      %swap3A_244 = tpu.memref_squeeze %swap3A_243 : memref<1x768xf32, #tpu.memory_space<vmem>> -> memref<768xf32, #tpu.memory_space<vmem>>
      %swap3A_245 = arith.constant 112 : index
      %swap3A_246 = tpu.vector_load %swap3A_244[%swap3A_245] {strides = array<i32>} : memref<768xf32, #tpu.memory_space<vmem>>, vector<16xf32>,
      %swap3A_247 = vector.shape_cast %swap3A_246 : vector<16xf32> to vector<16xf32>
      %swap3A_248 = vector.shape_cast %add3A_241 : vector<16xf32> to vector<16xf32>
      tpu.vector_store %swap3A_244[%swap3A_245], %swap3A_248 {strides = array<i32>} : memref<768xf32, #tpu.memory_space<vmem>>, vector<16xf32>,
      %get3A_249 = arith.constant 0 : i32
      %get3A_250 = tpu.memref_slice %arg12[%scan3A_50, %get3A_249] : memref<64x768xf32, #tpu.memory_space<vmem>> -> memref<1x768xf32, #tpu.memory_space<vmem>>
      %get3A_251 = tpu.memref_squeeze %get3A_250 : memref<1x768xf32, #tpu.memory_space<vmem>> -> memref<768xf32, #tpu.memory_space<vmem>>
      %get3A_252 = arith.constant 128 : index
      %get3A_253 = tpu.vector_load %get3A_251[%get3A_252] {strides = array<i32>} : memref<768xf32, #tpu.memory_space<vmem>>, vector<16xf32>,
      %get3A_254 = vector.shape_cast %get3A_253 : vector<16xf32> to vector<16xf32>
      %mul3A_255 = vector.broadcast %squeeze3A : f32 to vector<16xf32>
      %mul3A_256 = arith.mulf %mul3A_255, %get3A_254 : vector<16xf32>
      %get3A_257 = arith.constant 0 : i32
      %get3A_258 = tpu.memref_slice %arg13[%scan3A_50, %get3A_257] : memref<64x768xf32, #tpu.memory_space<vmem>> -> memref<1x768xf32, #tpu.memory_space<vmem>>
      %get3A_259 = tpu.memref_squeeze %get3A_258 : memref<1x768xf32, #tpu.memory_space<vmem>> -> memref<768xf32, #tpu.memory_space<vmem>>
      %get3A_260 = arith.constant 128 : index
      %get3A_261 = tpu.vector_load %get3A_259[%get3A_260] {strides = array<i32>} : memref<768xf32, #tpu.memory_space<vmem>>, vector<16xf32>,
      %get3A_262 = vector.shape_cast %get3A_261 : vector<16xf32> to vector<16xf32>
      %mul3A_263 = vector.broadcast %squeeze3A_57 : f32 to vector<16xf32>
      %mul3A_264 = arith.mulf %mul3A_263, %get3A_262 : vector<16xf32>
      %add3A_265 = arith.addf %mul3A_256, %mul3A_264 : vector<16xf32>
      %swap3A_266 = arith.constant 0 : i32
      %swap3A_267 = tpu.memref_slice %arg12[%scan3A_50, %swap3A_266] : memref<64x768xf32, #tpu.memory_space<vmem>> -> memref<1x768xf32, #tpu.memory_space<vmem>>
      %swap3A_268 = tpu.memref_squeeze %swap3A_267 : memref<1x768xf32, #tpu.memory_space<vmem>> -> memref<768xf32, #tpu.memory_space<vmem>>
      %swap3A_269 = arith.constant 128 : index
      %swap3A_270 = tpu.vector_load %swap3A_268[%swap3A_269] {strides = array<i32>} : memref<768xf32, #tpu.memory_space<vmem>>, vector<16xf32>,
      %swap3A_271 = vector.shape_cast %swap3A_270 : vector<16xf32> to vector<16xf32>
      %swap3A_272 = vector.shape_cast %add3A_265 : vector<16xf32> to vector<16xf32>
      tpu.vector_store %swap3A_268[%swap3A_269], %swap3A_272 {strides = array<i32>} : memref<768xf32, #tpu.memory_space<vmem>>, vector<16xf32>,
      %get3A_273 = arith.constant 0 : i32
      %get3A_274 = tpu.memref_slice %arg12[%scan3A_50, %get3A_273] : memref<64x768xf32, #tpu.memory_space<vmem>> -> memref<1x768xf32, #tpu.memory_space<vmem>>
      %get3A_275 = tpu.memref_squeeze %get3A_274 : memref<1x768xf32, #tpu.memory_space<vmem>> -> memref<768xf32, #tpu.memory_space<vmem>>
      %get3A_276 = arith.constant 144 : index
      %get3A_277 = tpu.vector_load %get3A_275[%get3A_276] {strides = array<i32>} : memref<768xf32, #tpu.memory_space<vmem>>, vector<16xf32>,
      %get3A_278 = vector.shape_cast %get3A_277 : vector<16xf32> to vector<16xf32>
      %mul3A_279 = vector.broadcast %squeeze3A : f32 to vector<16xf32>
      %mul3A_280 = arith.mulf %mul3A_279, %get3A_278 : vector<16xf32>
      %get3A_281 = arith.constant 0 : i32
      %get3A_282 = tpu.memref_slice %arg13[%scan3A_50, %get3A_281] : memref<64x768xf32, #tpu.memory_space<vmem>> -> memref<1x768xf32, #tpu.memory_space<vmem>>
      %get3A_283 = tpu.memref_squeeze %get3A_282 : memref<1x768xf32, #tpu.memory_space<vmem>> -> memref<768xf32, #tpu.memory_space<vmem>>
      %get3A_284 = arith.constant 144 : index
      %get3A_285 = tpu.vector_load %get3A_283[%get3A_284] {strides = array<i32>} : memref<768xf32, #tpu.memory_space<vmem>>, vector<16xf32>,
      %get3A_286 = vector.shape_cast %get3A_285 : vector<16xf32> to vector<16xf32>
      %mul3A_287 = vector.broadcast %squeeze3A_57 : f32 to vector<16xf32>
      %mul3A_288 = arith.mulf %mul3A_287, %get3A_286 : vector<16xf32>
      %add3A_289 = arith.addf %mul3A_280, %mul3A_288 : vector<16xf32>
      %swap3A_290 = arith.constant 0 : i32
      %swap3A_291 = tpu.memref_slice %arg12[%scan3A_50, %swap3A_290] : memref<64x768xf32, #tpu.memory_space<vmem>> -> memref<1x768xf32, #tpu.memory_space<vmem>>
      %swap3A_292 = tpu.memref_squeeze %swap3A_291 : memref<1x768xf32, #tpu.memory_space<vmem>> -> memref<768xf32, #tpu.memory_space<vmem>>
      %swap3A_293 = arith.constant 144 : index
      %swap3A_294 = tpu.vector_load %swap3A_292[%swap3A_293] {strides = array<i32>} : memref<768xf32, #tpu.memory_space<vmem>>, vector<16xf32>,
      %swap3A_295 = vector.shape_cast %swap3A_294 : vector<16xf32> to vector<16xf32>
      %swap3A_296 = vector.shape_cast %add3A_289 : vector<16xf32> to vector<16xf32>
      tpu.vector_store %swap3A_292[%swap3A_293], %swap3A_296 {strides = array<i32>} : memref<768xf32, #tpu.memory_space<vmem>>, vector<16xf32>,
      %get3A_297 = arith.constant 0 : i32
      %get3A_298 = tpu.memref_slice %arg12[%scan3A_50, %get3A_297] : memref<64x768xf32, #tpu.memory_space<vmem>> -> memref<1x768xf32, #tpu.memory_space<vmem>>
      %get3A_299 = tpu.memref_squeeze %get3A_298 : memref<1x768xf32, #tpu.memory_space<vmem>> -> memref<768xf32, #tpu.memory_space<vmem>>
      %get3A_300 = arith.constant 160 : index
      %get3A_301 = tpu.vector_load %get3A_299[%get3A_300] {strides = array<i32>} : memref<768xf32, #tpu.memory_space<vmem>>, vector<16xf32>,
      %get3A_302 = vector.shape_cast %get3A_301 : vector<16xf32> to vector<16xf32>
      %mul3A_303 = vector.broadcast %squeeze3A : f32 to vector<16xf32>
      %mul3A_304 = arith.mulf %mul3A_303, %get3A_302 : vector<16xf32>
      %get3A_305 = arith.constant 0 : i32
      %get3A_306 = tpu.memref_slice %arg13[%scan3A_50, %get3A_305] : memref<64x768xf32, #tpu.memory_space<vmem>> -> memref<1x768xf32, #tpu.memory_space<vmem>>
      %get3A_307 = tpu.memref_squeeze %get3A_306 : memref<1x768xf32, #tpu.memory_space<vmem>> -> memref<768xf32, #tpu.memory_space<vmem>>
      %get3A_308 = arith.constant 160 : index
      %get3A_309 = tpu.vector_load %get3A_307[%get3A_308] {strides = array<i32>} : memref<768xf32, #tpu.memory_space<vmem>>, vector<16xf32>,
      %get3A_310 = vector.shape_cast %get3A_309 : vector<16xf32> to vector<16xf32>
      %mul3A_311 = vector.broadcast %squeeze3A_57 : f32 to vector<16xf32>
      %mul3A_312 = arith.mulf %mul3A_311, %get3A_310 : vector<16xf32>
      %add3A_313 = arith.addf %mul3A_304, %mul3A_312 : vector<16xf32>
      %swap3A_314 = arith.constant 0 : i32
      %swap3A_315 = tpu.memref_slice %arg12[%scan3A_50, %swap3A_314] : memref<64x768xf32, #tpu.memory_space<vmem>> -> memref<1x768xf32, #tpu.memory_space<vmem>>
      %swap3A_316 = tpu.memref_squeeze %swap3A_315 : memref<1x768xf32, #tpu.memory_space<vmem>> -> memref<768xf32, #tpu.memory_space<vmem>>
      %swap3A_317 = arith.constant 160 : index
      %swap3A_318 = tpu.vector_load %swap3A_316[%swap3A_317] {strides = array<i32>} : memref<768xf32, #tpu.memory_space<vmem>>, vector<16xf32>,
      %swap3A_319 = vector.shape_cast %swap3A_318 : vector<16xf32> to vector<16xf32>
      %swap3A_320 = vector.shape_cast %add3A_313 : vector<16xf32> to vector<16xf32>
      tpu.vector_store %swap3A_316[%swap3A_317], %swap3A_320 {strides = array<i32>} : memref<768xf32, #tpu.memory_space<vmem>>, vector<16xf32>,
      %get3A_321 = arith.constant 0 : i32
      %get3A_322 = tpu.memref_slice %arg12[%scan3A_50, %get3A_321] : memref<64x768xf32, #tpu.memory_space<vmem>> -> memref<1x768xf32, #tpu.memory_space<vmem>>
      %get3A_323 = tpu.memref_squeeze %get3A_322 : memref<1x768xf32, #tpu.memory_space<vmem>> -> memref<768xf32, #tpu.memory_space<vmem>>
      %get3A_324 = arith.constant 176 : index
      %get3A_325 = tpu.vector_load %get3A_323[%get3A_324] {strides = array<i32>} : memref<768xf32, #tpu.memory_space<vmem>>, vector<16xf32>,
      %get3A_326 = vector.shape_cast %get3A_325 : vector<16xf32> to vector<16xf32>
      %mul3A_327 = vector.broadcast %squeeze3A : f32 to vector<16xf32>
      %mul3A_328 = arith.mulf %mul3A_327, %get3A_326 : vector<16xf32>
      %get3A_329 = arith.constant 0 : i32
      %get3A_330 = tpu.memref_slice %arg13[%scan3A_50, %get3A_329] : memref<64x768xf32, #tpu.memory_space<vmem>> -> memref<1x768xf32, #tpu.memory_space<vmem>>
      %get3A_331 = tpu.memref_squeeze %get3A_330 : memref<1x768xf32, #tpu.memory_space<vmem>> -> memref<768xf32, #tpu.memory_space<vmem>>
      %get3A_332 = arith.constant 176 : index
      %get3A_333 = tpu.vector_load %get3A_331[%get3A_332] {strides = array<i32>} : memref<768xf32, #tpu.memory_space<vmem>>, vector<16xf32>,
      %get3A_334 = vector.shape_cast %get3A_333 : vector<16xf32> to vector<16xf32>
      %mul3A_335 = vector.broadcast %squeeze3A_57 : f32 to vector<16xf32>
      %mul3A_336 = arith.mulf %mul3A_335, %get3A_334 : vector<16xf32>
      %add3A_337 = arith.addf %mul3A_328, %mul3A_336 : vector<16xf32>
      %swap3A_338 = arith.constant 0 : i32
      %swap3A_339 = tpu.memref_slice %arg12[%scan3A_50, %swap3A_338] : memref<64x768xf32, #tpu.memory_space<vmem>> -> memref<1x768xf32, #tpu.memory_space<vmem>>
      %swap3A_340 = tpu.memref_squeeze %swap3A_339 : memref<1x768xf32, #tpu.memory_space<vmem>> -> memref<768xf32, #tpu.memory_space<vmem>>
      %swap3A_341 = arith.constant 176 : index
      %swap3A_342 = tpu.vector_load %swap3A_340[%swap3A_341] {strides = array<i32>} : memref<768xf32, #tpu.memory_space<vmem>>, vector<16xf32>,
      %swap3A_343 = vector.shape_cast %swap3A_342 : vector<16xf32> to vector<16xf32>
      %swap3A_344 = vector.shape_cast %add3A_337 : vector<16xf32> to vector<16xf32>
      tpu.vector_store %swap3A_340[%swap3A_341], %swap3A_344 {strides = array<i32>} : memref<768xf32, #tpu.memory_space<vmem>>, vector<16xf32>,
      %get3A_345 = arith.constant 0 : i32
      %get3A_346 = tpu.memref_slice %arg12[%scan3A_50, %get3A_345] : memref<64x768xf32, #tpu.memory_space<vmem>> -> memref<1x768xf32, #tpu.memory_space<vmem>>
      %get3A_347 = tpu.memref_squeeze %get3A_346 : memref<1x768xf32, #tpu.memory_space<vmem>> -> memref<768xf32, #tpu.memory_space<vmem>>
      %get3A_348 = arith.constant 192 : index
      %get3A_349 = tpu.vector_load %get3A_347[%get3A_348] {strides = array<i32>} : memref<768xf32, #tpu.memory_space<vmem>>, vector<16xf32>,
      %get3A_350 = vector.shape_cast %get3A_349 : vector<16xf32> to vector<16xf32>
      %mul3A_351 = vector.broadcast %squeeze3A : f32 to vector<16xf32>
      %mul3A_352 = arith.mulf %mul3A_351, %get3A_350 : vector<16xf32>
      %get3A_353 = arith.constant 0 : i32
      %get3A_354 = tpu.memref_slice %arg13[%scan3A_50, %get3A_353] : memref<64x768xf32, #tpu.memory_space<vmem>> -> memref<1x768xf32, #tpu.memory_space<vmem>>
      %get3A_355 = tpu.memref_squeeze %get3A_354 : memref<1x768xf32, #tpu.memory_space<vmem>> -> memref<768xf32, #tpu.memory_space<vmem>>
      %get3A_356 = arith.constant 192 : index
      %get3A_357 = tpu.vector_load %get3A_355[%get3A_356] {strides = array<i32>} : memref<768xf32, #tpu.memory_space<vmem>>, vector<16xf32>,
      %get3A_358 = vector.shape_cast %get3A_357 : vector<16xf32> to vector<16xf32>
      %mul3A_359 = vector.broadcast %squeeze3A_57 : f32 to vector<16xf32>
      %mul3A_360 = arith.mulf %mul3A_359, %get3A_358 : vector<16xf32>
      %add3A_361 = arith.addf %mul3A_352, %mul3A_360 : vector<16xf32>
      %swap3A_362 = arith.constant 0 : i32
      %swap3A_363 = tpu.memref_slice %arg12[%scan3A_50, %swap3A_362] : memref<64x768xf32, #tpu.memory_space<vmem>> -> memref<1x768xf32, #tpu.memory_space<vmem>>
      %swap3A_364 = tpu.memref_squeeze %swap3A_363 : memref<1x768xf32, #tpu.memory_space<vmem>> -> memref<768xf32, #tpu.memory_space<vmem>>
      %swap3A_365 = arith.constant 192 : index
      %swap3A_366 = tpu.vector_load %swap3A_364[%swap3A_365] {strides = array<i32>} : memref<768xf32, #tpu.memory_space<vmem>>, vector<16xf32>,
      %swap3A_367 = vector.shape_cast %swap3A_366 : vector<16xf32> to vector<16xf32>
      %swap3A_368 = vector.shape_cast %add3A_361 : vector<16xf32> to vector<16xf32>
      tpu.vector_store %swap3A_364[%swap3A_365], %swap3A_368 {strides = array<i32>} : memref<768xf32, #tpu.memory_space<vmem>>, vector<16xf32>,
      %get3A_369 = arith.constant 0 : i32
      %get3A_370 = tpu.memref_slice %arg12[%scan3A_50, %get3A_369] : memref<64x768xf32, #tpu.memory_space<vmem>> -> memref<1x768xf32, #tpu.memory_space<vmem>>
      %get3A_371 = tpu.memref_squeeze %get3A_370 : memref<1x768xf32, #tpu.memory_space<vmem>> -> memref<768xf32, #tpu.memory_space<vmem>>
      %get3A_372 = arith.constant 208 : index
      %get3A_373 = tpu.vector_load %get3A_371[%get3A_372] {strides = array<i32>} : memref<768xf32, #tpu.memory_space<vmem>>, vector<16xf32>,
      %get3A_374 = vector.shape_cast %get3A_373 : vector<16xf32> to vector<16xf32>
      %mul3A_375 = vector.broadcast %squeeze3A : f32 to vector<16xf32>
      %mul3A_376 = arith.mulf %mul3A_375, %get3A_374 : vector<16xf32>
      %get3A_377 = arith.constant 0 : i32
      %get3A_378 = tpu.memref_slice %arg13[%scan3A_50, %get3A_377] : memref<64x768xf32, #tpu.memory_space<vmem>> -> memref<1x768xf32, #tpu.memory_space<vmem>>
      %get3A_379 = tpu.memref_squeeze %get3A_378 : memref<1x768xf32, #tpu.memory_space<vmem>> -> memref<768xf32, #tpu.memory_space<vmem>>
      %get3A_380 = arith.constant 208 : index
      %get3A_381 = tpu.vector_load %get3A_379[%get3A_380] {strides = array<i32>} : memref<768xf32, #tpu.memory_space<vmem>>, vector<16xf32>,
      %get3A_382 = vector.shape_cast %get3A_381 : vector<16xf32> to vector<16xf32>
      %mul3A_383 = vector.broadcast %squeeze3A_57 : f32 to vector<16xf32>
      %mul3A_384 = arith.mulf %mul3A_383, %get3A_382 : vector<16xf32>
      %add3A_385 = arith.addf %mul3A_376, %mul3A_384 : vector<16xf32>
      %swap3A_386 = arith.constant 0 : i32
      %swap3A_387 = tpu.memref_slice %arg12[%scan3A_50, %swap3A_386] : memref<64x768xf32, #tpu.memory_space<vmem>> -> memref<1x768xf32, #tpu.memory_space<vmem>>
      %swap3A_388 = tpu.memref_squeeze %swap3A_387 : memref<1x768xf32, #tpu.memory_space<vmem>> -> memref<768xf32, #tpu.memory_space<vmem>>
      %swap3A_389 = arith.constant 208 : index
      %swap3A_390 = tpu.vector_load %swap3A_388[%swap3A_389] {strides = array<i32>} : memref<768xf32, #tpu.memory_space<vmem>>, vector<16xf32>,
      %swap3A_391 = vector.shape_cast %swap3A_390 : vector<16xf32> to vector<16xf32>
      %swap3A_392 = vector.shape_cast %add3A_385 : vector<16xf32> to vector<16xf32>
      tpu.vector_store %swap3A_388[%swap3A_389], %swap3A_392 {strides = array<i32>} : memref<768xf32, #tpu.memory_space<vmem>>, vector<16xf32>,
      %get3A_393 = arith.constant 0 : i32
      %get3A_394 = tpu.memref_slice %arg12[%scan3A_50, %get3A_393] : memref<64x768xf32, #tpu.memory_space<vmem>> -> memref<1x768xf32, #tpu.memory_space<vmem>>
      %get3A_395 = tpu.memref_squeeze %get3A_394 : memref<1x768xf32, #tpu.memory_space<vmem>> -> memref<768xf32, #tpu.memory_space<vmem>>
      %get3A_396 = arith.constant 224 : index
      %get3A_397 = tpu.vector_load %get3A_395[%get3A_396] {strides = array<i32>} : memref<768xf32, #tpu.memory_space<vmem>>, vector<16xf32>,
      %get3A_398 = vector.shape_cast %get3A_397 : vector<16xf32> to vector<16xf32>
      %mul3A_399 = vector.broadcast %squeeze3A : f32 to vector<16xf32>
      %mul3A_400 = arith.mulf %mul3A_399, %get3A_398 : vector<16xf32>
      %get3A_401 = arith.constant 0 : i32
      %get3A_402 = tpu.memref_slice %arg13[%scan3A_50, %get3A_401] : memref<64x768xf32, #tpu.memory_space<vmem>> -> memref<1x768xf32, #tpu.memory_space<vmem>>
      %get3A_403 = tpu.memref_squeeze %get3A_402 : memref<1x768xf32, #tpu.memory_space<vmem>> -> memref<768xf32, #tpu.memory_space<vmem>>
      %get3A_404 = arith.constant 224 : index
      %get3A_405 = tpu.vector_load %get3A_403[%get3A_404] {strides = array<i32>} : memref<768xf32, #tpu.memory_space<vmem>>, vector<16xf32>,
      %get3A_406 = vector.shape_cast %get3A_405 : vector<16xf32> to vector<16xf32>
      %mul3A_407 = vector.broadcast %squeeze3A_57 : f32 to vector<16xf32>
      %mul3A_408 = arith.mulf %mul3A_407, %get3A_406 : vector<16xf32>
      %add3A_409 = arith.addf %mul3A_400, %mul3A_408 : vector<16xf32>
      %swap3A_410 = arith.constant 0 : i32
      %swap3A_411 = tpu.memref_slice %arg12[%scan3A_50, %swap3A_410] : memref<64x768xf32, #tpu.memory_space<vmem>> -> memref<1x768xf32, #tpu.memory_space<vmem>>
      %swap3A_412 = tpu.memref_squeeze %swap3A_411 : memref<1x768xf32, #tpu.memory_space<vmem>> -> memref<768xf32, #tpu.memory_space<vmem>>
      %swap3A_413 = arith.constant 224 : index
      %swap3A_414 = tpu.vector_load %swap3A_412[%swap3A_413] {strides = array<i32>} : memref<768xf32, #tpu.memory_space<vmem>>, vector<16xf32>,
      %swap3A_415 = vector.shape_cast %swap3A_414 : vector<16xf32> to vector<16xf32>
      %swap3A_416 = vector.shape_cast %add3A_409 : vector<16xf32> to vector<16xf32>
      tpu.vector_store %swap3A_412[%swap3A_413], %swap3A_416 {strides = array<i32>} : memref<768xf32, #tpu.memory_space<vmem>>, vector<16xf32>,
      %get3A_417 = arith.constant 0 : i32
      %get3A_418 = tpu.memref_slice %arg12[%scan3A_50, %get3A_417] : memref<64x768xf32, #tpu.memory_space<vmem>> -> memref<1x768xf32, #tpu.memory_space<vmem>>
      %get3A_419 = tpu.memref_squeeze %get3A_418 : memref<1x768xf32, #tpu.memory_space<vmem>> -> memref<768xf32, #tpu.memory_space<vmem>>
      %get3A_420 = arith.constant 240 : index
      %get3A_421 = tpu.vector_load %get3A_419[%get3A_420] {strides = array<i32>} : memref<768xf32, #tpu.memory_space<vmem>>, vector<16xf32>,
      %get3A_422 = vector.shape_cast %get3A_421 : vector<16xf32> to vector<16xf32>
      %mul3A_423 = vector.broadcast %squeeze3A : f32 to vector<16xf32>
      %mul3A_424 = arith.mulf %mul3A_423, %get3A_422 : vector<16xf32>
      %get3A_425 = arith.constant 0 : i32
      %get3A_426 = tpu.memref_slice %arg13[%scan3A_50, %get3A_425] : memref<64x768xf32, #tpu.memory_space<vmem>> -> memref<1x768xf32, #tpu.memory_space<vmem>>
      %get3A_427 = tpu.memref_squeeze %get3A_426 : memref<1x768xf32, #tpu.memory_space<vmem>> -> memref<768xf32, #tpu.memory_space<vmem>>
      %get3A_428 = arith.constant 240 : index
      %get3A_429 = tpu.vector_load %get3A_427[%get3A_428] {strides = array<i32>} : memref<768xf32, #tpu.memory_space<vmem>>, vector<16xf32>,
      %get3A_430 = vector.shape_cast %get3A_429 : vector<16xf32> to vector<16xf32>
      %mul3A_431 = vector.broadcast %squeeze3A_57 : f32 to vector<16xf32>
      %mul3A_432 = arith.mulf %mul3A_431, %get3A_430 : vector<16xf32>
      %add3A_433 = arith.addf %mul3A_424, %mul3A_432 : vector<16xf32>
      %swap3A_434 = arith.constant 0 : i32
      %swap3A_435 = tpu.memref_slice %arg12[%scan3A_50, %swap3A_434] : memref<64x768xf32, #tpu.memory_space<vmem>> -> memref<1x768xf32, #tpu.memory_space<vmem>>
      %swap3A_436 = tpu.memref_squeeze %swap3A_435 : memref<1x768xf32, #tpu.memory_space<vmem>> -> memref<768xf32, #tpu.memory_space<vmem>>
      %swap3A_437 = arith.constant 240 : index
      %swap3A_438 = tpu.vector_load %swap3A_436[%swap3A_437] {strides = array<i32>} : memref<768xf32, #tpu.memory_space<vmem>>, vector<16xf32>,
      %swap3A_439 = vector.shape_cast %swap3A_438 : vector<16xf32> to vector<16xf32>
      %swap3A_440 = vector.shape_cast %add3A_433 : vector<16xf32> to vector<16xf32>
      tpu.vector_store %swap3A_436[%swap3A_437], %swap3A_440 {strides = array<i32>} : memref<768xf32, #tpu.memory_space<vmem>>, vector<16xf32>,
      %get3A_441 = arith.constant 0 : i32
      %get3A_442 = tpu.memref_slice %arg12[%scan3A_50, %get3A_441] : memref<64x768xf32, #tpu.memory_space<vmem>> -> memref<1x768xf32, #tpu.memory_space<vmem>>
      %get3A_443 = tpu.memref_squeeze %get3A_442 : memref<1x768xf32, #tpu.memory_space<vmem>> -> memref<768xf32, #tpu.memory_space<vmem>>
      %get3A_444 = arith.constant 256 : index
      %get3A_445 = tpu.vector_load %get3A_443[%get3A_444] {strides = array<i32>} : memref<768xf32, #tpu.memory_space<vmem>>, vector<16xf32>,
      %get3A_446 = vector.shape_cast %get3A_445 : vector<16xf32> to vector<16xf32>
      %mul3A_447 = vector.broadcast %squeeze3A : f32 to vector<16xf32>
      %mul3A_448 = arith.mulf %mul3A_447, %get3A_446 : vector<16xf32>
      %get3A_449 = arith.constant 0 : i32
      %get3A_450 = tpu.memref_slice %arg13[%scan3A_50, %get3A_449] : memref<64x768xf32, #tpu.memory_space<vmem>> -> memref<1x768xf32, #tpu.memory_space<vmem>>
      %get3A_451 = tpu.memref_squeeze %get3A_450 : memref<1x768xf32, #tpu.memory_space<vmem>> -> memref<768xf32, #tpu.memory_space<vmem>>
      %get3A_452 = arith.constant 256 : index
      %get3A_453 = tpu.vector_load %get3A_451[%get3A_452] {strides = array<i32>} : memref<768xf32, #tpu.memory_space<vmem>>, vector<16xf32>,
      %get3A_454 = vector.shape_cast %get3A_453 : vector<16xf32> to vector<16xf32>
      %mul3A_455 = vector.broadcast %squeeze3A_57 : f32 to vector<16xf32>
      %mul3A_456 = arith.mulf %mul3A_455, %get3A_454 : vector<16xf32>
      %add3A_457 = arith.addf %mul3A_448, %mul3A_456 : vector<16xf32>
      %swap3A_458 = arith.constant 0 : i32
      %swap3A_459 = tpu.memref_slice %arg12[%scan3A_50, %swap3A_458] : memref<64x768xf32, #tpu.memory_space<vmem>> -> memref<1x768xf32, #tpu.memory_space<vmem>>
      %swap3A_460 = tpu.memref_squeeze %swap3A_459 : memref<1x768xf32, #tpu.memory_space<vmem>> -> memref<768xf32, #tpu.memory_space<vmem>>
      %swap3A_461 = arith.constant 256 : index
      %swap3A_462 = tpu.vector_load %swap3A_460[%swap3A_461] {strides = array<i32>} : memref<768xf32, #tpu.memory_space<vmem>>, vector<16xf32>,
      %swap3A_463 = vector.shape_cast %swap3A_462 : vector<16xf32> to vector<16xf32>
      %swap3A_464 = vector.shape_cast %add3A_457 : vector<16xf32> to vector<16xf32>
      tpu.vector_store %swap3A_460[%swap3A_461], %swap3A_464 {strides = array<i32>} : memref<768xf32, #tpu.memory_space<vmem>>, vector<16xf32>,
      %get3A_465 = arith.constant 0 : i32
      %get3A_466 = tpu.memref_slice %arg12[%scan3A_50, %get3A_465] : memref<64x768xf32, #tpu.memory_space<vmem>> -> memref<1x768xf32, #tpu.memory_space<vmem>>
      %get3A_467 = tpu.memref_squeeze %get3A_466 : memref<1x768xf32, #tpu.memory_space<vmem>> -> memref<768xf32, #tpu.memory_space<vmem>>
      %get3A_468 = arith.constant 272 : index
      %get3A_469 = tpu.vector_load %get3A_467[%get3A_468] {strides = array<i32>} : memref<768xf32, #tpu.memory_space<vmem>>, vector<16xf32>,
      %get3A_470 = vector.shape_cast %get3A_469 : vector<16xf32> to vector<16xf32>
      %mul3A_471 = vector.broadcast %squeeze3A : f32 to vector<16xf32>
      %mul3A_472 = arith.mulf %mul3A_471, %get3A_470 : vector<16xf32>
      %get3A_473 = arith.constant 0 : i32
      %get3A_474 = tpu.memref_slice %arg13[%scan3A_50, %get3A_473] : memref<64x768xf32, #tpu.memory_space<vmem>> -> memref<1x768xf32, #tpu.memory_space<vmem>>
      %get3A_475 = tpu.memref_squeeze %get3A_474 : memref<1x768xf32, #tpu.memory_space<vmem>> -> memref<768xf32, #tpu.memory_space<vmem>>
      %get3A_476 = arith.constant 272 : index
      %get3A_477 = tpu.vector_load %get3A_475[%get3A_476] {strides = array<i32>} : memref<768xf32, #tpu.memory_space<vmem>>, vector<16xf32>,
      %get3A_478 = vector.shape_cast %get3A_477 : vector<16xf32> to vector<16xf32>
      %mul3A_479 = vector.broadcast %squeeze3A_57 : f32 to vector<16xf32>
      %mul3A_480 = arith.mulf %mul3A_479, %get3A_478 : vector<16xf32>
      %add3A_481 = arith.addf %mul3A_472, %mul3A_480 : vector<16xf32>
      %swap3A_482 = arith.constant 0 : i32
      %swap3A_483 = tpu.memref_slice %arg12[%scan3A_50, %swap3A_482] : memref<64x768xf32, #tpu.memory_space<vmem>> -> memref<1x768xf32, #tpu.memory_space<vmem>>
      %swap3A_484 = tpu.memref_squeeze %swap3A_483 : memref<1x768xf32, #tpu.memory_space<vmem>> -> memref<768xf32, #tpu.memory_space<vmem>>
      %swap3A_485 = arith.constant 272 : index
      %swap3A_486 = tpu.vector_load %swap3A_484[%swap3A_485] {strides = array<i32>} : memref<768xf32, #tpu.memory_space<vmem>>, vector<16xf32>,
      %swap3A_487 = vector.shape_cast %swap3A_486 : vector<16xf32> to vector<16xf32>
      %swap3A_488 = vector.shape_cast %add3A_481 : vector<16xf32> to vector<16xf32>
      tpu.vector_store %swap3A_484[%swap3A_485], %swap3A_488 {strides = array<i32>} : memref<768xf32, #tpu.memory_space<vmem>>, vector<16xf32>,
      %get3A_489 = arith.constant 0 : i32
      %get3A_490 = tpu.memref_slice %arg12[%scan3A_50, %get3A_489] : memref<64x768xf32, #tpu.memory_space<vmem>> -> memref<1x768xf32, #tpu.memory_space<vmem>>
      %get3A_491 = tpu.memref_squeeze %get3A_490 : memref<1x768xf32, #tpu.memory_space<vmem>> -> memref<768xf32, #tpu.memory_space<vmem>>
      %get3A_492 = arith.constant 288 : index
      %get3A_493 = tpu.vector_load %get3A_491[%get3A_492] {strides = array<i32>} : memref<768xf32, #tpu.memory_space<vmem>>, vector<16xf32>,
      %get3A_494 = vector.shape_cast %get3A_493 : vector<16xf32> to vector<16xf32>
      %mul3A_495 = vector.broadcast %squeeze3A : f32 to vector<16xf32>
      %mul3A_496 = arith.mulf %mul3A_495, %get3A_494 : vector<16xf32>
      %get3A_497 = arith.constant 0 : i32
      %get3A_498 = tpu.memref_slice %arg13[%scan3A_50, %get3A_497] : memref<64x768xf32, #tpu.memory_space<vmem>> -> memref<1x768xf32, #tpu.memory_space<vmem>>
      %get3A_499 = tpu.memref_squeeze %get3A_498 : memref<1x768xf32, #tpu.memory_space<vmem>> -> memref<768xf32, #tpu.memory_space<vmem>>
      %get3A_500 = arith.constant 288 : index
      %get3A_501 = tpu.vector_load %get3A_499[%get3A_500] {strides = array<i32>} : memref<768xf32, #tpu.memory_space<vmem>>, vector<16xf32>,
      %get3A_502 = vector.shape_cast %get3A_501 : vector<16xf32> to vector<16xf32>
      %mul3A_503 = vector.broadcast %squeeze3A_57 : f32 to vector<16xf32>
      %mul3A_504 = arith.mulf %mul3A_503, %get3A_502 : vector<16xf32>
      %add3A_505 = arith.addf %mul3A_496, %mul3A_504 : vector<16xf32>
      %swap3A_506 = arith.constant 0 : i32
      %swap3A_507 = tpu.memref_slice %arg12[%scan3A_50, %swap3A_506] : memref<64x768xf32, #tpu.memory_space<vmem>> -> memref<1x768xf32, #tpu.memory_space<vmem>>
      %swap3A_508 = tpu.memref_squeeze %swap3A_507 : memref<1x768xf32, #tpu.memory_space<vmem>> -> memref<768xf32, #tpu.memory_space<vmem>>
      %swap3A_509 = arith.constant 288 : index
      %swap3A_510 = tpu.vector_load %swap3A_508[%swap3A_509] {strides = array<i32>} : memref<768xf32, #tpu.memory_space<vmem>>, vector<16xf32>,
      %swap3A_511 = vector.shape_cast %swap3A_510 : vector<16xf32> to vector<16xf32>
      %swap3A_512 = vector.shape_cast %add3A_505 : vector<16xf32> to vector<16xf32>
      tpu.vector_store %swap3A_508[%swap3A_509], %swap3A_512 {strides = array<i32>} : memref<768xf32, #tpu.memory_space<vmem>>, vector<16xf32>,
      %get3A_513 = arith.constant 0 : i32
      %get3A_514 = tpu.memref_slice %arg12[%scan3A_50, %get3A_513] : memref<64x768xf32, #tpu.memory_space<vmem>> -> memref<1x768xf32, #tpu.memory_space<vmem>>
      %get3A_515 = tpu.memref_squeeze %get3A_514 : memref<1x768xf32, #tpu.memory_space<vmem>> -> memref<768xf32, #tpu.memory_space<vmem>>
      %get3A_516 = arith.constant 304 : index
      %get3A_517 = tpu.vector_load %get3A_515[%get3A_516] {strides = array<i32>} : memref<768xf32, #tpu.memory_space<vmem>>, vector<16xf32>,
      %get3A_518 = vector.shape_cast %get3A_517 : vector<16xf32> to vector<16xf32>
      %mul3A_519 = vector.broadcast %squeeze3A : f32 to vector<16xf32>
      %mul3A_520 = arith.mulf %mul3A_519, %get3A_518 : vector<16xf32>
      %get3A_521 = arith.constant 0 : i32
      %get3A_522 = tpu.memref_slice %arg13[%scan3A_50, %get3A_521] : memref<64x768xf32, #tpu.memory_space<vmem>> -> memref<1x768xf32, #tpu.memory_space<vmem>>
      %get3A_523 = tpu.memref_squeeze %get3A_522 : memref<1x768xf32, #tpu.memory_space<vmem>> -> memref<768xf32, #tpu.memory_space<vmem>>
      %get3A_524 = arith.constant 304 : index
      %get3A_525 = tpu.vector_load %get3A_523[%get3A_524] {strides = array<i32>} : memref<768xf32, #tpu.memory_space<vmem>>, vector<16xf32>,
      %get3A_526 = vector.shape_cast %get3A_525 : vector<16xf32> to vector<16xf32>
      %mul3A_527 = vector.broadcast %squeeze3A_57 : f32 to vector<16xf32>
      %mul3A_528 = arith.mulf %mul3A_527, %get3A_526 : vector<16xf32>
      %add3A_529 = arith.addf %mul3A_520, %mul3A_528 : vector<16xf32>
      %swap3A_530 = arith.constant 0 : i32
      %swap3A_531 = tpu.memref_slice %arg12[%scan3A_50, %swap3A_530] : memref<64x768xf32, #tpu.memory_space<vmem>> -> memref<1x768xf32, #tpu.memory_space<vmem>>
      %swap3A_532 = tpu.memref_squeeze %swap3A_531 : memref<1x768xf32, #tpu.memory_space<vmem>> -> memref<768xf32, #tpu.memory_space<vmem>>
      %swap3A_533 = arith.constant 304 : index
      %swap3A_534 = tpu.vector_load %swap3A_532[%swap3A_533] {strides = array<i32>} : memref<768xf32, #tpu.memory_space<vmem>>, vector<16xf32>,
      %swap3A_535 = vector.shape_cast %swap3A_534 : vector<16xf32> to vector<16xf32>
      %swap3A_536 = vector.shape_cast %add3A_529 : vector<16xf32> to vector<16xf32>
      tpu.vector_store %swap3A_532[%swap3A_533], %swap3A_536 {strides = array<i32>} : memref<768xf32, #tpu.memory_space<vmem>>, vector<16xf32>,
      %get3A_537 = arith.constant 0 : i32
      %get3A_538 = tpu.memref_slice %arg12[%scan3A_50, %get3A_537] : memref<64x768xf32, #tpu.memory_space<vmem>> -> memref<1x768xf32, #tpu.memory_space<vmem>>
      %get3A_539 = tpu.memref_squeeze %get3A_538 : memref<1x768xf32, #tpu.memory_space<vmem>> -> memref<768xf32, #tpu.memory_space<vmem>>
      %get3A_540 = arith.constant 320 : index
      %get3A_541 = tpu.vector_load %get3A_539[%get3A_540] {strides = array<i32>} : memref<768xf32, #tpu.memory_space<vmem>>, vector<16xf32>,
      %get3A_542 = vector.shape_cast %get3A_541 : vector<16xf32> to vector<16xf32>
      %mul3A_543 = vector.broadcast %squeeze3A : f32 to vector<16xf32>
      %mul3A_544 = arith.mulf %mul3A_543, %get3A_542 : vector<16xf32>
      %get3A_545 = arith.constant 0 : i32
      %get3A_546 = tpu.memref_slice %arg13[%scan3A_50, %get3A_545] : memref<64x768xf32, #tpu.memory_space<vmem>> -> memref<1x768xf32, #tpu.memory_space<vmem>>
      %get3A_547 = tpu.memref_squeeze %get3A_546 : memref<1x768xf32, #tpu.memory_space<vmem>> -> memref<768xf32, #tpu.memory_space<vmem>>
      %get3A_548 = arith.constant 320 : index
      %get3A_549 = tpu.vector_load %get3A_547[%get3A_548] {strides = array<i32>} : memref<768xf32, #tpu.memory_space<vmem>>, vector<16xf32>,
      %get3A_550 = vector.shape_cast %get3A_549 : vector<16xf32> to vector<16xf32>
      %mul3A_551 = vector.broadcast %squeeze3A_57 : f32 to vector<16xf32>
      %mul3A_552 = arith.mulf %mul3A_551, %get3A_550 : vector<16xf32>
      %add3A_553 = arith.addf %mul3A_544, %mul3A_552 : vector<16xf32>
      %swap3A_554 = arith.constant 0 : i32
      %swap3A_555 = tpu.memref_slice %arg12[%scan3A_50, %swap3A_554] : memref<64x768xf32, #tpu.memory_space<vmem>> -> memref<1x768xf32, #tpu.memory_space<vmem>>
      %swap3A_556 = tpu.memref_squeeze %swap3A_555 : memref<1x768xf32, #tpu.memory_space<vmem>> -> memref<768xf32, #tpu.memory_space<vmem>>
      %swap3A_557 = arith.constant 320 : index
      %swap3A_558 = tpu.vector_load %swap3A_556[%swap3A_557] {strides = array<i32>} : memref<768xf32, #tpu.memory_space<vmem>>, vector<16xf32>,
      %swap3A_559 = vector.shape_cast %swap3A_558 : vector<16xf32> to vector<16xf32>
      %swap3A_560 = vector.shape_cast %add3A_553 : vector<16xf32> to vector<16xf32>
      tpu.vector_store %swap3A_556[%swap3A_557], %swap3A_560 {strides = array<i32>} : memref<768xf32, #tpu.memory_space<vmem>>, vector<16xf32>,
      %get3A_561 = arith.constant 0 : i32
      %get3A_562 = tpu.memref_slice %arg12[%scan3A_50, %get3A_561] : memref<64x768xf32, #tpu.memory_space<vmem>> -> memref<1x768xf32, #tpu.memory_space<vmem>>
      %get3A_563 = tpu.memref_squeeze %get3A_562 : memref<1x768xf32, #tpu.memory_space<vmem>> -> memref<768xf32, #tpu.memory_space<vmem>>
      %get3A_564 = arith.constant 336 : index
      %get3A_565 = tpu.vector_load %get3A_563[%get3A_564] {strides = array<i32>} : memref<768xf32, #tpu.memory_space<vmem>>, vector<16xf32>,
      %get3A_566 = vector.shape_cast %get3A_565 : vector<16xf32> to vector<16xf32>
      %mul3A_567 = vector.broadcast %squeeze3A : f32 to vector<16xf32>
      %mul3A_568 = arith.mulf %mul3A_567, %get3A_566 : vector<16xf32>
      %get3A_569 = arith.constant 0 : i32
      %get3A_570 = tpu.memref_slice %arg13[%scan3A_50, %get3A_569] : memref<64x768xf32, #tpu.memory_space<vmem>> -> memref<1x768xf32, #tpu.memory_space<vmem>>
      %get3A_571 = tpu.memref_squeeze %get3A_570 : memref<1x768xf32, #tpu.memory_space<vmem>> -> memref<768xf32, #tpu.memory_space<vmem>>
      %get3A_572 = arith.constant 336 : index
      %get3A_573 = tpu.vector_load %get3A_571[%get3A_572] {strides = array<i32>} : memref<768xf32, #tpu.memory_space<vmem>>, vector<16xf32>,
      %get3A_574 = vector.shape_cast %get3A_573 : vector<16xf32> to vector<16xf32>
      %mul3A_575 = vector.broadcast %squeeze3A_57 : f32 to vector<16xf32>
      %mul3A_576 = arith.mulf %mul3A_575, %get3A_574 : vector<16xf32>
      %add3A_577 = arith.addf %mul3A_568, %mul3A_576 : vector<16xf32>
      %swap3A_578 = arith.constant 0 : i32
      %swap3A_579 = tpu.memref_slice %arg12[%scan3A_50, %swap3A_578] : memref<64x768xf32, #tpu.memory_space<vmem>> -> memref<1x768xf32, #tpu.memory_space<vmem>>
      %swap3A_580 = tpu.memref_squeeze %swap3A_579 : memref<1x768xf32, #tpu.memory_space<vmem>> -> memref<768xf32, #tpu.memory_space<vmem>>
      %swap3A_581 = arith.constant 336 : index
      %swap3A_582 = tpu.vector_load %swap3A_580[%swap3A_581] {strides = array<i32>} : memref<768xf32, #tpu.memory_space<vmem>>, vector<16xf32>,
      %swap3A_583 = vector.shape_cast %swap3A_582 : vector<16xf32> to vector<16xf32>
      %swap3A_584 = vector.shape_cast %add3A_577 : vector<16xf32> to vector<16xf32>
      tpu.vector_store %swap3A_580[%swap3A_581], %swap3A_584 {strides = array<i32>} : memref<768xf32, #tpu.memory_space<vmem>>, vector<16xf32>,
      %get3A_585 = arith.constant 0 : i32
      %get3A_586 = tpu.memref_slice %arg12[%scan3A_50, %get3A_585] : memref<64x768xf32, #tpu.memory_space<vmem>> -> memref<1x768xf32, #tpu.memory_space<vmem>>
      %get3A_587 = tpu.memref_squeeze %get3A_586 : memref<1x768xf32, #tpu.memory_space<vmem>> -> memref<768xf32, #tpu.memory_space<vmem>>
      %get3A_588 = arith.constant 352 : index
      %get3A_589 = tpu.vector_load %get3A_587[%get3A_588] {strides = array<i32>} : memref<768xf32, #tpu.memory_space<vmem>>, vector<16xf32>,
      %get3A_590 = vector.shape_cast %get3A_589 : vector<16xf32> to vector<16xf32>
      %mul3A_591 = vector.broadcast %squeeze3A : f32 to vector<16xf32>
      %mul3A_592 = arith.mulf %mul3A_591, %get3A_590 : vector<16xf32>
      %get3A_593 = arith.constant 0 : i32
      %get3A_594 = tpu.memref_slice %arg13[%scan3A_50, %get3A_593] : memref<64x768xf32, #tpu.memory_space<vmem>> -> memref<1x768xf32, #tpu.memory_space<vmem>>
      %get3A_595 = tpu.memref_squeeze %get3A_594 : memref<1x768xf32, #tpu.memory_space<vmem>> -> memref<768xf32, #tpu.memory_space<vmem>>
      %get3A_596 = arith.constant 352 : index
      %get3A_597 = tpu.vector_load %get3A_595[%get3A_596] {strides = array<i32>} : memref<768xf32, #tpu.memory_space<vmem>>, vector<16xf32>,
      %get3A_598 = vector.shape_cast %get3A_597 : vector<16xf32> to vector<16xf32>
      %mul3A_599 = vector.broadcast %squeeze3A_57 : f32 to vector<16xf32>
      %mul3A_600 = arith.mulf %mul3A_599, %get3A_598 : vector<16xf32>
      %add3A_601 = arith.addf %mul3A_592, %mul3A_600 : vector<16xf32>
      %swap3A_602 = arith.constant 0 : i32
      %swap3A_603 = tpu.memref_slice %arg12[%scan3A_50, %swap3A_602] : memref<64x768xf32, #tpu.memory_space<vmem>> -> memref<1x768xf32, #tpu.memory_space<vmem>>
      %swap3A_604 = tpu.memref_squeeze %swap3A_603 : memref<1x768xf32, #tpu.memory_space<vmem>> -> memref<768xf32, #tpu.memory_space<vmem>>
      %swap3A_605 = arith.constant 352 : index
      %swap3A_606 = tpu.vector_load %swap3A_604[%swap3A_605] {strides = array<i32>} : memref<768xf32, #tpu.memory_space<vmem>>, vector<16xf32>,
      %swap3A_607 = vector.shape_cast %swap3A_606 : vector<16xf32> to vector<16xf32>
      %swap3A_608 = vector.shape_cast %add3A_601 : vector<16xf32> to vector<16xf32>
      tpu.vector_store %swap3A_604[%swap3A_605], %swap3A_608 {strides = array<i32>} : memref<768xf32, #tpu.memory_space<vmem>>, vector<16xf32>,
      %get3A_609 = arith.constant 0 : i32
      %get3A_610 = tpu.memref_slice %arg12[%scan3A_50, %get3A_609] : memref<64x768xf32, #tpu.memory_space<vmem>> -> memref<1x768xf32, #tpu.memory_space<vmem>>
      %get3A_611 = tpu.memref_squeeze %get3A_610 : memref<1x768xf32, #tpu.memory_space<vmem>> -> memref<768xf32, #tpu.memory_space<vmem>>
      %get3A_612 = arith.constant 368 : index
      %get3A_613 = tpu.vector_load %get3A_611[%get3A_612] {strides = array<i32>} : memref<768xf32, #tpu.memory_space<vmem>>, vector<16xf32>,
      %get3A_614 = vector.shape_cast %get3A_613 : vector<16xf32> to vector<16xf32>
      %mul3A_615 = vector.broadcast %squeeze3A : f32 to vector<16xf32>
      %mul3A_616 = arith.mulf %mul3A_615, %get3A_614 : vector<16xf32>
      %get3A_617 = arith.constant 0 : i32
      %get3A_618 = tpu.memref_slice %arg13[%scan3A_50, %get3A_617] : memref<64x768xf32, #tpu.memory_space<vmem>> -> memref<1x768xf32, #tpu.memory_space<vmem>>
      %get3A_619 = tpu.memref_squeeze %get3A_618 : memref<1x768xf32, #tpu.memory_space<vmem>> -> memref<768xf32, #tpu.memory_space<vmem>>
      %get3A_620 = arith.constant 368 : index
      %get3A_621 = tpu.vector_load %get3A_619[%get3A_620] {strides = array<i32>} : memref<768xf32, #tpu.memory_space<vmem>>, vector<16xf32>,
      %get3A_622 = vector.shape_cast %get3A_621 : vector<16xf32> to vector<16xf32>
      %mul3A_623 = vector.broadcast %squeeze3A_57 : f32 to vector<16xf32>
      %mul3A_624 = arith.mulf %mul3A_623, %get3A_622 : vector<16xf32>
      %add3A_625 = arith.addf %mul3A_616, %mul3A_624 : vector<16xf32>
      %swap3A_626 = arith.constant 0 : i32
      %swap3A_627 = tpu.memref_slice %arg12[%scan3A_50, %swap3A_626] : memref<64x768xf32, #tpu.memory_space<vmem>> -> memref<1x768xf32, #tpu.memory_space<vmem>>
      %swap3A_628 = tpu.memref_squeeze %swap3A_627 : memref<1x768xf32, #tpu.memory_space<vmem>> -> memref<768xf32, #tpu.memory_space<vmem>>
      %swap3A_629 = arith.constant 368 : index
      %swap3A_630 = tpu.vector_load %swap3A_628[%swap3A_629] {strides = array<i32>} : memref<768xf32, #tpu.memory_space<vmem>>, vector<16xf32>,
      %swap3A_631 = vector.shape_cast %swap3A_630 : vector<16xf32> to vector<16xf32>
      %swap3A_632 = vector.shape_cast %add3A_625 : vector<16xf32> to vector<16xf32>
      tpu.vector_store %swap3A_628[%swap3A_629], %swap3A_632 {strides = array<i32>} : memref<768xf32, #tpu.memory_space<vmem>>, vector<16xf32>,
      %get3A_633 = arith.constant 0 : i32
      %get3A_634 = tpu.memref_slice %arg12[%scan3A_50, %get3A_633] : memref<64x768xf32, #tpu.memory_space<vmem>> -> memref<1x768xf32, #tpu.memory_space<vmem>>
      %get3A_635 = tpu.memref_squeeze %get3A_634 : memref<1x768xf32, #tpu.memory_space<vmem>> -> memref<768xf32, #tpu.memory_space<vmem>>
      %get3A_636 = arith.constant 384 : index
      %get3A_637 = tpu.vector_load %get3A_635[%get3A_636] {strides = array<i32>} : memref<768xf32, #tpu.memory_space<vmem>>, vector<16xf32>,
      %get3A_638 = vector.shape_cast %get3A_637 : vector<16xf32> to vector<16xf32>
      %mul3A_639 = vector.broadcast %squeeze3A : f32 to vector<16xf32>
      %mul3A_640 = arith.mulf %mul3A_639, %get3A_638 : vector<16xf32>
      %get3A_641 = arith.constant 0 : i32
      %get3A_642 = tpu.memref_slice %arg13[%scan3A_50, %get3A_641] : memref<64x768xf32, #tpu.memory_space<vmem>> -> memref<1x768xf32, #tpu.memory_space<vmem>>
      %get3A_643 = tpu.memref_squeeze %get3A_642 : memref<1x768xf32, #tpu.memory_space<vmem>> -> memref<768xf32, #tpu.memory_space<vmem>>
      %get3A_644 = arith.constant 384 : index
      %get3A_645 = tpu.vector_load %get3A_643[%get3A_644] {strides = array<i32>} : memref<768xf32, #tpu.memory_space<vmem>>, vector<16xf32>,
      %get3A_646 = vector.shape_cast %get3A_645 : vector<16xf32> to vector<16xf32>
      %mul3A_647 = vector.broadcast %squeeze3A_57 : f32 to vector<16xf32>
      %mul3A_648 = arith.mulf %mul3A_647, %get3A_646 : vector<16xf32>
      %add3A_649 = arith.addf %mul3A_640, %mul3A_648 : vector<16xf32>
      %swap3A_650 = arith.constant 0 : i32
      %swap3A_651 = tpu.memref_slice %arg12[%scan3A_50, %swap3A_650] : memref<64x768xf32, #tpu.memory_space<vmem>> -> memref<1x768xf32, #tpu.memory_space<vmem>>
      %swap3A_652 = tpu.memref_squeeze %swap3A_651 : memref<1x768xf32, #tpu.memory_space<vmem>> -> memref<768xf32, #tpu.memory_space<vmem>>
      %swap3A_653 = arith.constant 384 : index
      %swap3A_654 = tpu.vector_load %swap3A_652[%swap3A_653] {strides = array<i32>} : memref<768xf32, #tpu.memory_space<vmem>>, vector<16xf32>,
      %swap3A_655 = vector.shape_cast %swap3A_654 : vector<16xf32> to vector<16xf32>
      %swap3A_656 = vector.shape_cast %add3A_649 : vector<16xf32> to vector<16xf32>
      tpu.vector_store %swap3A_652[%swap3A_653], %swap3A_656 {strides = array<i32>} : memref<768xf32, #tpu.memory_space<vmem>>, vector<16xf32>,
      %get3A_657 = arith.constant 0 : i32
      %get3A_658 = tpu.memref_slice %arg12[%scan3A_50, %get3A_657] : memref<64x768xf32, #tpu.memory_space<vmem>> -> memref<1x768xf32, #tpu.memory_space<vmem>>
      %get3A_659 = tpu.memref_squeeze %get3A_658 : memref<1x768xf32, #tpu.memory_space<vmem>> -> memref<768xf32, #tpu.memory_space<vmem>>
      %get3A_660 = arith.constant 400 : index
      %get3A_661 = tpu.vector_load %get3A_659[%get3A_660] {strides = array<i32>} : memref<768xf32, #tpu.memory_space<vmem>>, vector<16xf32>,
      %get3A_662 = vector.shape_cast %get3A_661 : vector<16xf32> to vector<16xf32>
      %mul3A_663 = vector.broadcast %squeeze3A : f32 to vector<16xf32>
      %mul3A_664 = arith.mulf %mul3A_663, %get3A_662 : vector<16xf32>
      %get3A_665 = arith.constant 0 : i32
      %get3A_666 = tpu.memref_slice %arg13[%scan3A_50, %get3A_665] : memref<64x768xf32, #tpu.memory_space<vmem>> -> memref<1x768xf32, #tpu.memory_space<vmem>>
      %get3A_667 = tpu.memref_squeeze %get3A_666 : memref<1x768xf32, #tpu.memory_space<vmem>> -> memref<768xf32, #tpu.memory_space<vmem>>
      %get3A_668 = arith.constant 400 : index
      %get3A_669 = tpu.vector_load %get3A_667[%get3A_668] {strides = array<i32>} : memref<768xf32, #tpu.memory_space<vmem>>, vector<16xf32>,
      %get3A_670 = vector.shape_cast %get3A_669 : vector<16xf32> to vector<16xf32>
      %mul3A_671 = vector.broadcast %squeeze3A_57 : f32 to vector<16xf32>
      %mul3A_672 = arith.mulf %mul3A_671, %get3A_670 : vector<16xf32>
      %add3A_673 = arith.addf %mul3A_664, %mul3A_672 : vector<16xf32>
      %swap3A_674 = arith.constant 0 : i32
      %swap3A_675 = tpu.memref_slice %arg12[%scan3A_50, %swap3A_674] : memref<64x768xf32, #tpu.memory_space<vmem>> -> memref<1x768xf32, #tpu.memory_space<vmem>>
      %swap3A_676 = tpu.memref_squeeze %swap3A_675 : memref<1x768xf32, #tpu.memory_space<vmem>> -> memref<768xf32, #tpu.memory_space<vmem>>
      %swap3A_677 = arith.constant 400 : index
      %swap3A_678 = tpu.vector_load %swap3A_676[%swap3A_677] {strides = array<i32>} : memref<768xf32, #tpu.memory_space<vmem>>, vector<16xf32>,
      %swap3A_679 = vector.shape_cast %swap3A_678 : vector<16xf32> to vector<16xf32>
      %swap3A_680 = vector.shape_cast %add3A_673 : vector<16xf32> to vector<16xf32>
      tpu.vector_store %swap3A_676[%swap3A_677], %swap3A_680 {strides = array<i32>} : memref<768xf32, #tpu.memory_space<vmem>>, vector<16xf32>,
      %get3A_681 = arith.constant 0 : i32
      %get3A_682 = tpu.memref_slice %arg12[%scan3A_50, %get3A_681] : memref<64x768xf32, #tpu.memory_space<vmem>> -> memref<1x768xf32, #tpu.memory_space<vmem>>
      %get3A_683 = tpu.memref_squeeze %get3A_682 : memref<1x768xf32, #tpu.memory_space<vmem>> -> memref<768xf32, #tpu.memory_space<vmem>>
      %get3A_684 = arith.constant 416 : index
      %get3A_685 = tpu.vector_load %get3A_683[%get3A_684] {strides = array<i32>} : memref<768xf32, #tpu.memory_space<vmem>>, vector<16xf32>,
      %get3A_686 = vector.shape_cast %get3A_685 : vector<16xf32> to vector<16xf32>
      %mul3A_687 = vector.broadcast %squeeze3A : f32 to vector<16xf32>
      %mul3A_688 = arith.mulf %mul3A_687, %get3A_686 : vector<16xf32>
      %get3A_689 = arith.constant 0 : i32
      %get3A_690 = tpu.memref_slice %arg13[%scan3A_50, %get3A_689] : memref<64x768xf32, #tpu.memory_space<vmem>> -> memref<1x768xf32, #tpu.memory_space<vmem>>
      %get3A_691 = tpu.memref_squeeze %get3A_690 : memref<1x768xf32, #tpu.memory_space<vmem>> -> memref<768xf32, #tpu.memory_space<vmem>>
      %get3A_692 = arith.constant 416 : index
      %get3A_693 = tpu.vector_load %get3A_691[%get3A_692] {strides = array<i32>} : memref<768xf32, #tpu.memory_space<vmem>>, vector<16xf32>,
      %get3A_694 = vector.shape_cast %get3A_693 : vector<16xf32> to vector<16xf32>
      %mul3A_695 = vector.broadcast %squeeze3A_57 : f32 to vector<16xf32>
      %mul3A_696 = arith.mulf %mul3A_695, %get3A_694 : vector<16xf32>
      %add3A_697 = arith.addf %mul3A_688, %mul3A_696 : vector<16xf32>
      %swap3A_698 = arith.constant 0 : i32
      %swap3A_699 = tpu.memref_slice %arg12[%scan3A_50, %swap3A_698] : memref<64x768xf32, #tpu.memory_space<vmem>> -> memref<1x768xf32, #tpu.memory_space<vmem>>
      %swap3A_700 = tpu.memref_squeeze %swap3A_699 : memref<1x768xf32, #tpu.memory_space<vmem>> -> memref<768xf32, #tpu.memory_space<vmem>>
      %swap3A_701 = arith.constant 416 : index
      %swap3A_702 = tpu.vector_load %swap3A_700[%swap3A_701] {strides = array<i32>} : memref<768xf32, #tpu.memory_space<vmem>>, vector<16xf32>,
      %swap3A_703 = vector.shape_cast %swap3A_702 : vector<16xf32> to vector<16xf32>
      %swap3A_704 = vector.shape_cast %add3A_697 : vector<16xf32> to vector<16xf32>
      tpu.vector_store %swap3A_700[%swap3A_701], %swap3A_704 {strides = array<i32>} : memref<768xf32, #tpu.memory_space<vmem>>, vector<16xf32>,
      %get3A_705 = arith.constant 0 : i32
      %get3A_706 = tpu.memref_slice %arg12[%scan3A_50, %get3A_705] : memref<64x768xf32, #tpu.memory_space<vmem>> -> memref<1x768xf32, #tpu.memory_space<vmem>>
      %get3A_707 = tpu.memref_squeeze %get3A_706 : memref<1x768xf32, #tpu.memory_space<vmem>> -> memref<768xf32, #tpu.memory_space<vmem>>
      %get3A_708 = arith.constant 432 : index
      %get3A_709 = tpu.vector_load %get3A_707[%get3A_708] {strides = array<i32>} : memref<768xf32, #tpu.memory_space<vmem>>, vector<16xf32>,
      %get3A_710 = vector.shape_cast %get3A_709 : vector<16xf32> to vector<16xf32>
      %mul3A_711 = vector.broadcast %squeeze3A : f32 to vector<16xf32>
      %mul3A_712 = arith.mulf %mul3A_711, %get3A_710 : vector<16xf32>
      %get3A_713 = arith.constant 0 : i32
      %get3A_714 = tpu.memref_slice %arg13[%scan3A_50, %get3A_713] : memref<64x768xf32, #tpu.memory_space<vmem>> -> memref<1x768xf32, #tpu.memory_space<vmem>>
      %get3A_715 = tpu.memref_squeeze %get3A_714 : memref<1x768xf32, #tpu.memory_space<vmem>> -> memref<768xf32, #tpu.memory_space<vmem>>
      %get3A_716 = arith.constant 432 : index
      %get3A_717 = tpu.vector_load %get3A_715[%get3A_716] {strides = array<i32>} : memref<768xf32, #tpu.memory_space<vmem>>, vector<16xf32>,
      %get3A_718 = vector.shape_cast %get3A_717 : vector<16xf32> to vector<16xf32>
      %mul3A_719 = vector.broadcast %squeeze3A_57 : f32 to vector<16xf32>
      %mul3A_720 = arith.mulf %mul3A_719, %get3A_718 : vector<16xf32>
      %add3A_721 = arith.addf %mul3A_712, %mul3A_720 : vector<16xf32>
      %swap3A_722 = arith.constant 0 : i32
      %swap3A_723 = tpu.memref_slice %arg12[%scan3A_50, %swap3A_722] : memref<64x768xf32, #tpu.memory_space<vmem>> -> memref<1x768xf32, #tpu.memory_space<vmem>>
      %swap3A_724 = tpu.memref_squeeze %swap3A_723 : memref<1x768xf32, #tpu.memory_space<vmem>> -> memref<768xf32, #tpu.memory_space<vmem>>
      %swap3A_725 = arith.constant 432 : index
      %swap3A_726 = tpu.vector_load %swap3A_724[%swap3A_725] {strides = array<i32>} : memref<768xf32, #tpu.memory_space<vmem>>, vector<16xf32>,
      %swap3A_727 = vector.shape_cast %swap3A_726 : vector<16xf32> to vector<16xf32>
      %swap3A_728 = vector.shape_cast %add3A_721 : vector<16xf32> to vector<16xf32>
      tpu.vector_store %swap3A_724[%swap3A_725], %swap3A_728 {strides = array<i32>} : memref<768xf32, #tpu.memory_space<vmem>>, vector<16xf32>,
      %get3A_729 = arith.constant 0 : i32
      %get3A_730 = tpu.memref_slice %arg12[%scan3A_50, %get3A_729] : memref<64x768xf32, #tpu.memory_space<vmem>> -> memref<1x768xf32, #tpu.memory_space<vmem>>
      %get3A_731 = tpu.memref_squeeze %get3A_730 : memref<1x768xf32, #tpu.memory_space<vmem>> -> memref<768xf32, #tpu.memory_space<vmem>>
      %get3A_732 = arith.constant 448 : index
      %get3A_733 = tpu.vector_load %get3A_731[%get3A_732] {strides = array<i32>} : memref<768xf32, #tpu.memory_space<vmem>>, vector<16xf32>,
      %get3A_734 = vector.shape_cast %get3A_733 : vector<16xf32> to vector<16xf32>
      %mul3A_735 = vector.broadcast %squeeze3A : f32 to vector<16xf32>
      %mul3A_736 = arith.mulf %mul3A_735, %get3A_734 : vector<16xf32>
      %get3A_737 = arith.constant 0 : i32
      %get3A_738 = tpu.memref_slice %arg13[%scan3A_50, %get3A_737] : memref<64x768xf32, #tpu.memory_space<vmem>> -> memref<1x768xf32, #tpu.memory_space<vmem>>
      %get3A_739 = tpu.memref_squeeze %get3A_738 : memref<1x768xf32, #tpu.memory_space<vmem>> -> memref<768xf32, #tpu.memory_space<vmem>>
      %get3A_740 = arith.constant 448 : index
      %get3A_741 = tpu.vector_load %get3A_739[%get3A_740] {strides = array<i32>} : memref<768xf32, #tpu.memory_space<vmem>>, vector<16xf32>,
      %get3A_742 = vector.shape_cast %get3A_741 : vector<16xf32> to vector<16xf32>
      %mul3A_743 = vector.broadcast %squeeze3A_57 : f32 to vector<16xf32>
      %mul3A_744 = arith.mulf %mul3A_743, %get3A_742 : vector<16xf32>
      %add3A_745 = arith.addf %mul3A_736, %mul3A_744 : vector<16xf32>
      %swap3A_746 = arith.constant 0 : i32
      %swap3A_747 = tpu.memref_slice %arg12[%scan3A_50, %swap3A_746] : memref<64x768xf32, #tpu.memory_space<vmem>> -> memref<1x768xf32, #tpu.memory_space<vmem>>
      %swap3A_748 = tpu.memref_squeeze %swap3A_747 : memref<1x768xf32, #tpu.memory_space<vmem>> -> memref<768xf32, #tpu.memory_space<vmem>>
      %swap3A_749 = arith.constant 448 : index
      %swap3A_750 = tpu.vector_load %swap3A_748[%swap3A_749] {strides = array<i32>} : memref<768xf32, #tpu.memory_space<vmem>>, vector<16xf32>,
      %swap3A_751 = vector.shape_cast %swap3A_750 : vector<16xf32> to vector<16xf32>
      %swap3A_752 = vector.shape_cast %add3A_745 : vector<16xf32> to vector<16xf32>
      tpu.vector_store %swap3A_748[%swap3A_749], %swap3A_752 {strides = array<i32>} : memref<768xf32, #tpu.memory_space<vmem>>, vector<16xf32>,
      %get3A_753 = arith.constant 0 : i32
      %get3A_754 = tpu.memref_slice %arg12[%scan3A_50, %get3A_753] : memref<64x768xf32, #tpu.memory_space<vmem>> -> memref<1x768xf32, #tpu.memory_space<vmem>>
      %get3A_755 = tpu.memref_squeeze %get3A_754 : memref<1x768xf32, #tpu.memory_space<vmem>> -> memref<768xf32, #tpu.memory_space<vmem>>
      %get3A_756 = arith.constant 464 : index
      %get3A_757 = tpu.vector_load %get3A_755[%get3A_756] {strides = array<i32>} : memref<768xf32, #tpu.memory_space<vmem>>, vector<16xf32>,
      %get3A_758 = vector.shape_cast %get3A_757 : vector<16xf32> to vector<16xf32>
      %mul3A_759 = vector.broadcast %squeeze3A : f32 to vector<16xf32>
      %mul3A_760 = arith.mulf %mul3A_759, %get3A_758 : vector<16xf32>
      %get3A_761 = arith.constant 0 : i32
      %get3A_762 = tpu.memref_slice %arg13[%scan3A_50, %get3A_761] : memref<64x768xf32, #tpu.memory_space<vmem>> -> memref<1x768xf32, #tpu.memory_space<vmem>>
      %get3A_763 = tpu.memref_squeeze %get3A_762 : memref<1x768xf32, #tpu.memory_space<vmem>> -> memref<768xf32, #tpu.memory_space<vmem>>
      %get3A_764 = arith.constant 464 : index
      %get3A_765 = tpu.vector_load %get3A_763[%get3A_764] {strides = array<i32>} : memref<768xf32, #tpu.memory_space<vmem>>, vector<16xf32>,
      %get3A_766 = vector.shape_cast %get3A_765 : vector<16xf32> to vector<16xf32>
      %mul3A_767 = vector.broadcast %squeeze3A_57 : f32 to vector<16xf32>
      %mul3A_768 = arith.mulf %mul3A_767, %get3A_766 : vector<16xf32>
      %add3A_769 = arith.addf %mul3A_760, %mul3A_768 : vector<16xf32>
      %swap3A_770 = arith.constant 0 : i32
      %swap3A_771 = tpu.memref_slice %arg12[%scan3A_50, %swap3A_770] : memref<64x768xf32, #tpu.memory_space<vmem>> -> memref<1x768xf32, #tpu.memory_space<vmem>>
      %swap3A_772 = tpu.memref_squeeze %swap3A_771 : memref<1x768xf32, #tpu.memory_space<vmem>> -> memref<768xf32, #tpu.memory_space<vmem>>
      %swap3A_773 = arith.constant 464 : index
      %swap3A_774 = tpu.vector_load %swap3A_772[%swap3A_773] {strides = array<i32>} : memref<768xf32, #tpu.memory_space<vmem>>, vector<16xf32>,
      %swap3A_775 = vector.shape_cast %swap3A_774 : vector<16xf32> to vector<16xf32>
      %swap3A_776 = vector.shape_cast %add3A_769 : vector<16xf32> to vector<16xf32>
      tpu.vector_store %swap3A_772[%swap3A_773], %swap3A_776 {strides = array<i32>} : memref<768xf32, #tpu.memory_space<vmem>>, vector<16xf32>,
      %get3A_777 = arith.constant 0 : i32
      %get3A_778 = tpu.memref_slice %arg12[%scan3A_50, %get3A_777] : memref<64x768xf32, #tpu.memory_space<vmem>> -> memref<1x768xf32, #tpu.memory_space<vmem>>
      %get3A_779 = tpu.memref_squeeze %get3A_778 : memref<1x768xf32, #tpu.memory_space<vmem>> -> memref<768xf32, #tpu.memory_space<vmem>>
      %get3A_780 = arith.constant 480 : index
      %get3A_781 = tpu.vector_load %get3A_779[%get3A_780] {strides = array<i32>} : memref<768xf32, #tpu.memory_space<vmem>>, vector<16xf32>,
      %get3A_782 = vector.shape_cast %get3A_781 : vector<16xf32> to vector<16xf32>
      %mul3A_783 = vector.broadcast %squeeze3A : f32 to vector<16xf32>
      %mul3A_784 = arith.mulf %mul3A_783, %get3A_782 : vector<16xf32>
      %get3A_785 = arith.constant 0 : i32
      %get3A_786 = tpu.memref_slice %arg13[%scan3A_50, %get3A_785] : memref<64x768xf32, #tpu.memory_space<vmem>> -> memref<1x768xf32, #tpu.memory_space<vmem>>
      %get3A_787 = tpu.memref_squeeze %get3A_786 : memref<1x768xf32, #tpu.memory_space<vmem>> -> memref<768xf32, #tpu.memory_space<vmem>>
      %get3A_788 = arith.constant 480 : index
      %get3A_789 = tpu.vector_load %get3A_787[%get3A_788] {strides = array<i32>} : memref<768xf32, #tpu.memory_space<vmem>>, vector<16xf32>,
      %get3A_790 = vector.shape_cast %get3A_789 : vector<16xf32> to vector<16xf32>
      %mul3A_791 = vector.broadcast %squeeze3A_57 : f32 to vector<16xf32>
      %mul3A_792 = arith.mulf %mul3A_791, %get3A_790 : vector<16xf32>
      %add3A_793 = arith.addf %mul3A_784, %mul3A_792 : vector<16xf32>
      %swap3A_794 = arith.constant 0 : i32
      %swap3A_795 = tpu.memref_slice %arg12[%scan3A_50, %swap3A_794] : memref<64x768xf32, #tpu.memory_space<vmem>> -> memref<1x768xf32, #tpu.memory_space<vmem>>
      %swap3A_796 = tpu.memref_squeeze %swap3A_795 : memref<1x768xf32, #tpu.memory_space<vmem>> -> memref<768xf32, #tpu.memory_space<vmem>>
      %swap3A_797 = arith.constant 480 : index
      %swap3A_798 = tpu.vector_load %swap3A_796[%swap3A_797] {strides = array<i32>} : memref<768xf32, #tpu.memory_space<vmem>>, vector<16xf32>,
      %swap3A_799 = vector.shape_cast %swap3A_798 : vector<16xf32> to vector<16xf32>
      %swap3A_800 = vector.shape_cast %add3A_793 : vector<16xf32> to vector<16xf32>
      tpu.vector_store %swap3A_796[%swap3A_797], %swap3A_800 {strides = array<i32>} : memref<768xf32, #tpu.memory_space<vmem>>, vector<16xf32>,
      %get3A_801 = arith.constant 0 : i32
      %get3A_802 = tpu.memref_slice %arg12[%scan3A_50, %get3A_801] : memref<64x768xf32, #tpu.memory_space<vmem>> -> memref<1x768xf32, #tpu.memory_space<vmem>>
      %get3A_803 = tpu.memref_squeeze %get3A_802 : memref<1x768xf32, #tpu.memory_space<vmem>> -> memref<768xf32, #tpu.memory_space<vmem>>
      %get3A_804 = arith.constant 496 : index
      %get3A_805 = tpu.vector_load %get3A_803[%get3A_804] {strides = array<i32>} : memref<768xf32, #tpu.memory_space<vmem>>, vector<16xf32>,
      %get3A_806 = vector.shape_cast %get3A_805 : vector<16xf32> to vector<16xf32>
      %mul3A_807 = vector.broadcast %squeeze3A : f32 to vector<16xf32>
      %mul3A_808 = arith.mulf %mul3A_807, %get3A_806 : vector<16xf32>
      %get3A_809 = arith.constant 0 : i32
      %get3A_810 = tpu.memref_slice %arg13[%scan3A_50, %get3A_809] : memref<64x768xf32, #tpu.memory_space<vmem>> -> memref<1x768xf32, #tpu.memory_space<vmem>>
      %get3A_811 = tpu.memref_squeeze %get3A_810 : memref<1x768xf32, #tpu.memory_space<vmem>> -> memref<768xf32, #tpu.memory_space<vmem>>
      %get3A_812 = arith.constant 496 : index
      %get3A_813 = tpu.vector_load %get3A_811[%get3A_812] {strides = array<i32>} : memref<768xf32, #tpu.memory_space<vmem>>, vector<16xf32>,
      %get3A_814 = vector.shape_cast %get3A_813 : vector<16xf32> to vector<16xf32>
      %mul3A_815 = vector.broadcast %squeeze3A_57 : f32 to vector<16xf32>
      %mul3A_816 = arith.mulf %mul3A_815, %get3A_814 : vector<16xf32>
      %add3A_817 = arith.addf %mul3A_808, %mul3A_816 : vector<16xf32>
      %swap3A_818 = arith.constant 0 : i32
      %swap3A_819 = tpu.memref_slice %arg12[%scan3A_50, %swap3A_818] : memref<64x768xf32, #tpu.memory_space<vmem>> -> memref<1x768xf32, #tpu.memory_space<vmem>>
      %swap3A_820 = tpu.memref_squeeze %swap3A_819 : memref<1x768xf32, #tpu.memory_space<vmem>> -> memref<768xf32, #tpu.memory_space<vmem>>
      %swap3A_821 = arith.constant 496 : index
      %swap3A_822 = tpu.vector_load %swap3A_820[%swap3A_821] {strides = array<i32>} : memref<768xf32, #tpu.memory_space<vmem>>, vector<16xf32>,
      %swap3A_823 = vector.shape_cast %swap3A_822 : vector<16xf32> to vector<16xf32>
      %swap3A_824 = vector.shape_cast %add3A_817 : vector<16xf32> to vector<16xf32>
      tpu.vector_store %swap3A_820[%swap3A_821], %swap3A_824 {strides = array<i32>} : memref<768xf32, #tpu.memory_space<vmem>>, vector<16xf32>,
      %get3A_825 = arith.constant 0 : i32
      %get3A_826 = tpu.memref_slice %arg12[%scan3A_50, %get3A_825] : memref<64x768xf32, #tpu.memory_space<vmem>> -> memref<1x768xf32, #tpu.memory_space<vmem>>
      %get3A_827 = tpu.memref_squeeze %get3A_826 : memref<1x768xf32, #tpu.memory_space<vmem>> -> memref<768xf32, #tpu.memory_space<vmem>>
      %get3A_828 = arith.constant 512 : index
      %get3A_829 = tpu.vector_load %get3A_827[%get3A_828] {strides = array<i32>} : memref<768xf32, #tpu.memory_space<vmem>>, vector<16xf32>,
      %get3A_830 = vector.shape_cast %get3A_829 : vector<16xf32> to vector<16xf32>
      %mul3A_831 = vector.broadcast %squeeze3A : f32 to vector<16xf32>
      %mul3A_832 = arith.mulf %mul3A_831, %get3A_830 : vector<16xf32>
      %get3A_833 = arith.constant 0 : i32
      %get3A_834 = tpu.memref_slice %arg13[%scan3A_50, %get3A_833] : memref<64x768xf32, #tpu.memory_space<vmem>> -> memref<1x768xf32, #tpu.memory_space<vmem>>
      %get3A_835 = tpu.memref_squeeze %get3A_834 : memref<1x768xf32, #tpu.memory_space<vmem>> -> memref<768xf32, #tpu.memory_space<vmem>>
      %get3A_836 = arith.constant 512 : index
      %get3A_837 = tpu.vector_load %get3A_835[%get3A_836] {strides = array<i32>} : memref<768xf32, #tpu.memory_space<vmem>>, vector<16xf32>,
      %get3A_838 = vector.shape_cast %get3A_837 : vector<16xf32> to vector<16xf32>
      %mul3A_839 = vector.broadcast %squeeze3A_57 : f32 to vector<16xf32>
      %mul3A_840 = arith.mulf %mul3A_839, %get3A_838 : vector<16xf32>
      %add3A_841 = arith.addf %mul3A_832, %mul3A_840 : vector<16xf32>
      %swap3A_842 = arith.constant 0 : i32
      %swap3A_843 = tpu.memref_slice %arg12[%scan3A_50, %swap3A_842] : memref<64x768xf32, #tpu.memory_space<vmem>> -> memref<1x768xf32, #tpu.memory_space<vmem>>
      %swap3A_844 = tpu.memref_squeeze %swap3A_843 : memref<1x768xf32, #tpu.memory_space<vmem>> -> memref<768xf32, #tpu.memory_space<vmem>>
      %swap3A_845 = arith.constant 512 : index
      %swap3A_846 = tpu.vector_load %swap3A_844[%swap3A_845] {strides = array<i32>} : memref<768xf32, #tpu.memory_space<vmem>>, vector<16xf32>,
      %swap3A_847 = vector.shape_cast %swap3A_846 : vector<16xf32> to vector<16xf32>
      %swap3A_848 = vector.shape_cast %add3A_841 : vector<16xf32> to vector<16xf32>
      tpu.vector_store %swap3A_844[%swap3A_845], %swap3A_848 {strides = array<i32>} : memref<768xf32, #tpu.memory_space<vmem>>, vector<16xf32>,
      %get3A_849 = arith.constant 0 : i32
      %get3A_850 = tpu.memref_slice %arg12[%scan3A_50, %get3A_849] : memref<64x768xf32, #tpu.memory_space<vmem>> -> memref<1x768xf32, #tpu.memory_space<vmem>>
      %get3A_851 = tpu.memref_squeeze %get3A_850 : memref<1x768xf32, #tpu.memory_space<vmem>> -> memref<768xf32, #tpu.memory_space<vmem>>
      %get3A_852 = arith.constant 528 : index
      %get3A_853 = tpu.vector_load %get3A_851[%get3A_852] {strides = array<i32>} : memref<768xf32, #tpu.memory_space<vmem>>, vector<16xf32>,
      %get3A_854 = vector.shape_cast %get3A_853 : vector<16xf32> to vector<16xf32>
      %mul3A_855 = vector.broadcast %squeeze3A : f32 to vector<16xf32>
      %mul3A_856 = arith.mulf %mul3A_855, %get3A_854 : vector<16xf32>
      %get3A_857 = arith.constant 0 : i32
      %get3A_858 = tpu.memref_slice %arg13[%scan3A_50, %get3A_857] : memref<64x768xf32, #tpu.memory_space<vmem>> -> memref<1x768xf32, #tpu.memory_space<vmem>>
      %get3A_859 = tpu.memref_squeeze %get3A_858 : memref<1x768xf32, #tpu.memory_space<vmem>> -> memref<768xf32, #tpu.memory_space<vmem>>
      %get3A_860 = arith.constant 528 : index
      %get3A_861 = tpu.vector_load %get3A_859[%get3A_860] {strides = array<i32>} : memref<768xf32, #tpu.memory_space<vmem>>, vector<16xf32>,
      %get3A_862 = vector.shape_cast %get3A_861 : vector<16xf32> to vector<16xf32>
      %mul3A_863 = vector.broadcast %squeeze3A_57 : f32 to vector<16xf32>
      %mul3A_864 = arith.mulf %mul3A_863, %get3A_862 : vector<16xf32>
      %add3A_865 = arith.addf %mul3A_856, %mul3A_864 : vector<16xf32>
      %swap3A_866 = arith.constant 0 : i32
      %swap3A_867 = tpu.memref_slice %arg12[%scan3A_50, %swap3A_866] : memref<64x768xf32, #tpu.memory_space<vmem>> -> memref<1x768xf32, #tpu.memory_space<vmem>>
      %swap3A_868 = tpu.memref_squeeze %swap3A_867 : memref<1x768xf32, #tpu.memory_space<vmem>> -> memref<768xf32, #tpu.memory_space<vmem>>
      %swap3A_869 = arith.constant 528 : index
      %swap3A_870 = tpu.vector_load %swap3A_868[%swap3A_869] {strides = array<i32>} : memref<768xf32, #tpu.memory_space<vmem>>, vector<16xf32>,
      %swap3A_871 = vector.shape_cast %swap3A_870 : vector<16xf32> to vector<16xf32>
      %swap3A_872 = vector.shape_cast %add3A_865 : vector<16xf32> to vector<16xf32>
      tpu.vector_store %swap3A_868[%swap3A_869], %swap3A_872 {strides = array<i32>} : memref<768xf32, #tpu.memory_space<vmem>>, vector<16xf32>,
      %get3A_873 = arith.constant 0 : i32
      %get3A_874 = tpu.memref_slice %arg12[%scan3A_50, %get3A_873] : memref<64x768xf32, #tpu.memory_space<vmem>> -> memref<1x768xf32, #tpu.memory_space<vmem>>
      %get3A_875 = tpu.memref_squeeze %get3A_874 : memref<1x768xf32, #tpu.memory_space<vmem>> -> memref<768xf32, #tpu.memory_space<vmem>>
      %get3A_876 = arith.constant 544 : index
      %get3A_877 = tpu.vector_load %get3A_875[%get3A_876] {strides = array<i32>} : memref<768xf32, #tpu.memory_space<vmem>>, vector<16xf32>,
      %get3A_878 = vector.shape_cast %get3A_877 : vector<16xf32> to vector<16xf32>
      %mul3A_879 = vector.broadcast %squeeze3A : f32 to vector<16xf32>
      %mul3A_880 = arith.mulf %mul3A_879, %get3A_878 : vector<16xf32>
      %get3A_881 = arith.constant 0 : i32
      %get3A_882 = tpu.memref_slice %arg13[%scan3A_50, %get3A_881] : memref<64x768xf32, #tpu.memory_space<vmem>> -> memref<1x768xf32, #tpu.memory_space<vmem>>
      %get3A_883 = tpu.memref_squeeze %get3A_882 : memref<1x768xf32, #tpu.memory_space<vmem>> -> memref<768xf32, #tpu.memory_space<vmem>>
      %get3A_884 = arith.constant 544 : index
      %get3A_885 = tpu.vector_load %get3A_883[%get3A_884] {strides = array<i32>} : memref<768xf32, #tpu.memory_space<vmem>>, vector<16xf32>,
      %get3A_886 = vector.shape_cast %get3A_885 : vector<16xf32> to vector<16xf32>
      %mul3A_887 = vector.broadcast %squeeze3A_57 : f32 to vector<16xf32>
      %mul3A_888 = arith.mulf %mul3A_887, %get3A_886 : vector<16xf32>
      %add3A_889 = arith.addf %mul3A_880, %mul3A_888 : vector<16xf32>
      %swap3A_890 = arith.constant 0 : i32
      %swap3A_891 = tpu.memref_slice %arg12[%scan3A_50, %swap3A_890] : memref<64x768xf32, #tpu.memory_space<vmem>> -> memref<1x768xf32, #tpu.memory_space<vmem>>
      %swap3A_892 = tpu.memref_squeeze %swap3A_891 : memref<1x768xf32, #tpu.memory_space<vmem>> -> memref<768xf32, #tpu.memory_space<vmem>>
      %swap3A_893 = arith.constant 544 : index
      %swap3A_894 = tpu.vector_load %swap3A_892[%swap3A_893] {strides = array<i32>} : memref<768xf32, #tpu.memory_space<vmem>>, vector<16xf32>,
      %swap3A_895 = vector.shape_cast %swap3A_894 : vector<16xf32> to vector<16xf32>
      %swap3A_896 = vector.shape_cast %add3A_889 : vector<16xf32> to vector<16xf32>
      tpu.vector_store %swap3A_892[%swap3A_893], %swap3A_896 {strides = array<i32>} : memref<768xf32, #tpu.memory_space<vmem>>, vector<16xf32>,
      %get3A_897 = arith.constant 0 : i32
      %get3A_898 = tpu.memref_slice %arg12[%scan3A_50, %get3A_897] : memref<64x768xf32, #tpu.memory_space<vmem>> -> memref<1x768xf32, #tpu.memory_space<vmem>>
      %get3A_899 = tpu.memref_squeeze %get3A_898 : memref<1x768xf32, #tpu.memory_space<vmem>> -> memref<768xf32, #tpu.memory_space<vmem>>
      %get3A_900 = arith.constant 560 : index
      %get3A_901 = tpu.vector_load %get3A_899[%get3A_900] {strides = array<i32>} : memref<768xf32, #tpu.memory_space<vmem>>, vector<16xf32>,
      %get3A_902 = vector.shape_cast %get3A_901 : vector<16xf32> to vector<16xf32>
      %mul3A_903 = vector.broadcast %squeeze3A : f32 to vector<16xf32>
      %mul3A_904 = arith.mulf %mul3A_903, %get3A_902 : vector<16xf32>
      %get3A_905 = arith.constant 0 : i32
      %get3A_906 = tpu.memref_slice %arg13[%scan3A_50, %get3A_905] : memref<64x768xf32, #tpu.memory_space<vmem>> -> memref<1x768xf32, #tpu.memory_space<vmem>>
      %get3A_907 = tpu.memref_squeeze %get3A_906 : memref<1x768xf32, #tpu.memory_space<vmem>> -> memref<768xf32, #tpu.memory_space<vmem>>
      %get3A_908 = arith.constant 560 : index
      %get3A_909 = tpu.vector_load %get3A_907[%get3A_908] {strides = array<i32>} : memref<768xf32, #tpu.memory_space<vmem>>, vector<16xf32>,
      %get3A_910 = vector.shape_cast %get3A_909 : vector<16xf32> to vector<16xf32>
      %mul3A_911 = vector.broadcast %squeeze3A_57 : f32 to vector<16xf32>
      %mul3A_912 = arith.mulf %mul3A_911, %get3A_910 : vector<16xf32>
      %add3A_913 = arith.addf %mul3A_904, %mul3A_912 : vector<16xf32>
      %swap3A_914 = arith.constant 0 : i32
      %swap3A_915 = tpu.memref_slice %arg12[%scan3A_50, %swap3A_914] : memref<64x768xf32, #tpu.memory_space<vmem>> -> memref<1x768xf32, #tpu.memory_space<vmem>>
      %swap3A_916 = tpu.memref_squeeze %swap3A_915 : memref<1x768xf32, #tpu.memory_space<vmem>> -> memref<768xf32, #tpu.memory_space<vmem>>
      %swap3A_917 = arith.constant 560 : index
      %swap3A_918 = tpu.vector_load %swap3A_916[%swap3A_917] {strides = array<i32>} : memref<768xf32, #tpu.memory_space<vmem>>, vector<16xf32>,
      %swap3A_919 = vector.shape_cast %swap3A_918 : vector<16xf32> to vector<16xf32>
      %swap3A_920 = vector.shape_cast %add3A_913 : vector<16xf32> to vector<16xf32>
      tpu.vector_store %swap3A_916[%swap3A_917], %swap3A_920 {strides = array<i32>} : memref<768xf32, #tpu.memory_space<vmem>>, vector<16xf32>,
      %get3A_921 = arith.constant 0 : i32
      %get3A_922 = tpu.memref_slice %arg12[%scan3A_50, %get3A_921] : memref<64x768xf32, #tpu.memory_space<vmem>> -> memref<1x768xf32, #tpu.memory_space<vmem>>
      %get3A_923 = tpu.memref_squeeze %get3A_922 : memref<1x768xf32, #tpu.memory_space<vmem>> -> memref<768xf32, #tpu.memory_space<vmem>>
      %get3A_924 = arith.constant 576 : index
      %get3A_925 = tpu.vector_load %get3A_923[%get3A_924] {strides = array<i32>} : memref<768xf32, #tpu.memory_space<vmem>>, vector<16xf32>,
      %get3A_926 = vector.shape_cast %get3A_925 : vector<16xf32> to vector<16xf32>
      %mul3A_927 = vector.broadcast %squeeze3A : f32 to vector<16xf32>
      %mul3A_928 = arith.mulf %mul3A_927, %get3A_926 : vector<16xf32>
      %get3A_929 = arith.constant 0 : i32
      %get3A_930 = tpu.memref_slice %arg13[%scan3A_50, %get3A_929] : memref<64x768xf32, #tpu.memory_space<vmem>> -> memref<1x768xf32, #tpu.memory_space<vmem>>
      %get3A_931 = tpu.memref_squeeze %get3A_930 : memref<1x768xf32, #tpu.memory_space<vmem>> -> memref<768xf32, #tpu.memory_space<vmem>>
      %get3A_932 = arith.constant 576 : index
      %get3A_933 = tpu.vector_load %get3A_931[%get3A_932] {strides = array<i32>} : memref<768xf32, #tpu.memory_space<vmem>>, vector<16xf32>,
      %get3A_934 = vector.shape_cast %get3A_933 : vector<16xf32> to vector<16xf32>
      %mul3A_935 = vector.broadcast %squeeze3A_57 : f32 to vector<16xf32>
      %mul3A_936 = arith.mulf %mul3A_935, %get3A_934 : vector<16xf32>
      %add3A_937 = arith.addf %mul3A_928, %mul3A_936 : vector<16xf32>
      %swap3A_938 = arith.constant 0 : i32
      %swap3A_939 = tpu.memref_slice %arg12[%scan3A_50, %swap3A_938] : memref<64x768xf32, #tpu.memory_space<vmem>> -> memref<1x768xf32, #tpu.memory_space<vmem>>
      %swap3A_940 = tpu.memref_squeeze %swap3A_939 : memref<1x768xf32, #tpu.memory_space<vmem>> -> memref<768xf32, #tpu.memory_space<vmem>>
      %swap3A_941 = arith.constant 576 : index
      %swap3A_942 = tpu.vector_load %swap3A_940[%swap3A_941] {strides = array<i32>} : memref<768xf32, #tpu.memory_space<vmem>>, vector<16xf32>,
      %swap3A_943 = vector.shape_cast %swap3A_942 : vector<16xf32> to vector<16xf32>
      %swap3A_944 = vector.shape_cast %add3A_937 : vector<16xf32> to vector<16xf32>
      tpu.vector_store %swap3A_940[%swap3A_941], %swap3A_944 {strides = array<i32>} : memref<768xf32, #tpu.memory_space<vmem>>, vector<16xf32>,
      %get3A_945 = arith.constant 0 : i32
      %get3A_946 = tpu.memref_slice %arg12[%scan3A_50, %get3A_945] : memref<64x768xf32, #tpu.memory_space<vmem>> -> memref<1x768xf32, #tpu.memory_space<vmem>>
      %get3A_947 = tpu.memref_squeeze %get3A_946 : memref<1x768xf32, #tpu.memory_space<vmem>> -> memref<768xf32, #tpu.memory_space<vmem>>
      %get3A_948 = arith.constant 592 : index
      %get3A_949 = tpu.vector_load %get3A_947[%get3A_948] {strides = array<i32>} : memref<768xf32, #tpu.memory_space<vmem>>, vector<16xf32>,
      %get3A_950 = vector.shape_cast %get3A_949 : vector<16xf32> to vector<16xf32>
      %mul3A_951 = vector.broadcast %squeeze3A : f32 to vector<16xf32>
      %mul3A_952 = arith.mulf %mul3A_951, %get3A_950 : vector<16xf32>
      %get3A_953 = arith.constant 0 : i32
      %get3A_954 = tpu.memref_slice %arg13[%scan3A_50, %get3A_953] : memref<64x768xf32, #tpu.memory_space<vmem>> -> memref<1x768xf32, #tpu.memory_space<vmem>>
      %get3A_955 = tpu.memref_squeeze %get3A_954 : memref<1x768xf32, #tpu.memory_space<vmem>> -> memref<768xf32, #tpu.memory_space<vmem>>
      %get3A_956 = arith.constant 592 : index
      %get3A_957 = tpu.vector_load %get3A_955[%get3A_956] {strides = array<i32>} : memref<768xf32, #tpu.memory_space<vmem>>, vector<16xf32>,
      %get3A_958 = vector.shape_cast %get3A_957 : vector<16xf32> to vector<16xf32>
      %mul3A_959 = vector.broadcast %squeeze3A_57 : f32 to vector<16xf32>
      %mul3A_960 = arith.mulf %mul3A_959, %get3A_958 : vector<16xf32>
      %add3A_961 = arith.addf %mul3A_952, %mul3A_960 : vector<16xf32>
      %swap3A_962 = arith.constant 0 : i32
      %swap3A_963 = tpu.memref_slice %arg12[%scan3A_50, %swap3A_962] : memref<64x768xf32, #tpu.memory_space<vmem>> -> memref<1x768xf32, #tpu.memory_space<vmem>>
      %swap3A_964 = tpu.memref_squeeze %swap3A_963 : memref<1x768xf32, #tpu.memory_space<vmem>> -> memref<768xf32, #tpu.memory_space<vmem>>
      %swap3A_965 = arith.constant 592 : index
      %swap3A_966 = tpu.vector_load %swap3A_964[%swap3A_965] {strides = array<i32>} : memref<768xf32, #tpu.memory_space<vmem>>, vector<16xf32>,
      %swap3A_967 = vector.shape_cast %swap3A_966 : vector<16xf32> to vector<16xf32>
      %swap3A_968 = vector.shape_cast %add3A_961 : vector<16xf32> to vector<16xf32>
      tpu.vector_store %swap3A_964[%swap3A_965], %swap3A_968 {strides = array<i32>} : memref<768xf32, #tpu.memory_space<vmem>>, vector<16xf32>,
      %get3A_969 = arith.constant 0 : i32
      %get3A_970 = tpu.memref_slice %arg12[%scan3A_50, %get3A_969] : memref<64x768xf32, #tpu.memory_space<vmem>> -> memref<1x768xf32, #tpu.memory_space<vmem>>
      %get3A_971 = tpu.memref_squeeze %get3A_970 : memref<1x768xf32, #tpu.memory_space<vmem>> -> memref<768xf32, #tpu.memory_space<vmem>>
      %get3A_972 = arith.constant 608 : index
      %get3A_973 = tpu.vector_load %get3A_971[%get3A_972] {strides = array<i32>} : memref<768xf32, #tpu.memory_space<vmem>>, vector<16xf32>,
      %get3A_974 = vector.shape_cast %get3A_973 : vector<16xf32> to vector<16xf32>
      %mul3A_975 = vector.broadcast %squeeze3A : f32 to vector<16xf32>
      %mul3A_976 = arith.mulf %mul3A_975, %get3A_974 : vector<16xf32>
      %get3A_977 = arith.constant 0 : i32
      %get3A_978 = tpu.memref_slice %arg13[%scan3A_50, %get3A_977] : memref<64x768xf32, #tpu.memory_space<vmem>> -> memref<1x768xf32, #tpu.memory_space<vmem>>
      %get3A_979 = tpu.memref_squeeze %get3A_978 : memref<1x768xf32, #tpu.memory_space<vmem>> -> memref<768xf32, #tpu.memory_space<vmem>>
      %get3A_980 = arith.constant 608 : index
      %get3A_981 = tpu.vector_load %get3A_979[%get3A_980] {strides = array<i32>} : memref<768xf32, #tpu.memory_space<vmem>>, vector<16xf32>,
      %get3A_982 = vector.shape_cast %get3A_981 : vector<16xf32> to vector<16xf32>
      %mul3A_983 = vector.broadcast %squeeze3A_57 : f32 to vector<16xf32>
      %mul3A_984 = arith.mulf %mul3A_983, %get3A_982 : vector<16xf32>
      %add3A_985 = arith.addf %mul3A_976, %mul3A_984 : vector<16xf32>
      %swap3A_986 = arith.constant 0 : i32
      %swap3A_987 = tpu.memref_slice %arg12[%scan3A_50, %swap3A_986] : memref<64x768xf32, #tpu.memory_space<vmem>> -> memref<1x768xf32, #tpu.memory_space<vmem>>
      %swap3A_988 = tpu.memref_squeeze %swap3A_987 : memref<1x768xf32, #tpu.memory_space<vmem>> -> memref<768xf32, #tpu.memory_space<vmem>>
      %swap3A_989 = arith.constant 608 : index
      %swap3A_990 = tpu.vector_load %swap3A_988[%swap3A_989] {strides = array<i32>} : memref<768xf32, #tpu.memory_space<vmem>>, vector<16xf32>,
      %swap3A_991 = vector.shape_cast %swap3A_990 : vector<16xf32> to vector<16xf32>
      %swap3A_992 = vector.shape_cast %add3A_985 : vector<16xf32> to vector<16xf32>
      tpu.vector_store %swap3A_988[%swap3A_989], %swap3A_992 {strides = array<i32>} : memref<768xf32, #tpu.memory_space<vmem>>, vector<16xf32>,
      %get3A_993 = arith.constant 0 : i32
      %get3A_994 = tpu.memref_slice %arg12[%scan3A_50, %get3A_993] : memref<64x768xf32, #tpu.memory_space<vmem>> -> memref<1x768xf32, #tpu.memory_space<vmem>>
      %get3A_995 = tpu.memref_squeeze %get3A_994 : memref<1x768xf32, #tpu.memory_space<vmem>> -> memref<768xf32, #tpu.memory_space<vmem>>
      %get3A_996 = arith.constant 624 : index
      %get3A_997 = tpu.vector_load %get3A_995[%get3A_996] {strides = array<i32>} : memref<768xf32, #tpu.memory_space<vmem>>, vector<16xf32>,
      %get3A_998 = vector.shape_cast %get3A_997 : vector<16xf32> to vector<16xf32>
      %mul3A_999 = vector.broadcast %squeeze3A : f32 to vector<16xf32>
      %mul3A_1000 = arith.mulf %mul3A_999, %get3A_998 : vector<16xf32>
      %get3A_1001 = arith.constant 0 : i32
      %get3A_1002 = tpu.memref_slice %arg13[%scan3A_50, %get3A_1001] : memref<64x768xf32, #tpu.memory_space<vmem>> -> memref<1x768xf32, #tpu.memory_space<vmem>>
      %get3A_1003 = tpu.memref_squeeze %get3A_1002 : memref<1x768xf32, #tpu.memory_space<vmem>> -> memref<768xf32, #tpu.memory_space<vmem>>
      %get3A_1004 = arith.constant 624 : index
      %get3A_1005 = tpu.vector_load %get3A_1003[%get3A_1004] {strides = array<i32>} : memref<768xf32, #tpu.memory_space<vmem>>, vector<16xf32>,
      %get3A_1006 = vector.shape_cast %get3A_1005 : vector<16xf32> to vector<16xf32>
      %mul3A_1007 = vector.broadcast %squeeze3A_57 : f32 to vector<16xf32>
      %mul3A_1008 = arith.mulf %mul3A_1007, %get3A_1006 : vector<16xf32>
      %add3A_1009 = arith.addf %mul3A_1000, %mul3A_1008 : vector<16xf32>
      %swap3A_1010 = arith.constant 0 : i32
      %swap3A_1011 = tpu.memref_slice %arg12[%scan3A_50, %swap3A_1010] : memref<64x768xf32, #tpu.memory_space<vmem>> -> memref<1x768xf32, #tpu.memory_space<vmem>>
      %swap3A_1012 = tpu.memref_squeeze %swap3A_1011 : memref<1x768xf32, #tpu.memory_space<vmem>> -> memref<768xf32, #tpu.memory_space<vmem>>
      %swap3A_1013 = arith.constant 624 : index
      %swap3A_1014 = tpu.vector_load %swap3A_1012[%swap3A_1013] {strides = array<i32>} : memref<768xf32, #tpu.memory_space<vmem>>, vector<16xf32>,
      %swap3A_1015 = vector.shape_cast %swap3A_1014 : vector<16xf32> to vector<16xf32>
      %swap3A_1016 = vector.shape_cast %add3A_1009 : vector<16xf32> to vector<16xf32>
      tpu.vector_store %swap3A_1012[%swap3A_1013], %swap3A_1016 {strides = array<i32>} : memref<768xf32, #tpu.memory_space<vmem>>, vector<16xf32>,
      %get3A_1017 = arith.constant 0 : i32
      %get3A_1018 = tpu.memref_slice %arg12[%scan3A_50, %get3A_1017] : memref<64x768xf32, #tpu.memory_space<vmem>> -> memref<1x768xf32, #tpu.memory_space<vmem>>
      %get3A_1019 = tpu.memref_squeeze %get3A_1018 : memref<1x768xf32, #tpu.memory_space<vmem>> -> memref<768xf32, #tpu.memory_space<vmem>>
      %get3A_1020 = arith.constant 640 : index
      %get3A_1021 = tpu.vector_load %get3A_1019[%get3A_1020] {strides = array<i32>} : memref<768xf32, #tpu.memory_space<vmem>>, vector<16xf32>,
      %get3A_1022 = vector.shape_cast %get3A_1021 : vector<16xf32> to vector<16xf32>
      %mul3A_1023 = vector.broadcast %squeeze3A : f32 to vector<16xf32>
      %mul3A_1024 = arith.mulf %mul3A_1023, %get3A_1022 : vector<16xf32>
      %get3A_1025 = arith.constant 0 : i32
      %get3A_1026 = tpu.memref_slice %arg13[%scan3A_50, %get3A_1025] : memref<64x768xf32, #tpu.memory_space<vmem>> -> memref<1x768xf32, #tpu.memory_space<vmem>>
      %get3A_1027 = tpu.memref_squeeze %get3A_1026 : memref<1x768xf32, #tpu.memory_space<vmem>> -> memref<768xf32, #tpu.memory_space<vmem>>
      %get3A_1028 = arith.constant 640 : index
      %get3A_1029 = tpu.vector_load %get3A_1027[%get3A_1028] {strides = array<i32>} : memref<768xf32, #tpu.memory_space<vmem>>, vector<16xf32>,
      %get3A_1030 = vector.shape_cast %get3A_1029 : vector<16xf32> to vector<16xf32>
      %mul3A_1031 = vector.broadcast %squeeze3A_57 : f32 to vector<16xf32>
      %mul3A_1032 = arith.mulf %mul3A_1031, %get3A_1030 : vector<16xf32>
      %add3A_1033 = arith.addf %mul3A_1024, %mul3A_1032 : vector<16xf32>
      %swap3A_1034 = arith.constant 0 : i32
      %swap3A_1035 = tpu.memref_slice %arg12[%scan3A_50, %swap3A_1034] : memref<64x768xf32, #tpu.memory_space<vmem>> -> memref<1x768xf32, #tpu.memory_space<vmem>>
      %swap3A_1036 = tpu.memref_squeeze %swap3A_1035 : memref<1x768xf32, #tpu.memory_space<vmem>> -> memref<768xf32, #tpu.memory_space<vmem>>
      %swap3A_1037 = arith.constant 640 : index
      %swap3A_1038 = tpu.vector_load %swap3A_1036[%swap3A_1037] {strides = array<i32>} : memref<768xf32, #tpu.memory_space<vmem>>, vector<16xf32>,
      %swap3A_1039 = vector.shape_cast %swap3A_1038 : vector<16xf32> to vector<16xf32>
      %swap3A_1040 = vector.shape_cast %add3A_1033 : vector<16xf32> to vector<16xf32>
      tpu.vector_store %swap3A_1036[%swap3A_1037], %swap3A_1040 {strides = array<i32>} : memref<768xf32, #tpu.memory_space<vmem>>, vector<16xf32>,
      %get3A_1041 = arith.constant 0 : i32
      %get3A_1042 = tpu.memref_slice %arg12[%scan3A_50, %get3A_1041] : memref<64x768xf32, #tpu.memory_space<vmem>> -> memref<1x768xf32, #tpu.memory_space<vmem>>
      %get3A_1043 = tpu.memref_squeeze %get3A_1042 : memref<1x768xf32, #tpu.memory_space<vmem>> -> memref<768xf32, #tpu.memory_space<vmem>>
      %get3A_1044 = arith.constant 656 : index
      %get3A_1045 = tpu.vector_load %get3A_1043[%get3A_1044] {strides = array<i32>} : memref<768xf32, #tpu.memory_space<vmem>>, vector<16xf32>,
      %get3A_1046 = vector.shape_cast %get3A_1045 : vector<16xf32> to vector<16xf32>
      %mul3A_1047 = vector.broadcast %squeeze3A : f32 to vector<16xf32>
      %mul3A_1048 = arith.mulf %mul3A_1047, %get3A_1046 : vector<16xf32>
      %get3A_1049 = arith.constant 0 : i32
      %get3A_1050 = tpu.memref_slice %arg13[%scan3A_50, %get3A_1049] : memref<64x768xf32, #tpu.memory_space<vmem>> -> memref<1x768xf32, #tpu.memory_space<vmem>>
      %get3A_1051 = tpu.memref_squeeze %get3A_1050 : memref<1x768xf32, #tpu.memory_space<vmem>> -> memref<768xf32, #tpu.memory_space<vmem>>
      %get3A_1052 = arith.constant 656 : index
      %get3A_1053 = tpu.vector_load %get3A_1051[%get3A_1052] {strides = array<i32>} : memref<768xf32, #tpu.memory_space<vmem>>, vector<16xf32>,
      %get3A_1054 = vector.shape_cast %get3A_1053 : vector<16xf32> to vector<16xf32>
      %mul3A_1055 = vector.broadcast %squeeze3A_57 : f32 to vector<16xf32>
      %mul3A_1056 = arith.mulf %mul3A_1055, %get3A_1054 : vector<16xf32>
      %add3A_1057 = arith.addf %mul3A_1048, %mul3A_1056 : vector<16xf32>
      %swap3A_1058 = arith.constant 0 : i32
      %swap3A_1059 = tpu.memref_slice %arg12[%scan3A_50, %swap3A_1058] : memref<64x768xf32, #tpu.memory_space<vmem>> -> memref<1x768xf32, #tpu.memory_space<vmem>>
      %swap3A_1060 = tpu.memref_squeeze %swap3A_1059 : memref<1x768xf32, #tpu.memory_space<vmem>> -> memref<768xf32, #tpu.memory_space<vmem>>
      %swap3A_1061 = arith.constant 656 : index
      %swap3A_1062 = tpu.vector_load %swap3A_1060[%swap3A_1061] {strides = array<i32>} : memref<768xf32, #tpu.memory_space<vmem>>, vector<16xf32>,
      %swap3A_1063 = vector.shape_cast %swap3A_1062 : vector<16xf32> to vector<16xf32>
      %swap3A_1064 = vector.shape_cast %add3A_1057 : vector<16xf32> to vector<16xf32>
      tpu.vector_store %swap3A_1060[%swap3A_1061], %swap3A_1064 {strides = array<i32>} : memref<768xf32, #tpu.memory_space<vmem>>, vector<16xf32>,
      %get3A_1065 = arith.constant 0 : i32
      %get3A_1066 = tpu.memref_slice %arg12[%scan3A_50, %get3A_1065] : memref<64x768xf32, #tpu.memory_space<vmem>> -> memref<1x768xf32, #tpu.memory_space<vmem>>
      %get3A_1067 = tpu.memref_squeeze %get3A_1066 : memref<1x768xf32, #tpu.memory_space<vmem>> -> memref<768xf32, #tpu.memory_space<vmem>>
      %get3A_1068 = arith.constant 672 : index
      %get3A_1069 = tpu.vector_load %get3A_1067[%get3A_1068] {strides = array<i32>} : memref<768xf32, #tpu.memory_space<vmem>>, vector<16xf32>,
      %get3A_1070 = vector.shape_cast %get3A_1069 : vector<16xf32> to vector<16xf32>
      %mul3A_1071 = vector.broadcast %squeeze3A : f32 to vector<16xf32>
      %mul3A_1072 = arith.mulf %mul3A_1071, %get3A_1070 : vector<16xf32>
      %get3A_1073 = arith.constant 0 : i32
      %get3A_1074 = tpu.memref_slice %arg13[%scan3A_50, %get3A_1073] : memref<64x768xf32, #tpu.memory_space<vmem>> -> memref<1x768xf32, #tpu.memory_space<vmem>>
      %get3A_1075 = tpu.memref_squeeze %get3A_1074 : memref<1x768xf32, #tpu.memory_space<vmem>> -> memref<768xf32, #tpu.memory_space<vmem>>
      %get3A_1076 = arith.constant 672 : index
      %get3A_1077 = tpu.vector_load %get3A_1075[%get3A_1076] {strides = array<i32>} : memref<768xf32, #tpu.memory_space<vmem>>, vector<16xf32>,
      %get3A_1078 = vector.shape_cast %get3A_1077 : vector<16xf32> to vector<16xf32>
      %mul3A_1079 = vector.broadcast %squeeze3A_57 : f32 to vector<16xf32>
      %mul3A_1080 = arith.mulf %mul3A_1079, %get3A_1078 : vector<16xf32>
      %add3A_1081 = arith.addf %mul3A_1072, %mul3A_1080 : vector<16xf32>
      %swap3A_1082 = arith.constant 0 : i32
      %swap3A_1083 = tpu.memref_slice %arg12[%scan3A_50, %swap3A_1082] : memref<64x768xf32, #tpu.memory_space<vmem>> -> memref<1x768xf32, #tpu.memory_space<vmem>>
      %swap3A_1084 = tpu.memref_squeeze %swap3A_1083 : memref<1x768xf32, #tpu.memory_space<vmem>> -> memref<768xf32, #tpu.memory_space<vmem>>
      %swap3A_1085 = arith.constant 672 : index
      %swap3A_1086 = tpu.vector_load %swap3A_1084[%swap3A_1085] {strides = array<i32>} : memref<768xf32, #tpu.memory_space<vmem>>, vector<16xf32>,
      %swap3A_1087 = vector.shape_cast %swap3A_1086 : vector<16xf32> to vector<16xf32>
      %swap3A_1088 = vector.shape_cast %add3A_1081 : vector<16xf32> to vector<16xf32>
      tpu.vector_store %swap3A_1084[%swap3A_1085], %swap3A_1088 {strides = array<i32>} : memref<768xf32, #tpu.memory_space<vmem>>, vector<16xf32>,
      %get3A_1089 = arith.constant 0 : i32
      %get3A_1090 = tpu.memref_slice %arg12[%scan3A_50, %get3A_1089] : memref<64x768xf32, #tpu.memory_space<vmem>> -> memref<1x768xf32, #tpu.memory_space<vmem>>
      %get3A_1091 = tpu.memref_squeeze %get3A_1090 : memref<1x768xf32, #tpu.memory_space<vmem>> -> memref<768xf32, #tpu.memory_space<vmem>>
      %get3A_1092 = arith.constant 688 : index
      %get3A_1093 = tpu.vector_load %get3A_1091[%get3A_1092] {strides = array<i32>} : memref<768xf32, #tpu.memory_space<vmem>>, vector<16xf32>,
      %get3A_1094 = vector.shape_cast %get3A_1093 : vector<16xf32> to vector<16xf32>
      %mul3A_1095 = vector.broadcast %squeeze3A : f32 to vector<16xf32>
      %mul3A_1096 = arith.mulf %mul3A_1095, %get3A_1094 : vector<16xf32>
      %get3A_1097 = arith.constant 0 : i32
      %get3A_1098 = tpu.memref_slice %arg13[%scan3A_50, %get3A_1097] : memref<64x768xf32, #tpu.memory_space<vmem>> -> memref<1x768xf32, #tpu.memory_space<vmem>>
      %get3A_1099 = tpu.memref_squeeze %get3A_1098 : memref<1x768xf32, #tpu.memory_space<vmem>> -> memref<768xf32, #tpu.memory_space<vmem>>
      %get3A_1100 = arith.constant 688 : index
      %get3A_1101 = tpu.vector_load %get3A_1099[%get3A_1100] {strides = array<i32>} : memref<768xf32, #tpu.memory_space<vmem>>, vector<16xf32>,
      %get3A_1102 = vector.shape_cast %get3A_1101 : vector<16xf32> to vector<16xf32>
      %mul3A_1103 = vector.broadcast %squeeze3A_57 : f32 to vector<16xf32>
      %mul3A_1104 = arith.mulf %mul3A_1103, %get3A_1102 : vector<16xf32>
      %add3A_1105 = arith.addf %mul3A_1096, %mul3A_1104 : vector<16xf32>
      %swap3A_1106 = arith.constant 0 : i32
      %swap3A_1107 = tpu.memref_slice %arg12[%scan3A_50, %swap3A_1106] : memref<64x768xf32, #tpu.memory_space<vmem>> -> memref<1x768xf32, #tpu.memory_space<vmem>>
      %swap3A_1108 = tpu.memref_squeeze %swap3A_1107 : memref<1x768xf32, #tpu.memory_space<vmem>> -> memref<768xf32, #tpu.memory_space<vmem>>
      %swap3A_1109 = arith.constant 688 : index
      %swap3A_1110 = tpu.vector_load %swap3A_1108[%swap3A_1109] {strides = array<i32>} : memref<768xf32, #tpu.memory_space<vmem>>, vector<16xf32>,
      %swap3A_1111 = vector.shape_cast %swap3A_1110 : vector<16xf32> to vector<16xf32>
      %swap3A_1112 = vector.shape_cast %add3A_1105 : vector<16xf32> to vector<16xf32>
      tpu.vector_store %swap3A_1108[%swap3A_1109], %swap3A_1112 {strides = array<i32>} : memref<768xf32, #tpu.memory_space<vmem>>, vector<16xf32>,
      %get3A_1113 = arith.constant 0 : i32
      %get3A_1114 = tpu.memref_slice %arg12[%scan3A_50, %get3A_1113] : memref<64x768xf32, #tpu.memory_space<vmem>> -> memref<1x768xf32, #tpu.memory_space<vmem>>
      %get3A_1115 = tpu.memref_squeeze %get3A_1114 : memref<1x768xf32, #tpu.memory_space<vmem>> -> memref<768xf32, #tpu.memory_space<vmem>>
      %get3A_1116 = arith.constant 704 : index
      %get3A_1117 = tpu.vector_load %get3A_1115[%get3A_1116] {strides = array<i32>} : memref<768xf32, #tpu.memory_space<vmem>>, vector<16xf32>,
      %get3A_1118 = vector.shape_cast %get3A_1117 : vector<16xf32> to vector<16xf32>
      %mul3A_1119 = vector.broadcast %squeeze3A : f32 to vector<16xf32>
      %mul3A_1120 = arith.mulf %mul3A_1119, %get3A_1118 : vector<16xf32>
      %get3A_1121 = arith.constant 0 : i32
      %get3A_1122 = tpu.memref_slice %arg13[%scan3A_50, %get3A_1121] : memref<64x768xf32, #tpu.memory_space<vmem>> -> memref<1x768xf32, #tpu.memory_space<vmem>>
      %get3A_1123 = tpu.memref_squeeze %get3A_1122 : memref<1x768xf32, #tpu.memory_space<vmem>> -> memref<768xf32, #tpu.memory_space<vmem>>
      %get3A_1124 = arith.constant 704 : index
      %get3A_1125 = tpu.vector_load %get3A_1123[%get3A_1124] {strides = array<i32>} : memref<768xf32, #tpu.memory_space<vmem>>, vector<16xf32>,
      %get3A_1126 = vector.shape_cast %get3A_1125 : vector<16xf32> to vector<16xf32>
      %mul3A_1127 = vector.broadcast %squeeze3A_57 : f32 to vector<16xf32>
      %mul3A_1128 = arith.mulf %mul3A_1127, %get3A_1126 : vector<16xf32>
      %add3A_1129 = arith.addf %mul3A_1120, %mul3A_1128 : vector<16xf32>
      %swap3A_1130 = arith.constant 0 : i32
      %swap3A_1131 = tpu.memref_slice %arg12[%scan3A_50, %swap3A_1130] : memref<64x768xf32, #tpu.memory_space<vmem>> -> memref<1x768xf32, #tpu.memory_space<vmem>>
      %swap3A_1132 = tpu.memref_squeeze %swap3A_1131 : memref<1x768xf32, #tpu.memory_space<vmem>> -> memref<768xf32, #tpu.memory_space<vmem>>
      %swap3A_1133 = arith.constant 704 : index
      %swap3A_1134 = tpu.vector_load %swap3A_1132[%swap3A_1133] {strides = array<i32>} : memref<768xf32, #tpu.memory_space<vmem>>, vector<16xf32>,
      %swap3A_1135 = vector.shape_cast %swap3A_1134 : vector<16xf32> to vector<16xf32>
      %swap3A_1136 = vector.shape_cast %add3A_1129 : vector<16xf32> to vector<16xf32>
      tpu.vector_store %swap3A_1132[%swap3A_1133], %swap3A_1136 {strides = array<i32>} : memref<768xf32, #tpu.memory_space<vmem>>, vector<16xf32>,
      %get3A_1137 = arith.constant 0 : i32
      %get3A_1138 = tpu.memref_slice %arg12[%scan3A_50, %get3A_1137] : memref<64x768xf32, #tpu.memory_space<vmem>> -> memref<1x768xf32, #tpu.memory_space<vmem>>
      %get3A_1139 = tpu.memref_squeeze %get3A_1138 : memref<1x768xf32, #tpu.memory_space<vmem>> -> memref<768xf32, #tpu.memory_space<vmem>>
      %get3A_1140 = arith.constant 720 : index
      %get3A_1141 = tpu.vector_load %get3A_1139[%get3A_1140] {strides = array<i32>} : memref<768xf32, #tpu.memory_space<vmem>>, vector<16xf32>,
      %get3A_1142 = vector.shape_cast %get3A_1141 : vector<16xf32> to vector<16xf32>
      %mul3A_1143 = vector.broadcast %squeeze3A : f32 to vector<16xf32>
      %mul3A_1144 = arith.mulf %mul3A_1143, %get3A_1142 : vector<16xf32>
      %get3A_1145 = arith.constant 0 : i32
      %get3A_1146 = tpu.memref_slice %arg13[%scan3A_50, %get3A_1145] : memref<64x768xf32, #tpu.memory_space<vmem>> -> memref<1x768xf32, #tpu.memory_space<vmem>>
      %get3A_1147 = tpu.memref_squeeze %get3A_1146 : memref<1x768xf32, #tpu.memory_space<vmem>> -> memref<768xf32, #tpu.memory_space<vmem>>
      %get3A_1148 = arith.constant 720 : index
      %get3A_1149 = tpu.vector_load %get3A_1147[%get3A_1148] {strides = array<i32>} : memref<768xf32, #tpu.memory_space<vmem>>, vector<16xf32>,
      %get3A_1150 = vector.shape_cast %get3A_1149 : vector<16xf32> to vector<16xf32>
      %mul3A_1151 = vector.broadcast %squeeze3A_57 : f32 to vector<16xf32>
      %mul3A_1152 = arith.mulf %mul3A_1151, %get3A_1150 : vector<16xf32>
      %add3A_1153 = arith.addf %mul3A_1144, %mul3A_1152 : vector<16xf32>
      %swap3A_1154 = arith.constant 0 : i32
      %swap3A_1155 = tpu.memref_slice %arg12[%scan3A_50, %swap3A_1154] : memref<64x768xf32, #tpu.memory_space<vmem>> -> memref<1x768xf32, #tpu.memory_space<vmem>>
      %swap3A_1156 = tpu.memref_squeeze %swap3A_1155 : memref<1x768xf32, #tpu.memory_space<vmem>> -> memref<768xf32, #tpu.memory_space<vmem>>
      %swap3A_1157 = arith.constant 720 : index
      %swap3A_1158 = tpu.vector_load %swap3A_1156[%swap3A_1157] {strides = array<i32>} : memref<768xf32, #tpu.memory_space<vmem>>, vector<16xf32>,
      %swap3A_1159 = vector.shape_cast %swap3A_1158 : vector<16xf32> to vector<16xf32>
      %swap3A_1160 = vector.shape_cast %add3A_1153 : vector<16xf32> to vector<16xf32>
      tpu.vector_store %swap3A_1156[%swap3A_1157], %swap3A_1160 {strides = array<i32>} : memref<768xf32, #tpu.memory_space<vmem>>, vector<16xf32>,
      %get3A_1161 = arith.constant 0 : i32
      %get3A_1162 = tpu.memref_slice %arg12[%scan3A_50, %get3A_1161] : memref<64x768xf32, #tpu.memory_space<vmem>> -> memref<1x768xf32, #tpu.memory_space<vmem>>
      %get3A_1163 = tpu.memref_squeeze %get3A_1162 : memref<1x768xf32, #tpu.memory_space<vmem>> -> memref<768xf32, #tpu.memory_space<vmem>>
      %get3A_1164 = arith.constant 736 : index
      %get3A_1165 = tpu.vector_load %get3A_1163[%get3A_1164] {strides = array<i32>} : memref<768xf32, #tpu.memory_space<vmem>>, vector<16xf32>,
      %get3A_1166 = vector.shape_cast %get3A_1165 : vector<16xf32> to vector<16xf32>
      %mul3A_1167 = vector.broadcast %squeeze3A : f32 to vector<16xf32>
      %mul3A_1168 = arith.mulf %mul3A_1167, %get3A_1166 : vector<16xf32>
      %get3A_1169 = arith.constant 0 : i32
      %get3A_1170 = tpu.memref_slice %arg13[%scan3A_50, %get3A_1169] : memref<64x768xf32, #tpu.memory_space<vmem>> -> memref<1x768xf32, #tpu.memory_space<vmem>>
      %get3A_1171 = tpu.memref_squeeze %get3A_1170 : memref<1x768xf32, #tpu.memory_space<vmem>> -> memref<768xf32, #tpu.memory_space<vmem>>
      %get3A_1172 = arith.constant 736 : index
      %get3A_1173 = tpu.vector_load %get3A_1171[%get3A_1172] {strides = array<i32>} : memref<768xf32, #tpu.memory_space<vmem>>, vector<16xf32>,
      %get3A_1174 = vector.shape_cast %get3A_1173 : vector<16xf32> to vector<16xf32>
      %mul3A_1175 = vector.broadcast %squeeze3A_57 : f32 to vector<16xf32>
      %mul3A_1176 = arith.mulf %mul3A_1175, %get3A_1174 : vector<16xf32>
      %add3A_1177 = arith.addf %mul3A_1168, %mul3A_1176 : vector<16xf32>
      %swap3A_1178 = arith.constant 0 : i32
      %swap3A_1179 = tpu.memref_slice %arg12[%scan3A_50, %swap3A_1178] : memref<64x768xf32, #tpu.memory_space<vmem>> -> memref<1x768xf32, #tpu.memory_space<vmem>>
      %swap3A_1180 = tpu.memref_squeeze %swap3A_1179 : memref<1x768xf32, #tpu.memory_space<vmem>> -> memref<768xf32, #tpu.memory_space<vmem>>
      %swap3A_1181 = arith.constant 736 : index
      %swap3A_1182 = tpu.vector_load %swap3A_1180[%swap3A_1181] {strides = array<i32>} : memref<768xf32, #tpu.memory_space<vmem>>, vector<16xf32>,
      %swap3A_1183 = vector.shape_cast %swap3A_1182 : vector<16xf32> to vector<16xf32>
      %swap3A_1184 = vector.shape_cast %add3A_1177 : vector<16xf32> to vector<16xf32>
      tpu.vector_store %swap3A_1180[%swap3A_1181], %swap3A_1184 {strides = array<i32>} : memref<768xf32, #tpu.memory_space<vmem>>, vector<16xf32>,
      %get3A_1185 = arith.constant 0 : i32
      %get3A_1186 = tpu.memref_slice %arg12[%scan3A_50, %get3A_1185] : memref<64x768xf32, #tpu.memory_space<vmem>> -> memref<1x768xf32, #tpu.memory_space<vmem>>
      %get3A_1187 = tpu.memref_squeeze %get3A_1186 : memref<1x768xf32, #tpu.memory_space<vmem>> -> memref<768xf32, #tpu.memory_space<vmem>>
      %get3A_1188 = arith.constant 752 : index
      %get3A_1189 = tpu.vector_load %get3A_1187[%get3A_1188] {strides = array<i32>} : memref<768xf32, #tpu.memory_space<vmem>>, vector<16xf32>,
      %get3A_1190 = vector.shape_cast %get3A_1189 : vector<16xf32> to vector<16xf32>
      %mul3A_1191 = vector.broadcast %squeeze3A : f32 to vector<16xf32>
      %mul3A_1192 = arith.mulf %mul3A_1191, %get3A_1190 : vector<16xf32>
      %get3A_1193 = arith.constant 0 : i32
      %get3A_1194 = tpu.memref_slice %arg13[%scan3A_50, %get3A_1193] : memref<64x768xf32, #tpu.memory_space<vmem>> -> memref<1x768xf32, #tpu.memory_space<vmem>>
      %get3A_1195 = tpu.memref_squeeze %get3A_1194 : memref<1x768xf32, #tpu.memory_space<vmem>> -> memref<768xf32, #tpu.memory_space<vmem>>
      %get3A_1196 = arith.constant 752 : index
      %get3A_1197 = tpu.vector_load %get3A_1195[%get3A_1196] {strides = array<i32>} : memref<768xf32, #tpu.memory_space<vmem>>, vector<16xf32>,
      %get3A_1198 = vector.shape_cast %get3A_1197 : vector<16xf32> to vector<16xf32>
      %mul3A_1199 = vector.broadcast %squeeze3A_57 : f32 to vector<16xf32>
      %mul3A_1200 = arith.mulf %mul3A_1199, %get3A_1198 : vector<16xf32>
      %add3A_1201 = arith.addf %mul3A_1192, %mul3A_1200 : vector<16xf32>
      %swap3A_1202 = arith.constant 0 : i32
      %swap3A_1203 = tpu.memref_slice %arg12[%scan3A_50, %swap3A_1202] : memref<64x768xf32, #tpu.memory_space<vmem>> -> memref<1x768xf32, #tpu.memory_space<vmem>>
      %swap3A_1204 = tpu.memref_squeeze %swap3A_1203 : memref<1x768xf32, #tpu.memory_space<vmem>> -> memref<768xf32, #tpu.memory_space<vmem>>
      %swap3A_1205 = arith.constant 752 : index
      %swap3A_1206 = tpu.vector_load %swap3A_1204[%swap3A_1205] {strides = array<i32>} : memref<768xf32, #tpu.memory_space<vmem>>, vector<16xf32>,
      %swap3A_1207 = vector.shape_cast %swap3A_1206 : vector<16xf32> to vector<16xf32>
      %swap3A_1208 = vector.shape_cast %add3A_1201 : vector<16xf32> to vector<16xf32>
      tpu.vector_store %swap3A_1204[%swap3A_1205], %swap3A_1208 {strides = array<i32>} : memref<768xf32, #tpu.memory_space<vmem>>, vector<16xf32>,
    }
    %scan3A_49 = arith.constant 64 : i32
    "tpu.region"() ({
      %run_scoped3A = tpu.sem_alloc : memref<!tpu.dma_semaphore, #tpu.memory_space<semaphore_mem>>
      %dma_start3A_50 = arith.constant 0 : i32
      %dma_start3A_51 = tpu.memref_slice %arg7[%mul3A_2, %dma_start3A_50] : memref<2048x768xf32, #tpu.memory_space<hbm>> -> memref<64x768xf32, #tpu.memory_space<hbm>>
      %dma_start3A_52 = arith.constant 0 : i32
      %dma_start3A_53 = tpu.memref_slice %arg7[%mul3A_2, %dma_start3A_52] : memref<2048x768xf32, #tpu.memory_space<hbm>> -> memref<64x768xf32, #tpu.memory_space<hbm>>
      tpu.enqueue_dma source(%arg12 : memref<64x768xf32, #tpu.memory_space<vmem>>) target(%dma_start3A_53 : memref<64x768xf32, #tpu.memory_space<hbm>>) target_semaphore(%run_scoped3A : memref<!tpu.dma_semaphore, #tpu.memory_space<semaphore_mem>>)
      %dma_wait3A_54 = arith.constant 0 : i32
      %dma_wait3A_55 = tpu.memref_slice %arg7[%mul3A_2, %dma_wait3A_54] : memref<2048x768xf32, #tpu.memory_space<hbm>> -> memref<64x768xf32, #tpu.memory_space<hbm>>
      %dma_wait3A_56 = arith.constant 0 : i32
      %dma_wait3A_57 = tpu.memref_slice %arg7[%mul3A_2, %dma_wait3A_56] : memref<2048x768xf32, #tpu.memory_space<hbm>> -> memref<64x768xf32, #tpu.memory_space<hbm>>
      tpu.wait_dma2 semaphore(%run_scoped3A : memref<!tpu.dma_semaphore, #tpu.memory_space<semaphore_mem>>) src(%arg12 : memref<64x768xf32, #tpu.memory_space<vmem>>) dst(%dma_wait3A_57 : memref<64x768xf32, #tpu.memory_space<hbm>>)
      tpu.yield
    }) : () -> ()
    return
  }
}

#map = affine_map<(d0, d1) -> (0, 0)>
#map1 = affine_map<(d0, d1) -> (0)>
module attributes {stable_mosaic.version = 14 : i64} {
  func.func @disp(%arg0: i32, %arg1: i32, %arg2: memref<2048x768xf32, #tpu.memory_space<hbm>>, %arg3: memref<2048xi32, #tpu.memory_space<hbm>>, %arg4: memref<2048xi32, #tpu.memory_space<hbm>>, %arg5: memref<6144x768xf32, #tpu.memory_space<hbm>>, %arg6: memref<64xi32, #tpu.memory_space<vmem>>, %arg7: memref<64xi32, #tpu.memory_space<vmem>>, %arg8: memref<64x768xf32, #tpu.memory_space<vmem>>, %arg9: memref<!tpu.dma_semaphore, #tpu.memory_space<semaphore_mem>>, %arg10: memref<!tpu.dma_semaphore, #tpu.memory_space<semaphore_mem>>) attributes {dimension_semantics = [#tpu.dimension_semantics<core_parallel>, #tpu.dimension_semantics<subcore_parallel>], iteration_bounds = array<i64: 2, 16>, scalar_prefetch = 0 : i64, scratch_operands = 5 : i64, tpu.core_type = #tpu.core_type<sc_vector_subcore>, window_params = [{transform_indices = #map}, {transform_indices = #map1}, {transform_indices = #map1}, {transform_indices = #map}]} {
    %mul3A = arith.constant 2 : i32
    %mul3A_0 = arith.muli %arg1, %mul3A : i32
    %add3A = arith.addi %mul3A_0, %arg0 : i32
    %mul3A_1 = arith.constant 64 : i32
    %mul3A_2 = arith.muli %add3A, %mul3A_1 : i32
    %dma_start3A = tpu.memref_slice %arg3[%mul3A_2] : memref<2048xi32, #tpu.memory_space<hbm>> -> memref<64xi32, #tpu.memory_space<hbm>>
    %dma_start3A_3 = tpu.memref_slice %arg3[%mul3A_2] : memref<2048xi32, #tpu.memory_space<hbm>> -> memref<64xi32, #tpu.memory_space<hbm>>
    tpu.enqueue_dma source(%dma_start3A_3 : memref<64xi32, #tpu.memory_space<hbm>>) target(%arg6 : memref<64xi32, #tpu.memory_space<vmem>>) target_semaphore(%arg10 : memref<!tpu.dma_semaphore, #tpu.memory_space<semaphore_mem>>)
    %dma_start3A_4 = tpu.memref_slice %arg4[%mul3A_2] : memref<2048xi32, #tpu.memory_space<hbm>> -> memref<64xi32, #tpu.memory_space<hbm>>
    %dma_start3A_5 = tpu.memref_slice %arg4[%mul3A_2] : memref<2048xi32, #tpu.memory_space<hbm>> -> memref<64xi32, #tpu.memory_space<hbm>>
    tpu.enqueue_dma source(%dma_start3A_5 : memref<64xi32, #tpu.memory_space<hbm>>) target(%arg7 : memref<64xi32, #tpu.memory_space<vmem>>) target_semaphore(%arg10 : memref<!tpu.dma_semaphore, #tpu.memory_space<semaphore_mem>>)
    %dma_start3A_6 = arith.constant 0 : i32
    %dma_start3A_7 = tpu.memref_slice %arg2[%mul3A_2, %dma_start3A_6] : memref<2048x768xf32, #tpu.memory_space<hbm>> -> memref<64x768xf32, #tpu.memory_space<hbm>>
    %dma_start3A_8 = arith.constant 0 : i32
    %dma_start3A_9 = tpu.memref_slice %arg2[%mul3A_2, %dma_start3A_8] : memref<2048x768xf32, #tpu.memory_space<hbm>> -> memref<64x768xf32, #tpu.memory_space<hbm>>
    tpu.enqueue_dma source(%dma_start3A_9 : memref<64x768xf32, #tpu.memory_space<hbm>>) target(%arg8 : memref<64x768xf32, #tpu.memory_space<vmem>>) target_semaphore(%arg10 : memref<!tpu.dma_semaphore, #tpu.memory_space<semaphore_mem>>)
    %dma_wait3A = tpu.memref_slice %arg3[%mul3A_2] : memref<2048xi32, #tpu.memory_space<hbm>> -> memref<64xi32, #tpu.memory_space<hbm>>
    %dma_wait3A_10 = tpu.memref_slice %arg3[%mul3A_2] : memref<2048xi32, #tpu.memory_space<hbm>> -> memref<64xi32, #tpu.memory_space<hbm>>
    tpu.wait_dma2 semaphore(%arg10 : memref<!tpu.dma_semaphore, #tpu.memory_space<semaphore_mem>>) src(%dma_wait3A_10 : memref<64xi32, #tpu.memory_space<hbm>>) dst(%arg6 : memref<64xi32, #tpu.memory_space<vmem>>)
    %dma_wait3A_11 = tpu.memref_slice %arg4[%mul3A_2] : memref<2048xi32, #tpu.memory_space<hbm>> -> memref<64xi32, #tpu.memory_space<hbm>>
    %dma_wait3A_12 = tpu.memref_slice %arg4[%mul3A_2] : memref<2048xi32, #tpu.memory_space<hbm>> -> memref<64xi32, #tpu.memory_space<hbm>>
    tpu.wait_dma2 semaphore(%arg10 : memref<!tpu.dma_semaphore, #tpu.memory_space<semaphore_mem>>) src(%dma_wait3A_12 : memref<64xi32, #tpu.memory_space<hbm>>) dst(%arg7 : memref<64xi32, #tpu.memory_space<vmem>>)
    %dma_wait3A_13 = arith.constant 0 : i32
    %dma_wait3A_14 = tpu.memref_slice %arg2[%mul3A_2, %dma_wait3A_13] : memref<2048x768xf32, #tpu.memory_space<hbm>> -> memref<64x768xf32, #tpu.memory_space<hbm>>
    %dma_wait3A_15 = arith.constant 0 : i32
    %dma_wait3A_16 = tpu.memref_slice %arg2[%mul3A_2, %dma_wait3A_15] : memref<2048x768xf32, #tpu.memory_space<hbm>> -> memref<64x768xf32, #tpu.memory_space<hbm>>
    tpu.wait_dma2 semaphore(%arg10 : memref<!tpu.dma_semaphore, #tpu.memory_space<semaphore_mem>>) src(%dma_wait3A_16 : memref<64x768xf32, #tpu.memory_space<hbm>>) dst(%arg8 : memref<64x768xf32, #tpu.memory_space<vmem>>)
    %dma_start3A_17 = arith.constant 0 : i32
    %dma_start3A_18 = arith.constant 0 : i32
    %dma_start3A_19 = tpu.memref_slice %arg5[%dma_start3A_17, %dma_start3A_18] : memref<6144x768xf32, #tpu.memory_space<hbm>> -> memref<6144x768xf32, #tpu.memory_space<hbm>>
    tpu.enqueue_indirect_dma source(%arg8 : memref<64x768xf32, #tpu.memory_space<vmem>>) target(%dma_start3A_19 : memref<6144x768xf32, #tpu.memory_space<hbm>>) offsets(%arg6 : memref<64xi32, #tpu.memory_space<vmem>>) semaphore(%arg9 : memref<!tpu.dma_semaphore, #tpu.memory_space<semaphore_mem>>)
    %dma_start3A_20 = arith.constant 0 : i32
    %dma_start3A_21 = arith.constant 0 : i32
    %dma_start3A_22 = tpu.memref_slice %arg5[%dma_start3A_20, %dma_start3A_21] : memref<6144x768xf32, #tpu.memory_space<hbm>> -> memref<6144x768xf32, #tpu.memory_space<hbm>>
    tpu.enqueue_indirect_dma source(%arg8 : memref<64x768xf32, #tpu.memory_space<vmem>>) target(%dma_start3A_22 : memref<6144x768xf32, #tpu.memory_space<hbm>>) offsets(%arg7 : memref<64xi32, #tpu.memory_space<vmem>>) semaphore(%arg9 : memref<!tpu.dma_semaphore, #tpu.memory_space<semaphore_mem>>)
    %dma_wait3A_23 = arith.constant 0 : i32
    %dma_wait3A_24 = arith.constant 0 : i32
    %dma_wait3A_25 = tpu.memref_slice %arg5[%dma_wait3A_23, %dma_wait3A_24] : memref<6144x768xf32, #tpu.memory_space<hbm>> -> memref<6144x768xf32, #tpu.memory_space<hbm>>
    tpu.wait_indirect_dma semaphore(%arg9 : memref<!tpu.dma_semaphore, #tpu.memory_space<semaphore_mem>>) src(%arg8 : memref<64x768xf32, #tpu.memory_space<vmem>>) dst(%dma_wait3A_25 : memref<6144x768xf32, #tpu.memory_space<hbm>>)
    %dma_wait3A_26 = arith.constant 0 : i32
    %dma_wait3A_27 = arith.constant 0 : i32
    %dma_wait3A_28 = tpu.memref_slice %arg5[%dma_wait3A_26, %dma_wait3A_27] : memref<6144x768xf32, #tpu.memory_space<hbm>> -> memref<6144x768xf32, #tpu.memory_space<hbm>>
    tpu.wait_indirect_dma semaphore(%arg9 : memref<!tpu.dma_semaphore, #tpu.memory_space<semaphore_mem>>) src(%arg8 : memref<64x768xf32, #tpu.memory_space<vmem>>) dst(%dma_wait3A_28 : memref<6144x768xf32, #tpu.memory_space<hbm>>)
    return
  }
}

module attributes {stable_mosaic.version = 14 : i64} {
  func.func @_router_body(%arg0: memref<2048x768xf32, #tpu.memory_space<vmem>>, %arg1: memref<8x768xf32, #tpu.memory_space<vmem>>, %arg2: memref<2048x1xi32, #tpu.memory_space<vmem>>, %arg3: memref<2048x1xi32, #tpu.memory_space<vmem>>, %arg4: memref<2048x1xf32, #tpu.memory_space<vmem>>, %arg5: memref<2048x1xf32, #tpu.memory_space<vmem>>, %arg6: memref<24x1xi32, #tpu.memory_space<vmem>>, %arg7: memref<1x1xi32, #tpu.memory_space<vmem>>, %arg8: memref<1x1xf32, #tpu.memory_space<vmem>>) attributes {dimension_semantics = [], scalar_prefetch = 0 : i64, scratch_operands = 0 : i64, tpu.core_type = #tpu.core_type<tc>} {
    %get3A = arith.constant 0 : index
    %get3A_0 = arith.constant 0 : index
    %get3A_1 = vector.load %arg0[%get3A, %get3A_0] : memref<2048x768xf32, #tpu.memory_space<vmem>>, vector<2048x768xf32>
    %get3A_2 = arith.constant 0 : index
    %get3A_3 = arith.constant 0 : index
    %get3A_4 = vector.load %arg1[%get3A_2, %get3A_3] : memref<8x768xf32, #tpu.memory_space<vmem>>, vector<8x768xf32>
    %dot_general3A = arith.constant dense<0.000000e+00> : vector<2048x8xf32>
    %dot_general3A_5 = tpu.matmul %get3A_1, %get3A_4, %dot_general3A {dimension_numbers = #tpu.dot_dimension_numbers<[1], [1], [0], [0], [0, 0, 1, 0], [], []>, transpose_lhs_hint = false} : vector<2048x768xf32>, vector<8x768xf32>, vector<2048x8xf32> -> vector<2048x8xf32>
    %iota3A = tpu.iota {dimensions = array<i32: 1>} : vector<2048x8xi32>
    %reduce_max3A = arith.constant dense<0xFF800000> : vector<2048xf32>
    %reduce_max3A_6 = vector.multi_reduction <maximumf>, %dot_general3A_5, %reduce_max3A [1] : vector<2048x8xf32> to vector<2048xf32>
    %broadcast_in_dim3A = vector.shape_cast %reduce_max3A_6 : vector<2048xf32> to vector<2048x1xf32>
    %eq3A = vector.broadcast %broadcast_in_dim3A : vector<2048x1xf32> to vector<2048x8xf32>
    %eq3A_7 = arith.cmpf oeq, %dot_general3A_5, %eq3A : vector<2048x8xf32>
    %jit3A = arith.constant 8 : i32
    %broadcast_in_dim3A_8 = vector.broadcast %jit3A : i32 to vector<2048x8xi32>
    %select_n3A = arith.select %eq3A_7, %iota3A, %broadcast_in_dim3A_8 : vector<2048x8xi1>, vector<2048x8xi32>
    %reduce_min3A = arith.constant dense<2147483647> : vector<2048xi32>
    %reduce_min3A_9 = vector.multi_reduction <minsi>, %select_n3A, %reduce_min3A [1] : vector<2048x8xi32> to vector<2048xi32>
    %broadcast_in_dim3A_10 = vector.shape_cast %reduce_min3A_9 : vector<2048xi32> to vector<2048x1xi32>
    %eq3A_11 = vector.broadcast %broadcast_in_dim3A_10 : vector<2048x1xi32> to vector<2048x8xi32>
    %eq3A_12 = arith.cmpi eq, %iota3A, %eq3A_11 : vector<2048x8xi32>
    %jit3A_13 = arith.constant -1.000000e+30 : f32
    %broadcast_in_dim3A_14 = vector.broadcast %jit3A_13 : f32 to vector<2048x8xf32>
    %select_n3A_15 = arith.select %eq3A_12, %broadcast_in_dim3A_14, %dot_general3A_5 : vector<2048x8xi1>, vector<2048x8xf32>
    %reduce_max3A_16 = arith.constant dense<0xFF800000> : vector<2048xf32>
    %reduce_max3A_17 = vector.multi_reduction <maximumf>, %select_n3A_15, %reduce_max3A_16 [1] : vector<2048x8xf32> to vector<2048xf32>
    %broadcast_in_dim3A_18 = vector.shape_cast %reduce_max3A_17 : vector<2048xf32> to vector<2048x1xf32>
    %eq3A_19 = vector.broadcast %broadcast_in_dim3A_18 : vector<2048x1xf32> to vector<2048x8xf32>
    %eq3A_20 = arith.cmpf oeq, %select_n3A_15, %eq3A_19 : vector<2048x8xf32>
    %jit3A_21 = arith.constant 8 : i32
    %broadcast_in_dim3A_22 = vector.broadcast %jit3A_21 : i32 to vector<2048x8xi32>
    %select_n3A_23 = arith.select %eq3A_20, %iota3A, %broadcast_in_dim3A_22 : vector<2048x8xi1>, vector<2048x8xi32>
    %reduce_min3A_24 = arith.constant dense<2147483647> : vector<2048xi32>
    %reduce_min3A_25 = vector.multi_reduction <minsi>, %select_n3A_23, %reduce_min3A_24 [1] : vector<2048x8xi32> to vector<2048xi32>
    %broadcast_in_dim3A_26 = vector.shape_cast %reduce_min3A_25 : vector<2048xi32> to vector<2048x1xi32>
    %sub3A = arith.subf %broadcast_in_dim3A_18, %broadcast_in_dim3A : vector<2048x1xf32>
    %exp3A = math.exp %sub3A : vector<2048x1xf32>
    %add3A = arith.constant 1.000000e+00 : f32
    %add3A_27 = vector.broadcast %add3A : f32 to vector<2048x1xf32>
    %add3A_28 = arith.addf %add3A_27, %exp3A : vector<2048x1xf32>
    %div3A = arith.constant 1.000000e+00 : f32
    %div3A_29 = vector.broadcast %div3A : f32 to vector<2048x1xf32>
    %div3A_30 = arith.divf %div3A_29, %add3A_28 : vector<2048x1xf32>
    %swap3A = arith.constant 0 : index
    %swap3A_31 = arith.constant 0 : index
    %swap3A_32 = vector.load %arg4[%swap3A, %swap3A_31] : memref<2048x1xf32, #tpu.memory_space<vmem>>, vector<2048x1xf32>
    tpu.vector_store %arg4[%swap3A, %swap3A_31], %div3A_30 {strides = array<i32>} : memref<2048x1xf32, #tpu.memory_space<vmem>>, vector<2048x1xf32>,
    %add3A_33 = arith.constant 1.000000e+00 : f32
    %add3A_34 = vector.broadcast %add3A_33 : f32 to vector<2048x1xf32>
    %add3A_35 = arith.addf %add3A_34, %exp3A : vector<2048x1xf32>
    %div3A_36 = arith.divf %exp3A, %add3A_35 : vector<2048x1xf32>
    %swap3A_37 = arith.constant 0 : index
    %swap3A_38 = arith.constant 0 : index
    %swap3A_39 = vector.load %arg5[%swap3A_37, %swap3A_38] : memref<2048x1xf32, #tpu.memory_space<vmem>>, vector<2048x1xf32>
    tpu.vector_store %arg5[%swap3A_37, %swap3A_38], %div3A_36 {strides = array<i32>} : memref<2048x1xf32, #tpu.memory_space<vmem>>, vector<2048x1xf32>,
    %sub3A_40 = vector.broadcast %broadcast_in_dim3A : vector<2048x1xf32> to vector<2048x8xf32>
    %sub3A_41 = arith.subf %dot_general3A_5, %sub3A_40 : vector<2048x8xf32>
    %exp3A_42 = math.exp %sub3A_41 : vector<2048x8xf32>
    %reduce_sum3A = arith.constant dense<0.000000e+00> : vector<2048xf32>
    %reduce_sum3A_43 = vector.multi_reduction <add>, %exp3A_42, %reduce_sum3A [1] : vector<2048x8xf32> to vector<2048xf32>
    %broadcast_in_dim3A_44 = vector.shape_cast %reduce_sum3A_43 : vector<2048xf32> to vector<2048x1xf32>
    %div3A_45 = vector.broadcast %broadcast_in_dim3A_44 : vector<2048x1xf32> to vector<2048x8xf32>
    %div3A_46 = arith.divf %exp3A_42, %div3A_45 : vector<2048x8xf32>
    %reduce_sum3A_47 = arith.constant dense<0.000000e+00> : vector<8xf32>
    %reduce_sum3A_48 = vector.multi_reduction <add>, %div3A_46, %reduce_sum3A_47 [0] : vector<2048x8xf32> to vector<8xf32>
    %broadcast_in_dim3A_49 = vector.shape_cast %reduce_sum3A_48 : vector<8xf32> to vector<1x8xf32>
    %div3A_50 = arith.constant 2.048000e+03 : f32
    %div3A_51 = vector.broadcast %div3A_50 : f32 to vector<1x8xf32>
    %div3A_52 = arith.divf %broadcast_in_dim3A_49, %div3A_51 : vector<1x8xf32>
    %eq3A_53 = vector.broadcast %broadcast_in_dim3A_10 : vector<2048x1xi32> to vector<2048x8xi32>
    %eq3A_54 = arith.cmpi eq, %iota3A, %eq3A_53 : vector<2048x8xi32>
    %convert_element_type3A = arith.extui %eq3A_54 : vector<2048x8xi1> to vector<2048x8xi32>
    %convert_element_type3A_55 = arith.sitofp %convert_element_type3A : vector<2048x8xi32> to vector<2048x8xf32>
    %eq3A_56 = vector.broadcast %broadcast_in_dim3A_26 : vector<2048x1xi32> to vector<2048x8xi32>
    %eq3A_57 = arith.cmpi eq, %iota3A, %eq3A_56 : vector<2048x8xi32>
    %convert_element_type3A_58 = arith.extui %eq3A_57 : vector<2048x8xi1> to vector<2048x8xi32>
    %convert_element_type3A_59 = arith.sitofp %convert_element_type3A_58 : vector<2048x8xi32> to vector<2048x8xf32>
    %reduce_sum3A_60 = arith.constant dense<0.000000e+00> : vector<8xf32>
    %reduce_sum3A_61 = vector.multi_reduction <add>, %convert_element_type3A_55, %reduce_sum3A_60 [0] : vector<2048x8xf32> to vector<8xf32>
    %broadcast_in_dim3A_62 = vector.shape_cast %reduce_sum3A_61 : vector<8xf32> to vector<1x8xf32>
    %reduce_sum3A_63 = arith.constant dense<0.000000e+00> : vector<8xf32>
    %reduce_sum3A_64 = vector.multi_reduction <add>, %convert_element_type3A_59, %reduce_sum3A_63 [0] : vector<2048x8xf32> to vector<8xf32>
    %broadcast_in_dim3A_65 = vector.shape_cast %reduce_sum3A_64 : vector<8xf32> to vector<1x8xf32>
    %add3A_66 = arith.addf %broadcast_in_dim3A_62, %broadcast_in_dim3A_65 : vector<1x8xf32>
    %mul3A = arith.constant 4.8828125E-4 : f32
    %mul3A_67 = vector.broadcast %mul3A : f32 to vector<1x8xf32>
    %mul3A_68 = arith.mulf %add3A_66, %mul3A_67 : vector<1x8xf32>
    %mul3A_69 = arith.mulf %mul3A_68, %div3A_52 : vector<1x8xf32>
    %mul3A_70 = arith.constant 8.000000e-02 : f32
    %mul3A_71 = vector.broadcast %mul3A_70 : f32 to vector<1x8xf32>
    %mul3A_72 = arith.mulf %mul3A_69, %mul3A_71 : vector<1x8xf32>
    %reduce_sum3A_73 = arith.constant dense<0.000000e+00> : vector<1xf32>
    %reduce_sum3A_74 = vector.multi_reduction <add>, %mul3A_72, %reduce_sum3A_73 [1] : vector<1x8xf32> to vector<1xf32>
    %broadcast_in_dim3A_75 = vector.shape_cast %reduce_sum3A_74 : vector<1xf32> to vector<1x1xf32>
    %swap3A_76 = arith.constant 0 : index
    %swap3A_77 = arith.constant 0 : index
    %swap3A_78 = vector.load %arg8[%swap3A_76, %swap3A_77] : memref<1x1xf32, #tpu.memory_space<vmem>>, vector<1x1xf32>
    tpu.vector_store %arg8[%swap3A_76, %swap3A_77], %broadcast_in_dim3A_75 {strides = array<i32>} : memref<1x1xf32, #tpu.memory_space<vmem>>, vector<1x1xf32>,
    %iota3A_79 = tpu.iota {dimensions = array<i32: 0>} : vector<2048x2048xi32>
    %iota3A_80 = tpu.iota {dimensions = array<i32: 1>} : vector<2048x2048xi32>
    %lt3A = arith.cmpi slt, %iota3A_80, %iota3A_79 : vector<2048x2048xi32>
    %convert_element_type3A_81 = arith.extui %lt3A : vector<2048x2048xi1> to vector<2048x2048xi32>
    %convert_element_type3A_82 = arith.sitofp %convert_element_type3A_81 : vector<2048x2048xi32> to vector<2048x2048xf32>
    %convert_element_type3A_83 = arith.truncf %convert_element_type3A_82 : vector<2048x2048xf32> to vector<2048x2048xbf16>
    %concatenate3A = tpu.concatenate %convert_element_type3A_55, %convert_element_type3A_59 in 1 : vector<2048x8xf32>, vector<2048x8xf32> -> vector<2048x16xf32>
    %convert_element_type3A_84 = arith.truncf %concatenate3A : vector<2048x16xf32> to vector<2048x16xbf16>
    %dot_general3A_85 = arith.constant dense<0.000000e+00> : vector<2048x16xf32>
    %dot_general3A_86 = tpu.matmul %convert_element_type3A_83, %convert_element_type3A_84, %dot_general3A_85 {dimension_numbers = #tpu.dot_dimension_numbers<[1], [0], [0], [1], [0, 0, 1, 1], [], []>, transpose_lhs_hint = false} : vector<2048x2048xbf16>, vector<2048x16xbf16>, vector<2048x16xf32> -> vector<2048x16xf32>
    %slice3A = vector.extract_strided_slice %dot_general3A_86 {offsets = [0, 0], sizes = [2048, 8], strides = [1, 1]} : vector<2048x16xf32> to vector<2048x8xf32>
    %slice3A_87 = vector.extract_strided_slice %dot_general3A_86 {offsets = [0, 8], sizes = [2048, 8], strides = [1, 1]} : vector<2048x16xf32> to vector<2048x8xf32>
    %add3A_88 = arith.constant 2.550000e+02 : f32
    %add3A_89 = vector.broadcast %add3A_88 : f32 to vector<1x8xf32>
    %add3A_90 = arith.addf %add3A_66, %add3A_89 : vector<1x8xf32>
    %mul3A_91 = arith.constant 3.906250e-03 : f32
    %mul3A_92 = vector.broadcast %mul3A_91 : f32 to vector<1x8xf32>
    %mul3A_93 = arith.mulf %add3A_90, %mul3A_92 : vector<1x8xf32>
    %floor3A = math.floor %mul3A_93 : vector<1x8xf32>
    %mul3A_94 = arith.constant 2.560000e+02 : f32
    %mul3A_95 = vector.broadcast %mul3A_94 : f32 to vector<1x8xf32>
    %mul3A_96 = arith.mulf %floor3A, %mul3A_95 : vector<1x8xf32>
    %iota3A_97 = tpu.iota {dimensions = array<i32: 0>} : vector<8x8xi32>
    %iota3A_98 = tpu.iota {dimensions = array<i32: 1>} : vector<8x8xi32>
    %lt3A_99 = arith.cmpi slt, %iota3A_97, %iota3A_98 : vector<8x8xi32>
    %convert_element_type3A_100 = arith.extui %lt3A_99 : vector<8x8xi1> to vector<8x8xi32>
    %convert_element_type3A_101 = arith.sitofp %convert_element_type3A_100 : vector<8x8xi32> to vector<8x8xf32>
    %dot_general3A_102 = arith.constant dense<0.000000e+00> : vector<1x8xf32>
    %dot_general3A_103 = tpu.matmul %mul3A_96, %convert_element_type3A_101, %dot_general3A_102 {dimension_numbers = #tpu.dot_dimension_numbers<[1], [0], [0], [1], [0, 0, 1, 1], [], []>, transpose_lhs_hint = false} : vector<1x8xf32>, vector<8x8xf32>, vector<1x8xf32> -> vector<1x8xf32>
    %add3A_104 = arith.addf %dot_general3A_103, %mul3A_96 : vector<1x8xf32>
    %reduce_sum3A_105 = arith.constant dense<0.000000e+00> : vector<1xf32>
    %reduce_sum3A_106 = vector.multi_reduction <add>, %mul3A_96, %reduce_sum3A_105 [1] : vector<1x8xf32> to vector<1xf32>
    %broadcast_in_dim3A_107 = vector.shape_cast %reduce_sum3A_106 : vector<1xf32> to vector<1x1xf32>
    %mul3A_108 = arith.constant 3.906250e-03 : f32
    %mul3A_109 = vector.broadcast %mul3A_108 : f32 to vector<1x1xf32>
    %mul3A_110 = arith.mulf %broadcast_in_dim3A_107, %mul3A_109 : vector<1x1xf32>
    %convert_element_type3A_111 = arith.fptosi %mul3A_110 : vector<1x1xf32> to vector<1x1xi32>
    %swap3A_112 = arith.constant 0 : index
    %swap3A_113 = arith.constant 0 : index
    %swap3A_114 = vector.load %arg7[%swap3A_112, %swap3A_113] : memref<1x1xi32, #tpu.memory_space<vmem>>, vector<1x1xi32>
    tpu.vector_store %arg7[%swap3A_112, %swap3A_113], %convert_element_type3A_111 {strides = array<i32>} : memref<1x1xi32, #tpu.memory_space<vmem>>, vector<1x1xi32>,
    %add3A_115 = vector.broadcast %dot_general3A_103 : vector<1x8xf32> to vector<2048x8xf32>
    %add3A_116 = arith.addf %add3A_115, %slice3A : vector<2048x8xf32>
    %mul3A_117 = arith.mulf %convert_element_type3A_55, %add3A_116 : vector<2048x8xf32>
    %reduce_sum3A_118 = arith.constant dense<0.000000e+00> : vector<2048xf32>
    %reduce_sum3A_119 = vector.multi_reduction <add>, %mul3A_117, %reduce_sum3A_118 [1] : vector<2048x8xf32> to vector<2048xf32>
    %broadcast_in_dim3A_120 = vector.shape_cast %reduce_sum3A_119 : vector<2048xf32> to vector<2048x1xf32>
    %add3A_121 = arith.addf %dot_general3A_103, %broadcast_in_dim3A_62 : vector<1x8xf32>
    %add3A_122 = vector.broadcast %add3A_121 : vector<1x8xf32> to vector<2048x8xf32>
    %add3A_123 = arith.addf %add3A_122, %slice3A_87 : vector<2048x8xf32>
    %mul3A_124 = arith.mulf %convert_element_type3A_59, %add3A_123 : vector<2048x8xf32>
    %reduce_sum3A_125 = arith.constant dense<0.000000e+00> : vector<2048xf32>
    %reduce_sum3A_126 = vector.multi_reduction <add>, %mul3A_124, %reduce_sum3A_125 [1] : vector<2048x8xf32> to vector<2048xf32>
    %broadcast_in_dim3A_127 = vector.shape_cast %reduce_sum3A_126 : vector<2048xf32> to vector<2048x1xf32>
    %convert_element_type3A_128 = arith.fptosi %broadcast_in_dim3A_120 : vector<2048x1xf32> to vector<2048x1xi32>
    %swap3A_129 = arith.constant 0 : index
    %swap3A_130 = arith.constant 0 : index
    %swap3A_131 = vector.load %arg2[%swap3A_129, %swap3A_130] : memref<2048x1xi32, #tpu.memory_space<vmem>>, vector<2048x1xi32>
    tpu.vector_store %arg2[%swap3A_129, %swap3A_130], %convert_element_type3A_128 {strides = array<i32>} : memref<2048x1xi32, #tpu.memory_space<vmem>>, vector<2048x1xi32>,
    %convert_element_type3A_132 = arith.fptosi %broadcast_in_dim3A_127 : vector<2048x1xf32> to vector<2048x1xi32>
    %swap3A_133 = arith.constant 0 : index
    %swap3A_134 = arith.constant 0 : index
    %swap3A_135 = vector.load %arg3[%swap3A_133, %swap3A_134] : memref<2048x1xi32, #tpu.memory_space<vmem>>, vector<2048x1xi32>
    tpu.vector_store %arg3[%swap3A_133, %swap3A_134], %convert_element_type3A_132 {strides = array<i32>} : memref<2048x1xi32, #tpu.memory_space<vmem>>, vector<2048x1xi32>,
    %iota3A_136 = tpu.iota {dimensions = array<i32: 0>} : vector<24x8xi32>
    %convert_element_type3A_137 = arith.sitofp %iota3A_136 : vector<24x8xi32> to vector<24x8xf32>
    %mul3A_138 = arith.constant 2.560000e+02 : f32
    %mul3A_139 = vector.broadcast %mul3A_138 : f32 to vector<24x8xf32>
    %mul3A_140 = arith.mulf %convert_element_type3A_137, %mul3A_139 : vector<24x8xf32>
    %le3A = vector.broadcast %add3A_104 : vector<1x8xf32> to vector<24x8xf32>
    %le3A_141 = arith.cmpf ole, %le3A, %mul3A_140 : vector<24x8xf32>
    %convert_element_type3A_142 = arith.extui %le3A_141 : vector<24x8xi1> to vector<24x8xi32>
    %convert_element_type3A_143 = arith.sitofp %convert_element_type3A_142 : vector<24x8xi32> to vector<24x8xf32>
    %reduce_sum3A_144 = arith.constant dense<0.000000e+00> : vector<24xf32>
    %reduce_sum3A_145 = vector.multi_reduction <add>, %convert_element_type3A_143, %reduce_sum3A_144 [1] : vector<24x8xf32> to vector<24xf32>
    %broadcast_in_dim3A_146 = vector.shape_cast %reduce_sum3A_145 : vector<24xf32> to vector<24x1xf32>
    %sub3A_147 = arith.constant 2.560000e+02 : f32
    %sub3A_148 = vector.broadcast %sub3A_147 : f32 to vector<1x1xf32>
    %sub3A_149 = arith.subf %broadcast_in_dim3A_107, %sub3A_148 : vector<1x1xf32>
    %le3A_150 = vector.broadcast %sub3A_149 : vector<1x1xf32> to vector<1x8xf32>
    %le3A_151 = arith.cmpf ole, %add3A_104, %le3A_150 : vector<1x8xf32>
    %convert_element_type3A_152 = arith.extui %le3A_151 : vector<1x8xi1> to vector<1x8xi32>
    %convert_element_type3A_153 = arith.sitofp %convert_element_type3A_152 : vector<1x8xi32> to vector<1x8xf32>
    %reduce_sum3A_154 = vector.shape_cast %convert_element_type3A_153 : vector<1x8xf32> to vector<1x1x8xf32>
    %reduce_sum3A_155 = arith.constant dense<0.000000e+00> : vector<1xf32>
    %reduce_sum3A_156 = vector.multi_reduction <add>, %reduce_sum3A_154, %reduce_sum3A_155 [1, 2] : vector<1x1x8xf32> to vector<1xf32>
    %reduce_sum3A_157 = vector.shape_cast %reduce_sum3A_156 : vector<1xf32> to vector<1x1x1xf32>
    %reduce_sum3A_158 = vector.extract %reduce_sum3A_157[0, 0, 0] : f32 from vector<1x1x1xf32>
    %min3A = vector.broadcast %reduce_sum3A_158 : f32 to vector<24x1xf32>
    %min3A_159 = arith.minimumf %broadcast_in_dim3A_146, %min3A : vector<24x1xf32>
    %convert_element_type3A_160 = arith.fptosi %min3A_159 : vector<24x1xf32> to vector<24x1xi32>
    %swap3A_161 = arith.constant 0 : index
    %swap3A_162 = arith.constant 0 : index
    %swap3A_163 = vector.load %arg6[%swap3A_161, %swap3A_162] : memref<24x1xi32, #tpu.memory_space<vmem>>, vector<24x1xi32>
    tpu.vector_store %arg6[%swap3A_161, %swap3A_162], %convert_element_type3A_160 {strides = array<i32>} : memref<24x1xi32, #tpu.memory_space<vmem>>, vector<24x1xi32>,
    return
  }
}

module attributes {stable_mosaic.version = 14 : i64} {
  func.func @_expert_body(%arg0: i32, %arg1: memref<24xi32, #tpu.memory_space<smem>>, %arg2: memref<1xi32, #tpu.memory_space<smem>>, %arg3: memref<256x768xf32, #tpu.memory_space<vmem>>, %arg4: memref<8x768x768xbf16, #tpu.memory_space<vmem>>, %arg5: memref<8x768x768xbf16, #tpu.memory_space<vmem>>, %arg6: memref<8x1x768xf32, #tpu.memory_space<vmem>>, %arg7: memref<8x1x768xf32, #tpu.memory_space<vmem>>, %arg8: memref<8x768x768xbf16, #tpu.memory_space<vmem>>, %arg9: memref<8x1x768xf32, #tpu.memory_space<vmem>>, %arg10: memref<256x768xf32, #tpu.memory_space<vmem>>) attributes {dimension_semantics = [#tpu.dimension_semantics<arbitrary>], iteration_bounds = array<i64: 24>, scalar_prefetch = 2 : i64, scratch_operands = 0 : i64, tpu.core_type = #tpu.core_type<tc>, window_params = [{transform_indices = @transform_0, window_bounds = array<i64: 256, 768>}, {pipeline_mode = #tpu.pipeline_mode<synchronous>, transform_indices = @transform_1, window_bounds = array<i64: 8, 768, 768>}, {pipeline_mode = #tpu.pipeline_mode<synchronous>, transform_indices = @transform_2, window_bounds = array<i64: 8, 768, 768>}, {pipeline_mode = #tpu.pipeline_mode<synchronous>, transform_indices = @transform_3, window_bounds = array<i64: 8, 1, 768>}, {pipeline_mode = #tpu.pipeline_mode<synchronous>, transform_indices = @transform_4, window_bounds = array<i64: 8, 1, 768>}, {pipeline_mode = #tpu.pipeline_mode<synchronous>, transform_indices = @transform_5, window_bounds = array<i64: 8, 768, 768>}, {pipeline_mode = #tpu.pipeline_mode<synchronous>, transform_indices = @transform_6, window_bounds = array<i64: 8, 1, 768>}, {transform_indices = @transform_7, window_bounds = array<i64: 256, 768>}]} {
    %get3A = arith.constant 0 : index
    %get3A_0 = memref.load %arg2[%get3A] : memref<1xi32, #tpu.memory_space<smem>>
    %lt3A = arith.cmpi slt, %arg0, %get3A_0 : i32
    %convert_element_type3A = arith.extui %lt3A : i1 to i32
    %cond3A = arith.constant 0 : i32
    %cond3A_1 = arith.cmpi ne, %convert_element_type3A, %cond3A : i32
    scf.if %cond3A_1 {
      %get3A_2 = arith.index_cast %arg0 : i32 to index
      %get3A_3 = memref.load %arg1[%get3A_2] : memref<24xi32, #tpu.memory_space<smem>>
      %get3A_4 = arith.constant 0 : index
      %get3A_5 = arith.constant 0 : index
      %get3A_6 = vector.load %arg3[%get3A_4, %get3A_5] : memref<256x768xf32, #tpu.memory_space<vmem>>, vector<256x768xf32>
      %convert_element_type3A_7 = arith.truncf %get3A_6 : vector<256x768xf32> to vector<256x768xbf16>
      %get3A_8 = arith.index_cast %get3A_3 : i32 to index
      %get3A_9 = arith.constant 0 : index
      %get3A_10 = arith.constant 0 : index
      %get3A_11 = vector.load %arg4[%get3A_8, %get3A_9, %get3A_10] : memref<8x768x768xbf16, #tpu.memory_space<vmem>>, vector<1x768x768xbf16>
      %get3A_12 = vector.shape_cast %get3A_11 : vector<1x768x768xbf16> to vector<768x768xbf16>
      %dot_general3A = arith.constant dense<0.000000e+00> : vector<256x768xf32>
      %dot_general3A_13 = tpu.matmul %convert_element_type3A_7, %get3A_12, %dot_general3A {dimension_numbers = #tpu.dot_dimension_numbers<[1], [1], [0], [0], [0, 0, 1, 0], [], []>, transpose_lhs_hint = false} : vector<256x768xbf16>, vector<768x768xbf16>, vector<256x768xf32> -> vector<256x768xf32>
      %get3A_14 = arith.index_cast %get3A_3 : i32 to index
      %get3A_15 = arith.constant 0 : index
      %get3A_16 = arith.constant 0 : index
      %get3A_17 = vector.load %arg5[%get3A_14, %get3A_15, %get3A_16] : memref<8x768x768xbf16, #tpu.memory_space<vmem>>, vector<1x768x768xbf16>
      %get3A_18 = vector.shape_cast %get3A_17 : vector<1x768x768xbf16> to vector<768x768xbf16>
      %dot_general3A_19 = arith.constant dense<0.000000e+00> : vector<256x768xf32>
      %dot_general3A_20 = tpu.matmul %convert_element_type3A_7, %get3A_18, %dot_general3A_19 {dimension_numbers = #tpu.dot_dimension_numbers<[1], [1], [0], [0], [0, 0, 1, 0], [], []>, transpose_lhs_hint = false} : vector<256x768xbf16>, vector<768x768xbf16>, vector<256x768xf32> -> vector<256x768xf32>
      %get3A_21 = arith.index_cast %get3A_3 : i32 to index
      %get3A_22 = arith.constant 0 : index
      %get3A_23 = arith.constant 0 : index
      %get3A_24 = vector.load %arg6[%get3A_21, %get3A_22, %get3A_23] : memref<8x1x768xf32, #tpu.memory_space<vmem>>, vector<1x1x768xf32>
      %get3A_25 = vector.shape_cast %get3A_24 : vector<1x1x768xf32> to vector<1x768xf32>
      %add3A = vector.broadcast %get3A_25 : vector<1x768xf32> to vector<256x768xf32>
      %add3A_26 = arith.addf %dot_general3A_13, %add3A : vector<256x768xf32>
      %min3A = arith.constant 7.000000e+00 : f32
      %min3A_27 = vector.broadcast %min3A : f32 to vector<256x768xf32>
      %min3A_28 = arith.minimumf %add3A_26, %min3A_27 : vector<256x768xf32>
      %get3A_29 = arith.index_cast %get3A_3 : i32 to index
      %get3A_30 = arith.constant 0 : index
      %get3A_31 = arith.constant 0 : index
      %get3A_32 = vector.load %arg7[%get3A_29, %get3A_30, %get3A_31] : memref<8x1x768xf32, #tpu.memory_space<vmem>>, vector<1x1x768xf32>
      %get3A_33 = vector.shape_cast %get3A_32 : vector<1x1x768xf32> to vector<1x768xf32>
      %add3A_34 = vector.broadcast %get3A_33 : vector<1x768xf32> to vector<256x768xf32>
      %add3A_35 = arith.addf %dot_general3A_20, %add3A_34 : vector<256x768xf32>
      %jit3A = arith.constant -7.000000e+00 : f32
      %jit3A_36 = arith.constant 7.000000e+00 : f32
      %max3A = vector.broadcast %jit3A : f32 to vector<256x768xf32>
      %max3A_37 = arith.maximumf %max3A, %add3A_35 : vector<256x768xf32>
      %min3A_38 = vector.broadcast %jit3A_36 : f32 to vector<256x768xf32>
      %min3A_39 = arith.minimumf %min3A_38, %max3A_37 : vector<256x768xf32>
      %mul3A = arith.constant -1.702000e+00 : f32
      %mul3A_40 = vector.broadcast %mul3A : f32 to vector<256x768xf32>
      %mul3A_41 = arith.mulf %mul3A_40, %min3A_28 : vector<256x768xf32>
      %exp3A = math.exp %mul3A_41 : vector<256x768xf32>
      %add3A_42 = arith.constant 1.000000e+00 : f32
      %add3A_43 = vector.broadcast %add3A_42 : f32 to vector<256x768xf32>
      %add3A_44 = arith.addf %add3A_43, %exp3A : vector<256x768xf32>
      %div3A = arith.constant 1.000000e+00 : f32
      %div3A_45 = vector.broadcast %div3A : f32 to vector<256x768xf32>
      %div3A_46 = arith.divf %div3A_45, %add3A_44 : vector<256x768xf32>
      %mul3A_47 = arith.mulf %min3A_28, %div3A_46 : vector<256x768xf32>
      %add3A_48 = arith.constant 1.000000e+00 : f32
      %add3A_49 = vector.broadcast %add3A_48 : f32 to vector<256x768xf32>
      %add3A_50 = arith.addf %min3A_39, %add3A_49 : vector<256x768xf32>
      %mul3A_51 = arith.mulf %mul3A_47, %add3A_50 : vector<256x768xf32>
      %convert_element_type3A_52 = arith.truncf %mul3A_51 : vector<256x768xf32> to vector<256x768xbf16>
      %get3A_53 = arith.index_cast %get3A_3 : i32 to index
      %get3A_54 = arith.constant 0 : index
      %get3A_55 = arith.constant 0 : index
      %get3A_56 = vector.load %arg8[%get3A_53, %get3A_54, %get3A_55] : memref<8x768x768xbf16, #tpu.memory_space<vmem>>, vector<1x768x768xbf16>
      %get3A_57 = vector.shape_cast %get3A_56 : vector<1x768x768xbf16> to vector<768x768xbf16>
      %dot_general3A_58 = arith.constant dense<0.000000e+00> : vector<256x768xf32>
      %dot_general3A_59 = tpu.matmul %convert_element_type3A_52, %get3A_57, %dot_general3A_58 {dimension_numbers = #tpu.dot_dimension_numbers<[1], [1], [0], [0], [0, 0, 1, 0], [], []>, transpose_lhs_hint = false} : vector<256x768xbf16>, vector<768x768xbf16>, vector<256x768xf32> -> vector<256x768xf32>
      %get3A_60 = arith.index_cast %get3A_3 : i32 to index
      %get3A_61 = arith.constant 0 : index
      %get3A_62 = arith.constant 0 : index
      %get3A_63 = vector.load %arg9[%get3A_60, %get3A_61, %get3A_62] : memref<8x1x768xf32, #tpu.memory_space<vmem>>, vector<1x1x768xf32>
      %get3A_64 = vector.shape_cast %get3A_63 : vector<1x1x768xf32> to vector<1x768xf32>
      %add3A_65 = vector.broadcast %get3A_64 : vector<1x768xf32> to vector<256x768xf32>
      %add3A_66 = arith.addf %dot_general3A_59, %add3A_65 : vector<256x768xf32>
      %swap3A = arith.constant 0 : index
      %swap3A_67 = arith.constant 0 : index
      %swap3A_68 = vector.load %arg10[%swap3A, %swap3A_67] : memref<256x768xf32, #tpu.memory_space<vmem>>, vector<256x768xf32>
      tpu.vector_store %arg10[%swap3A, %swap3A_67], %add3A_66 {strides = array<i32>} : memref<256x768xf32, #tpu.memory_space<vmem>>, vector<256x768xf32>,
    } else {
    }
    return
  }
  func.func @transform_0(%arg0: i32, %arg1: memref<24xi32, #tpu.memory_space<smem>>, %arg2: memref<1xi32, #tpu.memory_space<smem>>) -> (i32, i32) {
    %c0_i32 = arith.constant 0 : i32
    %c0_i32_0 = arith.constant 0 : i32
    return %arg0, %c0_i32 : i32, i32
  }
  func.func @transform_1(%arg0: i32, %arg1: memref<24xi32, #tpu.memory_space<smem>>, %arg2: memref<1xi32, #tpu.memory_space<smem>>) -> (i32, i32, i32) {
    %c0_i32 = arith.constant 0 : i32
    %c0_i32_0 = arith.constant 0 : i32
    %c0_i32_1 = arith.constant 0 : i32
    %c0_i32_2 = arith.constant 0 : i32
    return %c0_i32, %c0_i32_0, %c0_i32_1 : i32, i32, i32
  }
  func.func @transform_2(%arg0: i32, %arg1: memref<24xi32, #tpu.memory_space<smem>>, %arg2: memref<1xi32, #tpu.memory_space<smem>>) -> (i32, i32, i32) {
    %c0_i32 = arith.constant 0 : i32
    %c0_i32_0 = arith.constant 0 : i32
    %c0_i32_1 = arith.constant 0 : i32
    %c0_i32_2 = arith.constant 0 : i32
    return %c0_i32, %c0_i32_0, %c0_i32_1 : i32, i32, i32
  }
  func.func @transform_3(%arg0: i32, %arg1: memref<24xi32, #tpu.memory_space<smem>>, %arg2: memref<1xi32, #tpu.memory_space<smem>>) -> (i32, i32, i32) {
    %c0_i32 = arith.constant 0 : i32
    %c0_i32_0 = arith.constant 0 : i32
    %c0_i32_1 = arith.constant 0 : i32
    %c0_i32_2 = arith.constant 0 : i32
    return %c0_i32, %c0_i32_0, %c0_i32_1 : i32, i32, i32
  }
  func.func @transform_4(%arg0: i32, %arg1: memref<24xi32, #tpu.memory_space<smem>>, %arg2: memref<1xi32, #tpu.memory_space<smem>>) -> (i32, i32, i32) {
    %c0_i32 = arith.constant 0 : i32
    %c0_i32_0 = arith.constant 0 : i32
    %c0_i32_1 = arith.constant 0 : i32
    %c0_i32_2 = arith.constant 0 : i32
    return %c0_i32, %c0_i32_0, %c0_i32_1 : i32, i32, i32
  }
  func.func @transform_5(%arg0: i32, %arg1: memref<24xi32, #tpu.memory_space<smem>>, %arg2: memref<1xi32, #tpu.memory_space<smem>>) -> (i32, i32, i32) {
    %c0_i32 = arith.constant 0 : i32
    %c0_i32_0 = arith.constant 0 : i32
    %c0_i32_1 = arith.constant 0 : i32
    %c0_i32_2 = arith.constant 0 : i32
    return %c0_i32, %c0_i32_0, %c0_i32_1 : i32, i32, i32
  }
  func.func @transform_6(%arg0: i32, %arg1: memref<24xi32, #tpu.memory_space<smem>>, %arg2: memref<1xi32, #tpu.memory_space<smem>>) -> (i32, i32, i32) {
    %c0_i32 = arith.constant 0 : i32
    %c0_i32_0 = arith.constant 0 : i32
    %c0_i32_1 = arith.constant 0 : i32
    %c0_i32_2 = arith.constant 0 : i32
    return %c0_i32, %c0_i32_0, %c0_i32_1 : i32, i32, i32
  }
  func.func @transform_7(%arg0: i32, %arg1: memref<24xi32, #tpu.memory_space<smem>>, %arg2: memref<1xi32, #tpu.memory_space<smem>>) -> (i32, i32) {
    %c0_i32 = arith.constant 0 : i32
    %c0_i32_0 = arith.constant 0 : i32
    return %arg0, %c0_i32 : i32, i32
  }
}

</mosaic_0001>

<sc_bundles>
// kernel: kernel.6.cloned.1.call-start
scs
__scs_entry_jumppad:
0x0: {  	(pc) =	sbr.rel $0x88, $3  }
0x1: {  	(tag) =	ssettag $0x0;
	lr =	simm.s32 $0x1  }
0x2: {  	[smem:$0x3F9B] =	sst lr;
	_ =	strace $0xD0000000  }
0x3: {  	_ = 	snop  }
0x4: {  	_ = 	snop  }
0x5: {  	_ = 	snop  }
0x6: {  	_ = 	snop  }
0x7: {  	_ = 	snop  }
__scs_overlays_trampoline_lowered:
0x8: {  	[smem:$0x3FAA] =	sst s0  }
0x9: {  	[smem:$0x3FAB] =	sst s1  }
0xa: {  	[smem:$0x3FAC] =	sst s2  }
0xb: {  	[smem:$0x3FAD] =	sst s3  }
0xc: {  	[smem:$0x3FAE] =	sst s4  }
0xd: {  	[smem:$0x3FAF] =	sst s5  }
0xe: {  	[smem:$0x3FB0] =	sst s6  }
0xf: {  	[smem:$0x3FB1] =	sst s7  }
0x10: {  	[smem:$0x3FB2] =	sst s8  }
0x11: {  	[smem:$0x3FB3] =	sst s9;
	s0 =	simm.s32 @!p0 $0x0  }
0x12: {  	s1 =	sld [smem:$0x3F99];
	s0 =	simm.s32 @p0 $0x1  }
0x13: {  	[smem:$0x3FB4] =	sst s0;
	s0 =	simm.s32 @!p1 $0x0  }
0x14: {  	s2 =	sld [smem:$0x3F98];
	s0 =	simm.s32 @p1 $0x1  }
0x15: {  	[smem:$0x3FB5] =	sst s0;
	s0 =	simm.s32 @!p2 $0x0  }
0x16: {  	s3 =	sld [smem:$0x3FDB];
	s0 =	simm.s32 @p2 $0x1  }
0x17: {  	s4 =	simm.s32 $0x1BF5;
	[smem:$0x3FB7] =	sst s0  }
0x18: {  	s0 =	sld [smem:$0x3F9A];
	_ =	swait.ge [sflag:s4], $0x0  }
0x19: {  	s7 =	sld [smem:$0x3F9B]  }
0x1a: {  	s8 =	sadd.s32 $0xFFFFE003, lr  }
0x1b: {  	s9 =	sadd.s32 $0xFFFFFEF7, lr;
	s5 =	simm.s32 $0xFFFFFFFF;
	p2 =	slt.u32 s8, $0xFFFFF086  }
0x1c: {  	p1 =	slt.u32 s9, $0xF7A;
	s5 =	simm.s32 @!p2 $0x0  }
0x1d: {  	s5 =	simm.s32 @p1 $0x1;
	p0 =	seq.s32 s7, s2  }
0x1e: {  	s7 =	smul.u32 @!p0 $0xF7A, s2;
	p2 =	seq.s32 @!p0 s5, $0x0  }
0x1f: {  	s9 =	smul.u32 $0xF7A, s1;
	s8 =	simm.s32 @!p0 $0x1BF5;
	p2 =	por !p2, p0  }
0x20: {  	[sflag:s8] =	ssyncset.s32 @!p0 $0xFFFFF086;
	s6 =	sadd.s32 @!p0 s3, s7;
	s7 =	simm.s32 @!p0 $0x108  }
0x21: {  	s3 =	sadd.s32 s3, s9;
	s6 =	sadd.s32 @!p0 $0x88, s6;
	s7 =	simm.s32 @p2 $0x1082  }
0x22: {  	[simem:s7], [sflag:s8] =	dma.local @!p0 [hbm:s6], $0xF7A  }
0x23: {  	s9 =	sor.u32 $0xD0000000, s2;
	s6 =	simm.s32 $0x108;
	_ =	swait.ge @!p0 [sflag:s8], $0x0  }
0x24: {  	s3 =	sadd.s32 $0x88, s3;
	s6 =	simm.s32 @!p1 $0x1082;
	[sflag:s4] =	ssyncset.s32 $0xFFFFF086  }
0x25: {  	[simem:s6], [sflag:s4] =	dma.local [hbm:s3], $0xF7A  }
0x26: {  	[smem:$0x3F9B] =	sst s1;
	(tag) =	ssettag s2;
	_ =	strace s9  }
0x27: {  	s1 =	sld [smem:$0x3FAB]  }
0x28: {  	s2 =	sld [smem:$0x3FAC]  }
0x29: {  	s4 =	sld [smem:$0x3FAE]  }
0x2a: {  	p0 =	seq.s32 s5, $0x0;
	s5 =	sld [smem:$0x3FAF]  }
0x2b: {  	s6 =	sld [smem:$0x3FB0]  }
0x2c: {  	s7 =	sld [smem:$0x3FB1]  }
0x2d: {  	s3 =	simm.s32 $0x108;
	s8 =	sld [smem:$0x3FB2]  }
0x2e: {  	s3 =	simm.s32 @!p0 $0x1082;
	s9 =	sld [smem:$0x3FB3]  }
0x2f: {  	lr =	sadd.s32 s0, s3;
	s0 =	sld [smem:$0x3FAA]  }
0x30: {  	s3 =	sld [smem:$0x3FAD]  }
0x31: {  	[smem:$0x3FB6] =	sst s10  }
0x32: {  	s10 =	sld [smem:$0x3FB4];
	_ =	sdelay $0x3  }
0x33: {  	p0 =	seq.s32 s10, $0x1;
	s10 =	sld [smem:$0x3FB6];
	_ =	sdelay $0x3  }
0x34: {  	[smem:$0x3FB6] =	sst s10  }
0x35: {  	s10 =	sld [smem:$0x3FB5];
	_ =	sdelay $0x3  }
0x36: {  	p1 =	seq.s32 s10, $0x1;
	s10 =	sld [smem:$0x3FB6];
	_ =	sdelay $0x3  }
0x37: {  	[smem:$0x3FB6] =	sst s10  }
0x38: {  	s10 =	sld [smem:$0x3FB7]  }
0x39: {  	_ = 	snop;
	(pc) =	sbr.ind lr, $3  }
0x3a: {  	_ = 	snop  }
0x3b: {  	_ = 	snop  }
0x3c: {  	p2 =	seq.s32 s10, $0x1;
	s10 =	sld [smem:$0x3FB6]  }
0x3d: {  	_ =	shalt  }
0x3e: {  	_ =	shalt  }
0x3f: {  	_ =	shalt  }
0x40: {  	_ =	shalt  }
0x41: {  	_ =	shalt  }
0x42: {  	_ =	shalt  }
0x43: {  	_ =	shalt  }
0x44: {  	_ =	shalt  }
0x45: {  	_ =	shalt  }
0x46: {  	_ =	shalt  }
0x47: {  	_ =	shalt  }
0x48: {  	_ =	shalt  }
0x49: {  	_ =	shalt  }
0x4a: {  	_ =	shalt  }
0x4b: {  	_ =	shalt  }
0x4c: {  	_ =	shalt  }
0x4d: {  	_ =	shalt  }
0x4e: {  	_ =	shalt  }
0x4f: {  	_ =	shalt  }
0x50: {  	_ =	shalt  }
0x51: {  	_ =	shalt  }
0x52: {  	_ =	shalt  }
0x53: {  	_ =	shalt  }
0x54: {  	_ =	shalt  }
0x55: {  	_ =	shalt  }
0x56: {  	_ =	shalt  }
0x57: {  	_ =	shalt  }
0x58: {  	_ =	shalt  }
0x59: {  	_ =	shalt  }
0x5a: {  	_ =	shalt  }
0x5b: {  	_ =	shalt  }
0x5c: {  	_ =	shalt  }
0x5d: {  	_ =	shalt  }
0x5e: {  	_ =	shalt  }
0x5f: {  	_ =	shalt  }
0x60: {  	_ =	shalt  }
0x61: {  	_ =	shalt  }
0x62: {  	_ =	shalt  }
0x63: {  	_ =	shalt  }
0x64: {  	_ =	shalt  }
0x65: {  	_ =	shalt  }
0x66: {  	_ =	shalt  }
0x67: {  	_ =	shalt  }
0x68: {  	_ =	shalt  }
0x69: {  	_ =	shalt  }
0x6a: {  	_ =	shalt  }
0x6b: {  	_ =	shalt  }
0x6c: {  	_ =	shalt  }
0x6d: {  	_ =	shalt  }
0x6e: {  	_ =	shalt  }
0x6f: {  	_ =	shalt  }
0x70: {  	_ =	shalt  }
0x71: {  	_ =	shalt  }
0x72: {  	_ =	shalt  }
0x73: {  	_ =	shalt  }
0x74: {  	_ =	shalt  }
0x75: {  	_ =	shalt  }
0x76: {  	_ =	shalt  }
0x77: {  	_ =	shalt  }
0x78: {  	_ =	shalt  }
0x79: {  	_ =	shalt  }
0x7a: {  	_ =	shalt  }
0x7b: {  	_ =	shalt  }
0x7c: {  	_ =	shalt  }
0x7d: {  	_ =	shalt  }
0x7e: {  	_ =	shalt  }
0x7f: {  	_ =	shalt  }
0x80: {  	_ =	shalt  }
0x81: {  	_ =	shalt  }
0x82: {  	_ =	shalt  }
0x83: {  	_ =	shalt  }
0x84: {  	_ =	shalt  }
0x85: {  	_ =	shalt  }
0x86: {  	_ =	shalt  }
0x87: {  	_ =	shalt  }
.Lfunc_end0:
.L_simem_size_0:
called_computation_lowered:
.L_overlay_start_0:
0x88: {  	s2 =	sld [smem:$0x3FD9]  }
0x89: {  	s3 =	sld [smem:$0x3FFE];
	_ =	sdelay $0x1  }
0x8a: {  	s1 =	srdreg.scid  }
0x8b: {  	s0 =	sand.u32 $0x1, s1  }
0x8c: {  	s17 =	sshll.u32 s0, $0xA;
	s2 =	sadd.s32 s3, s2  }
0x8d: {  	s2 =	sadd.s32 s2, s17  }
0x8e: {  	[smem:$0x3FC2] =	sst s2  }
0x8f: {  	_ = 	snop  }
0x90: {  	s2 =	sld [smem:$0x3FC9];
	(tm) =	ssettm $0x1  }
0x91: {  	s18 =	sld [smem:$0x3FFB];
	_ =	sdelay $0x3  }
0x92: {  	_ =	strace s18  }
0x93: {  	s3 =	sld [smem:$0x3FFC];
	_ =	sdelay $0x3  }
0x94: {  	_ =	strace s3  }
0x95: {  	s3 =	sld [smem:$0x3FFD];
	_ =	sdelay $0x3  }
0x96: {  	_ =	strace s3  }
0x97: {  	_ =	strace $0x8FFFFFFF  }
0x98: {  	s19 =	sld [smem:$0x3FDB];
	_ =	sdelay $0x1  }
0x99: {  	s4 =	simm.s32 $_scs_section_size  }
0x9a: {  	s5 =	simm.s32 $_size__tile_overlayer_lowered;
	s6 =	simm.s32 $_tile_overlayer_lowered  }
0x9b: {  	s22 =	simm.s32 $0x1BFF;
	s21 =	sshll.u32 s6, $0x1;
	s3 =	sadd.s32 s4, s19  }
0x9c: {  	s7 =	simm.s32 $0x0;
	s20 =	sshll.u32 s5, $0x1;
	s5 =	sadd.s32 s21, s3  }
0x9d: {  	[timem:s7], [sflag:s22] =	dma.local [hbm:s5], s20  }
0x9e: {  	_ =	swait.ge [sflag:s22], s20  }
0x9f: {  	s4 =	ssub.s32 $0x0, s20;
	[sflag:s22] =	ssyncset.done $0x0  }
0xa0: {  	[sflag:s22] =	ssyncadd.s32 s4;
	_ =	sdelay $0x1  }
0xa1: {  	s23 =	simm.s32 $0x1B8B  }
0xa2: {  	_ =	swait.ge [sflag:s23], $0x1  }
0xa3: {  	[sflag:s23] =	ssyncset.done $0x0  }
0xa4: {  	s25 =	simm.s32 $0x1B8E;
	s24 =	sld [smem:$0x3FFE];
	[sflag:s23] =	ssyncadd.s32 $0xFFFFFFFF  }
0xa5: {  	s26 =	simm.s32 $execute0_lowered;
	[smem:$0x3FD2] =	sst s25  }
0xa6: {  	s5 =	sshll.u32 s26, $0x1;
	_ =	strace $0x80000046;
	[dreg:$0x1] =	wrdreg $0xFFFFFFFF  }
0xa7: {  	s28 =	simm.s32 $_size_execute0_lowered;
	s3 =	sadd.s32 s3, s5;
	[dreg:$0x0] =	wrdreg $0x0  }
0xa8: {  	s5 =	sshll.u32 s28, $0x1;
	[dreg:$0x2] =	wrdreg s3  }
0xa9: {  	[dreg:$0x3] =	wrdreg s5  }
0xaa: {  	[dreg:$0x4] =	wrdreg $0xC0  }
0xab: {  	_ =	task [dreg:s7], $0x5FFFF  }
0xac: {  	[dreg:$0x1] =	wrdreg $0xFFFFFFFF  }
0xad: {  	[dreg:$0x0] =	wrdreg $0x60  }
0xae: {  	[dreg:$0x2] =	wrdreg s2  }
0xaf: {  	[dreg:$0x3] =	wrdreg s24  }
0xb0: {  	[dreg:$0x4] =	wrdreg $0x9  }
0xb1: {  	_ =	task.clear_ibuf [dreg:s7], $0x5FFFF;
	_ =	strace $0x90000046  }
0xb2: {  	s29 =	simm.s32 $0x9;
	_ =	strace $0x80000048  }
0xb3: {  	_ =	swait.ge [sflag:s29], $0x1  }
0xb4: {  	[sflag:s29] =	ssyncadd.s32 $0xFFFFFFFF  }
0xb5: {  	_ =	strace $0x90000048  }
0xb6: {  	_ =	sfence  }
0xb7: {  	s30 =	sld [smem:$0x0];
	_ =	sdelay $0x2  }
0xb8: {  	s31 =	sshll.u32 s1, $0xD;
	s1 =	sshrl.u32 s1, $0x2  }
0xb9: {  	s3 =	sand.u32 $0x4000, s31;
	s1 =	sadd.s32 s1, s30  }
0xba: {  	s0 =	sor.u32 s3, s0;
	s1 =	sshll.u32 s1, $0x11  }
0xbb: {  	s0 =	sor.u32 s1, s0  }
0xbc: {  	s0 =	sadd.s32 $0x8F2B, s0  }
0xbd: {  	[sflag:s0] =	ssyncadd.remote.s32 $0x1  }
0xbe: {  	_ =	sfence.sel $0xFFFF  }
0xbf: {  	[dreg:$0x0] =	wrdreg $0xFFFFFFFF;
	(pc) =	sbr.abs _section_cstart, $3  }
0xc0: {  	[dreg:$0x1] =	wrdreg $0xFFFFFFFF  }
0xc1: {  	_ =	task.clear_ibuf [dreg:s7], $0x2FFFF;
	_ =	strace $0x9FFFFFFF  }
0xc2: {  	(tm) =	ssettm $0x7FFFFFFF  }
0xc3: {  	_ =	shalt  }
tec
execute0_lowered:
.L_overlay_start_1:
0x0: {  	(tag) =	ssettag $0x1  }
0x1: {  	s0 =	rddreg [dreg:$0x0]  }
0x2: {  	s1 =	rddreg [dreg:$0x1];
	s2 =	srdreg.scid  }
0x3: {  	s3 =	stileid.u32;
	s26 =	simm.s32 $0x80;
	s8 =	simm.s32 $0x2  }
0x4: {  	s12 =	simm.s32 $0x2100;
	s13 =	simm.s32 $0x2900;
	s14 =	simm.s32 $0x3100  }
0x5: {  	s15 =	simm.s32 $0x3900;
	s16 =	simm.s32 $0x4100;
	s17 =	simm.s32 $0x4900  }
0x6: {  	s18 =	simm.s32 $0x5100;
	s19 =	simm.s32 $0x5900;
	s20 =	simm.s32 $0x6100  }
0x7: {  	s21 =	simm.s32 $0x6900;
	s22 =	simm.s32 $0x7100;
	s23 =	simm.s32 $0x7900  }
0x8: {  	s28 =	simm.s32 $0x9900;
	s29 =	simm.s32 $0xA100;
	s30 =	simm.s32 $0xA900  }
0x9: {  	s31 =	simm.s32 $0xB100;
	s4 =	sand.u32 $0x1, s2;
	s2 =	simm.s32 $0x0  }
0xa: {  	s3 =	sshll.u32 s3, $0x4;
	s5 =	sshll.u32 s4, $0x3;
	[smem:$0x7FF] =	sst s2  }
0xb: {  	s4 =	ssub.s32 $0x2, s4;
	s5 =	sor.u32 s5, s3;
	_ =	strace $0x80000047  }
0xc: {  	s3 =	sadd.s32 $0x1600, s1;
	s24 =	sshrl.u32 s4, $0x1;
	[dreg:$0x6] =	wrdreg s26  }
0xd: {  	s26 =	simm.s32 $0x9100;
	s6 =	sadd.s32 s5, s1;
	s5 =	smul.u32 $0x300, s5  }
0xe: {  	s25 =	ssub.s32 s4, s24;
	s4 =	sadd.s32 $0x1700, s1;
	s7 =	sadd.s32 $0x1200, s6  }
0xf: {  	s24 =	simm.s32 $0x8100;
	s6 =	sadd.s32 $0x1400, s6;
	[dreg:$0x3] =	wrdreg s7  }
0x10: {  	v2 =	vlaneseq.u32;
	[dreg:$0x4] =	wrdreg s6;
	s0 =	sadd.s32 s0, s5;
	s5 =	sadd.s32 $0x1800, s1  }
0x11: {  	vm0 =	vmmov $0xffff;
	v1 =	vshrl.u32 v2, $0x3;
	s6 =	smax.u32 s25, $0x1;
	s7 =	simm.s32 $0x100;
	s25 =	simm.s32 $0x8900  }
0x12: {  	v0 =	vand.u32 $0x7, v2;
	v2 =	vor.u32 $0x8, v2;
	v1 =	vmul.u32 $0x8, v1;
	s1 =	simm.s32 $0x1;
	[dreg:$0x5] =	wrdreg s0;
	s0 =	simm.s32 $0xB900  }
.LBB2_1:
0x13: {  	s9 =	rddreg [dreg:$0x3]  }
0x14: {  	s10 =	rddreg [dreg:$0x4]  }
0x15: {  	[tilespmem:s2], [sflag:$0x2] =	stream.linear.gather [hbm4b:s9+s2], $0x40, $0x38;
	[tilespmem:$0xC100] =	vst v63  }
0x16: {  	s11 =	rddreg [dreg:$0x6]  }
0x17: {  	[tilespmem:s11], [sflag:$0x2] =	stream.linear.gather [hbm4b:s10+s2], $0x40, $0x38;
	[tilespmem:$0xC100] =	vst v63  }
0x18: {  	s9 =	rddreg [dreg:$0x5]  }
0x19: {  	[tilespmem:s7], [sflag:$0x2] =	stream.linear.gather [hbm4b:s9+s2], $0xC000, $0x38;
	[tilespmem:$0xC100] =	vst v63  }
0x1a: {  	_ =	swait.ge [sflag:s8], $0x40  }
0x1b: {  	[sflag:s8] =	ssyncset.done $0x0  }
0x1c: {  	[sflag:s8] =	ssyncadd.s32 $0xFFFFFFC0  }
0x1d: {  	_ =	swait.ge [sflag:s8], $0x40  }
0x1e: {  	[sflag:s8] =	ssyncset.done $0x0  }
0x1f: {  	[sflag:s8] =	ssyncadd.s32 $0xFFFFFFC0  }
0x20: {  	_ =	swait.ge [sflag:s8], $0xC000  }
0x21: {  	[sflag:s8] =	ssyncset.done $0x0  }
0x22: {  	[sflag:s8] =	ssyncadd.s32 $0xFFFF4000  }
0x23: {  	v3 =	vld [tilespmem:$0x0];
	_ =	sdelay $0x4  }
0x24: {  	v4 =	vshrl.u32 v3, $0x3  }
0x25: {  	v4 =	vmul.u32 $0x30, v4  }
0x26: {  	v3 =	vand.u32 $0x7, v3  }
0x27: {  	v3 =	vor.u32 v3, v4  }
0x28: {  	v4 =	vperm.xlane v3, v0;
	_ =	sdelay $0x1  }
0x29: {  	v4 =	vadd.s32 v1, v4;
	_ =	sdelay $0x3  }
0x2a: {  	v3 =	vperm.xlane v3, v2  }
0x2b: {  	[hbm4b:s3+s2] =	stream.indirect_vreg.scatter [tilespmem:s7], [sflag:$0x1], $0x80, v4, vm0, $0xb8;
	[tilespmem:$0xC100] =	vst v63  }
0x2c: {  	s9 =	simm.s32 $0x900;
	v3 =	vadd.s32 v1, v3  }
0x2d: {  	[hbm4b:s4+s2] =	stream.indirect_vreg.scatter [tilespmem:s9], [sflag:$0x1], $0x80, v4, vm0, $0xb8;
	[tilespmem:$0xC100] =	vst v63  }
0x2e: {  	s10 =	simm.s32 $0x1100  }
0x2f: {  	[hbm4b:s5+s2] =	stream.indirect_vreg.scatter [tilespmem:s10], [sflag:$0x1], $0x80, v4, vm0, $0xb8;
	[tilespmem:$0xC100] =	vst v63  }
0x30: {  	s11 =	simm.s32 $0x1900  }
0x31: {  	[hbm4b:s3+s2] =	stream.indirect_vreg.scatter [tilespmem:s11], [sflag:$0x1], $0x80, v3, vm0, $0xb8;
	[tilespmem:$0xC100] =	vst v63  }
0x32: {  	_ = 	snop  }
0x33: {  	[hbm4b:s4+s2] =	stream.indirect_vreg.scatter [tilespmem:s12], [sflag:$0x1], $0x80, v3, vm0, $0xb8;
	[tilespmem:$0xC100] =	vst v63  }
0x34: {  	_ = 	snop  }
0x35: {  	[hbm4b:s5+s2] =	stream.indirect_vreg.scatter [tilespmem:s13], [sflag:$0x1], $0x80, v3, vm0, $0xb8;
	[tilespmem:$0xC100] =	vst v63  }
0x36: {  	v3 =	vld [tilespmem:$0x10];
	_ =	sdelay $0x4  }
0x37: {  	v57 =	vshrl.u32 v3, $0x3  }
0x38: {  	v4 =	vmul.u32 $0x30, v57  }
0x39: {  	v3 =	vand.u32 $0x7, v3  }
0x3a: {  	v3 =	vor.u32 v3, v4  }
0x3b: {  	v4 =	vperm.xlane v3, v0;
	_ =	sdelay $0x1  }
0x3c: {  	v4 =	vadd.s32 v1, v4;
	_ =	sdelay $0x3  }
0x3d: {  	v3 =	vperm.xlane v3, v2  }
0x3e: {  	[hbm4b:s3+s2] =	stream.indirect_vreg.scatter [tilespmem:s14], [sflag:$0x1], $0x80, v4, vm0, $0xb8;
	[tilespmem:$0xC100] =	vst v63  }
0x3f: {  	v3 =	vadd.s32 v1, v3  }
0x40: {  	[hbm4b:s4+s2] =	stream.indirect_vreg.scatter [tilespmem:s15], [sflag:$0x1], $0x80, v4, vm0, $0xb8;
	[tilespmem:$0xC100] =	vst v63  }
0x41: {  	_ = 	snop  }
0x42: {  	[hbm4b:s5+s2] =	stream.indirect_vreg.scatter [tilespmem:s16], [sflag:$0x1], $0x80, v4, vm0, $0xb8;
	[tilespmem:$0xC100] =	vst v63  }
0x43: {  	_ = 	snop  }
0x44: {  	[hbm4b:s3+s2] =	stream.indirect_vreg.scatter [tilespmem:s17], [sflag:$0x1], $0x80, v3, vm0, $0xb8;
	[tilespmem:$0xC100] =	vst v63  }
0x45: {  	_ = 	snop  }
0x46: {  	[hbm4b:s4+s2] =	stream.indirect_vreg.scatter [tilespmem:s18], [sflag:$0x1], $0x80, v3, vm0, $0xb8;
	[tilespmem:$0xC100] =	vst v63  }
0x47: {  	_ = 	snop  }
0x48: {  	[hbm4b:s5+s2] =	stream.indirect_vreg.scatter [tilespmem:s19], [sflag:$0x1], $0x80, v3, vm0, $0xb8;
	[tilespmem:$0xC100] =	vst v63  }
0x49: {  	v3 =	vld [tilespmem:$0x20];
	_ =	sdelay $0x4  }
0x4a: {  	v58 =	vshrl.u32 v3, $0x3  }
0x4b: {  	v4 =	vmul.u32 $0x30, v58  }
0x4c: {  	v3 =	vand.u32 $0x7, v3  }
0x4d: {  	v3 =	vor.u32 v3, v4  }
0x4e: {  	v4 =	vperm.xlane v3, v0;
	_ =	sdelay $0x1  }
0x4f: {  	v4 =	vadd.s32 v1, v4;
	_ =	sdelay $0x3  }
0x50: {  	v3 =	vperm.xlane v3, v2  }
0x51: {  	[hbm4b:s3+s2] =	stream.indirect_vreg.scatter [tilespmem:s20], [sflag:$0x1], $0x80, v4, vm0, $0xb8;
	[tilespmem:$0xC100] =	vst v63  }
0x52: {  	v3 =	vadd.s32 v1, v3  }
0x53: {  	[hbm4b:s4+s2] =	stream.indirect_vreg.scatter [tilespmem:s21], [sflag:$0x1], $0x80, v4, vm0, $0xb8;
	[tilespmem:$0xC100] =	vst v63  }
0x54: {  	_ = 	snop  }
0x55: {  	[hbm4b:s5+s2] =	stream.indirect_vreg.scatter [tilespmem:s22], [sflag:$0x1], $0x80, v4, vm0, $0xb8;
	[tilespmem:$0xC100] =	vst v63  }
0x56: {  	_ = 	snop  }
0x57: {  	[hbm4b:s3+s2] =	stream.indirect_vreg.scatter [tilespmem:s23], [sflag:$0x1], $0x80, v3, vm0, $0xb8;
	[tilespmem:$0xC100] =	vst v63  }
0x58: {  	_ = 	snop  }
0x59: {  	[hbm4b:s4+s2] =	stream.indirect_vreg.scatter [tilespmem:s24], [sflag:$0x1], $0x80, v3, vm0, $0xb8;
	[tilespmem:$0xC100] =	vst v63  }
0x5a: {  	_ = 	snop  }
0x5b: {  	[hbm4b:s5+s2] =	stream.indirect_vreg.scatter [tilespmem:s25], [sflag:$0x1], $0x80, v3, vm0, $0xb8;
	[tilespmem:$0xC100] =	vst v63  }
0x5c: {  	v3 =	vld [tilespmem:$0x30];
	_ =	sdelay $0x4  }
0x5d: {  	v59 =	vshrl.u32 v3, $0x3  }
0x5e: {  	v4 =	vmul.u32 $0x30, v59  }
0x5f: {  	v3 =	vand.u32 $0x7, v3  }
0x60: {  	v3 =	vor.u32 v3, v4  }
0x61: {  	v4 =	vperm.xlane v3, v0;
	_ =	sdelay $0x1  }
0x62: {  	v4 =	vadd.s32 v1, v4;
	_ =	sdelay $0x3  }
0x63: {  	v3 =	vperm.xlane v3, v2  }
0x64: {  	[hbm4b:s3+s2] =	stream.indirect_vreg.scatter [tilespmem:s26], [sflag:$0x1], $0x80, v4, vm0, $0xb8;
	[tilespmem:$0xC100] =	vst v63  }
0x65: {  	v3 =	vadd.s32 v1, v3  }
0x66: {  	[hbm4b:s4+s2] =	stream.indirect_vreg.scatter [tilespmem:s28], [sflag:$0x1], $0x80, v4, vm0, $0xb8;
	[tilespmem:$0xC100] =	vst v63  }
0x67: {  	_ = 	snop  }
0x68: {  	[hbm4b:s5+s2] =	stream.indirect_vreg.scatter [tilespmem:s29], [sflag:$0x1], $0x80, v4, vm0, $0xb8;
	[tilespmem:$0xC100] =	vst v63  }
0x69: {  	_ = 	snop  }
0x6a: {  	[hbm4b:s3+s2] =	stream.indirect_vreg.scatter [tilespmem:s30], [sflag:$0x1], $0x80, v3, vm0, $0xb8;
	[tilespmem:$0xC100] =	vst v63  }
0x6b: {  	_ = 	snop  }
0x6c: {  	[hbm4b:s4+s2] =	stream.indirect_vreg.scatter [tilespmem:s31], [sflag:$0x1], $0x80, v3, vm0, $0xb8;
	[tilespmem:$0xC100] =	vst v63  }
0x6d: {  	_ = 	snop  }
0x6e: {  	[hbm4b:s5+s2] =	stream.indirect_vreg.scatter [tilespmem:s0], [sflag:$0x1], $0x80, v3, vm0, $0xb8;
	[tilespmem:$0xC100] =	vst v63  }
0x6f: {  	v3 =	vld [tilespmem:$0x80];
	_ =	sdelay $0x4  }
0x70: {  	v60 =	vshrl.u32 v3, $0x3  }
0x71: {  	v4 =	vmul.u32 $0x30, v60  }
0x72: {  	v3 =	vand.u32 $0x7, v3  }
0x73: {  	v3 =	vor.u32 v3, v4  }
0x74: {  	v4 =	vperm.xlane v3, v0;
	_ =	sdelay $0x1  }
0x75: {  	v4 =	vadd.s32 v1, v4;
	_ =	sdelay $0x3  }
0x76: {  	v3 =	vperm.xlane v3, v2  }
0x77: {  	[hbm4b:s3+s2] =	stream.indirect_vreg.scatter [tilespmem:s7], [sflag:$0x1], $0x80, v4, vm0, $0xb8;
	[tilespmem:$0xC100] =	vst v63  }
0x78: {  	v3 =	vadd.s32 v1, v3  }
0x79: {  	[hbm4b:s4+s2] =	stream.indirect_vreg.scatter [tilespmem:s9], [sflag:$0x1], $0x80, v4, vm0, $0xb8;
	[tilespmem:$0xC100] =	vst v63  }
0x7a: {  	_ = 	snop  }
0x7b: {  	[hbm4b:s5+s2] =	stream.indirect_vreg.scatter [tilespmem:s10], [sflag:$0x1], $0x80, v4, vm0, $0xb8;
	[tilespmem:$0xC100] =	vst v63  }
0x7c: {  	_ = 	snop  }
0x7d: {  	[hbm4b:s3+s2] =	stream.indirect_vreg.scatter [tilespmem:s11], [sflag:$0x1], $0x80, v3, vm0, $0xb8;
	[tilespmem:$0xC100] =	vst v63  }
0x7e: {  	_ = 	snop  }
0x7f: {  	[hbm4b:s4+s2] =	stream.indirect_vreg.scatter [tilespmem:s12], [sflag:$0x1], $0x80, v3, vm0, $0xb8;
	[tilespmem:$0xC100] =	vst v63  }
0x80: {  	_ = 	snop  }
0x81: {  	[hbm4b:s5+s2] =	stream.indirect_vreg.scatter [tilespmem:s13], [sflag:$0x1], $0x80, v3, vm0, $0xb8;
	[tilespmem:$0xC100] =	vst v63  }
0x82: {  	v3 =	vld [tilespmem:$0x90];
	_ =	sdelay $0x4  }
0x83: {  	v61 =	vshrl.u32 v3, $0x3  }
0x84: {  	v4 =	vmul.u32 $0x30, v61  }
0x85: {  	v3 =	vand.u32 $0x7, v3  }
0x86: {  	v3 =	vor.u32 v3, v4  }
0x87: {  	v4 =	vperm.xlane v3, v0;
	_ =	sdelay $0x1  }
0x88: {  	v4 =	vadd.s32 v1, v4;
	_ =	sdelay $0x3  }
0x89: {  	v3 =	vperm.xlane v3, v2  }
0x8a: {  	[hbm4b:s3+s2] =	stream.indirect_vreg.scatter [tilespmem:s14], [sflag:$0x1], $0x80, v4, vm0, $0xb8;
	[tilespmem:$0xC100] =	vst v63  }
0x8b: {  	v3 =	vadd.s32 v1, v3  }
0x8c: {  	[hbm4b:s4+s2] =	stream.indirect_vreg.scatter [tilespmem:s15], [sflag:$0x1], $0x80, v4, vm0, $0xb8;
	[tilespmem:$0xC100] =	vst v63  }
0x8d: {  	_ = 	snop  }
0x8e: {  	[hbm4b:s5+s2] =	stream.indirect_vreg.scatter [tilespmem:s16], [sflag:$0x1], $0x80, v4, vm0, $0xb8;
	[tilespmem:$0xC100] =	vst v63  }
0x8f: {  	_ = 	snop  }
0x90: {  	[hbm4b:s3+s2] =	stream.indirect_vreg.scatter [tilespmem:s17], [sflag:$0x1], $0x80, v3, vm0, $0xb8;
	[tilespmem:$0xC100] =	vst v63  }
0x91: {  	_ = 	snop  }
0x92: {  	[hbm4b:s4+s2] =	stream.indirect_vreg.scatter [tilespmem:s18], [sflag:$0x1], $0x80, v3, vm0, $0xb8;
	[tilespmem:$0xC100] =	vst v63  }
0x93: {  	_ = 	snop  }
0x94: {  	[hbm4b:s5+s2] =	stream.indirect_vreg.scatter [tilespmem:s19], [sflag:$0x1], $0x80, v3, vm0, $0xb8;
	[tilespmem:$0xC100] =	vst v63  }
0x95: {  	v3 =	vld [tilespmem:$0xA0];
	_ =	sdelay $0x4  }
0x96: {  	v62 =	vshrl.u32 v3, $0x3  }
0x97: {  	v4 =	vmul.u32 $0x30, v62  }
0x98: {  	v3 =	vand.u32 $0x7, v3  }
0x99: {  	v3 =	vor.u32 v3, v4  }
0x9a: {  	v4 =	vperm.xlane v3, v0;
	_ =	sdelay $0x1  }
0x9b: {  	v4 =	vadd.s32 v1, v4;
	_ =	sdelay $0x3  }
0x9c: {  	v3 =	vperm.xlane v3, v2  }
0x9d: {  	[hbm4b:s3+s2] =	stream.indirect_vreg.scatter [tilespmem:s20], [sflag:$0x1], $0x80, v4, vm0, $0xb8;
	[tilespmem:$0xC100] =	vst v63  }
0x9e: {  	v3 =	vadd.s32 v1, v3  }
0x9f: {  	[hbm4b:s4+s2] =	stream.indirect_vreg.scatter [tilespmem:s21], [sflag:$0x1], $0x80, v4, vm0, $0xb8;
	[tilespmem:$0xC100] =	vst v63  }
0xa0: {  	_ = 	snop  }
0xa1: {  	[hbm4b:s5+s2] =	stream.indirect_vreg.scatter [tilespmem:s22], [sflag:$0x1], $0x80, v4, vm0, $0xb8;
	[tilespmem:$0xC100] =	vst v63  }
0xa2: {  	_ = 	snop  }
0xa3: {  	[hbm4b:s3+s2] =	stream.indirect_vreg.scatter [tilespmem:s23], [sflag:$0x1], $0x80, v3, vm0, $0xb8;
	[tilespmem:$0xC100] =	vst v63  }
0xa4: {  	_ = 	snop  }
0xa5: {  	[hbm4b:s4+s2] =	stream.indirect_vreg.scatter [tilespmem:s24], [sflag:$0x1], $0x80, v3, vm0, $0xb8;
	[tilespmem:$0xC100] =	vst v63  }
0xa6: {  	_ = 	snop  }
0xa7: {  	[hbm4b:s5+s2] =	stream.indirect_vreg.scatter [tilespmem:s25], [sflag:$0x1], $0x80, v3, vm0, $0xb8;
	[tilespmem:$0xC100] =	vst v63  }
0xa8: {  	v3 =	vld [tilespmem:$0xB0];
	_ =	sdelay $0x4  }
0xa9: {  	v63 =	vshrl.u32 v3, $0x3  }
0xaa: {  	v4 =	vmul.u32 $0x30, v63  }
0xab: {  	v3 =	vand.u32 $0x7, v3  }
0xac: {  	v3 =	vor.u32 v3, v4  }
0xad: {  	v4 =	vperm.xlane v3, v0;
	_ =	sdelay $0x1  }
0xae: {  	v4 =	vadd.s32 v1, v4;
	_ =	sdelay $0x3  }
0xaf: {  	v3 =	vperm.xlane v3, v2  }
0xb0: {  	[hbm4b:s3+s2] =	stream.indirect_vreg.scatter [tilespmem:s26], [sflag:$0x1], $0x80, v4, vm0, $0xb8;
	[tilespmem:$0xC100] =	vst v63  }
0xb1: {  	v3 =	vadd.s32 v1, v3  }
0xb2: {  	[hbm4b:s4+s2] =	stream.indirect_vreg.scatter [tilespmem:s28], [sflag:$0x1], $0x80, v4, vm0, $0xb8;
	[tilespmem:$0xC100] =	vst v63  }
0xb3: {  	_ = 	snop  }
0xb4: {  	[hbm4b:s5+s2] =	stream.indirect_vreg.scatter [tilespmem:s29], [sflag:$0x1], $0x80, v4, vm0, $0xb8;
	[tilespmem:$0xC100] =	vst v63  }
0xb5: {  	_ = 	snop  }
0xb6: {  	[hbm4b:s3+s2] =	stream.indirect_vreg.scatter [tilespmem:s30], [sflag:$0x1], $0x80, v3, vm0, $0xb8;
	[tilespmem:$0xC100] =	vst v63  }
0xb7: {  	_ = 	snop  }
0xb8: {  	[hbm4b:s4+s2] =	stream.indirect_vreg.scatter [tilespmem:s31], [sflag:$0x1], $0x80, v3, vm0, $0xb8;
	[tilespmem:$0xC100] =	vst v63  }
0xb9: {  	_ = 	snop  }
0xba: {  	[hbm4b:s5+s2] =	stream.indirect_vreg.scatter [tilespmem:s0], [sflag:$0x1], $0x80, v3, vm0, $0xb8;
	[tilespmem:$0xC100] =	vst v63  }
0xbb: {  	p0 =	sne.s32 s6, $0x1;
	_ =	swait.ge [sflag:s1], $0xC000  }
.Ltmp0:
0xbc: {  	[sflag:s1] =	ssyncset.done $0x0;
	(pc) =	sbr.rel @p0 .LBB2_1-.Ltmp0, $4  }
0xbd: {  	[sflag:s1] =	ssyncadd.s32 $0xFFFF4000  }
0xbe: {  	_ =	swait.ge [sflag:s1], $0xC000  }
0xbf: {  	[sflag:s1] =	ssyncset.done $0x0  }
0xc0: {  	s6 =	sadd.s32 $0xFFFFFFFF, s6;
	[sflag:s1] =	ssyncadd.s32 $0xFFFF4000  }
0xc1: {  	_ =	sfence.sel $0x180000  }
0xc2: {  	[bflag:$0x0] =	sbarrier.arrive $0xFFFF  }
0xc3: {  	_ =	strace $0x90000047  }
0xc4: {  	s0 =	stileid.u32;
	[bflag:$0x2] =	sbarrier.arrive $0xFFFF  }
0xc5: {  	p0 =	sne.s32 s0, $0x0;
	s0 =	rddreg [dreg:$0x2]  }
0xc6: {  	s0 =	sadd.s32 @!p0 $0x100000, s0  }
0xc7: {  	[sflag:s0] =	ssyncadd.tile.s32 @!p0 $0x1;
	_ =	shalt  }
.Lfunc_end2:
_tile_overlayer_lowered:
.L_overlay_start_2:
0xc8: {  	(tag) =	ssettag $0x2  }
0xc9: {  	s0 =	rddreg [dreg:$0x0];
	s2 =	stileid.u32  }
0xca: {  	s1 =	rddreg [dreg:$0x1];
	p0 =	sne.s32 s2, $0x0  }
0xcb: {  	s3 =	rddreg [dreg:$0x2];
	[bflag:$0x3] =	sbarrier.arrive $0xFFFF;
	s2 =	simm.s32 @!p0 $0x1C03  }
0xcc: {  	[timem:s3], [sflag:s2] =	dma.local @!p0 [hbm:s0], s1  }
0xcd: {  	s0 =	simm.s32 @!p0 $0x3  }
0xce: {  	_ =	swait.ge @!p0 [sflag:s0], s1  }
0xcf: {  	s1 =	ssub.s32 @!p0 $0x0, s1;
	[sflag:s0] =	ssyncset.done @!p0 $0x0  }
0xd0: {  	[sflag:s0] =	ssyncadd.s32 @!p0 s1  }
0xd1: {  	[bflag:$0x3] =	sbarrier.arrive $0xFFFF  }
0xd2: {  	_ =	shalt  }

// kernel: kernel.9.cloned.1.call-start
scs
__scs_entry_jumppad:
0x0: {  	(pc) =	sbr.rel $0x88, $3  }
0x1: {  	(tag) =	ssettag $0x0;
	lr =	simm.s32 $0x1  }
0x2: {  	[smem:$0x3F9B] =	sst lr;
	_ =	strace $0xD0000000  }
0x3: {  	_ = 	snop  }
0x4: {  	_ = 	snop  }
0x5: {  	_ = 	snop  }
0x6: {  	_ = 	snop  }
0x7: {  	_ = 	snop  }
__scs_overlays_trampoline_lowered:
0x8: {  	[smem:$0x3FAA] =	sst s0  }
0x9: {  	[smem:$0x3FAB] =	sst s1  }
0xa: {  	[smem:$0x3FAC] =	sst s2  }
0xb: {  	[smem:$0x3FAD] =	sst s3  }
0xc: {  	[smem:$0x3FAE] =	sst s4  }
0xd: {  	[smem:$0x3FAF] =	sst s5  }
0xe: {  	[smem:$0x3FB0] =	sst s6  }
0xf: {  	[smem:$0x3FB1] =	sst s7  }
0x10: {  	[smem:$0x3FB2] =	sst s8  }
0x11: {  	[smem:$0x3FB3] =	sst s9;
	s0 =	simm.s32 @!p0 $0x0  }
0x12: {  	s1 =	sld [smem:$0x3F99];
	s0 =	simm.s32 @p0 $0x1  }
0x13: {  	[smem:$0x3FB4] =	sst s0;
	s0 =	simm.s32 @!p1 $0x0  }
0x14: {  	s2 =	sld [smem:$0x3F98];
	s0 =	simm.s32 @p1 $0x1  }
0x15: {  	[smem:$0x3FB5] =	sst s0;
	s0 =	simm.s32 @!p2 $0x0  }
0x16: {  	s3 =	sld [smem:$0x3FDB];
	s0 =	simm.s32 @p2 $0x1  }
0x17: {  	s4 =	simm.s32 $0x1BF5;
	[smem:$0x3FB7] =	sst s0  }
0x18: {  	s0 =	sld [smem:$0x3F9A];
	_ =	swait.ge [sflag:s4], $0x0  }
0x19: {  	s7 =	sld [smem:$0x3F9B]  }
0x1a: {  	s8 =	sadd.s32 $0xFFFFE003, lr  }
0x1b: {  	s9 =	sadd.s32 $0xFFFFFEF7, lr;
	s5 =	simm.s32 $0xFFFFFFFF;
	p2 =	slt.u32 s8, $0xFFFFF086  }
0x1c: {  	p1 =	slt.u32 s9, $0xF7A;
	s5 =	simm.s32 @!p2 $0x0  }
0x1d: {  	s5 =	simm.s32 @p1 $0x1;
	p0 =	seq.s32 s7, s2  }
0x1e: {  	s7 =	smul.u32 @!p0 $0xF7A, s2;
	p2 =	seq.s32 @!p0 s5, $0x0  }
0x1f: {  	s9 =	smul.u32 $0xF7A, s1;
	s8 =	simm.s32 @!p0 $0x1BF5;
	p2 =	por !p2, p0  }
0x20: {  	[sflag:s8] =	ssyncset.s32 @!p0 $0xFFFFF086;
	s6 =	sadd.s32 @!p0 s3, s7;
	s7 =	simm.s32 @!p0 $0x108  }
0x21: {  	s3 =	sadd.s32 s3, s9;
	s6 =	sadd.s32 @!p0 $0x88, s6;
	s7 =	simm.s32 @p2 $0x1082  }
0x22: {  	[simem:s7], [sflag:s8] =	dma.local @!p0 [hbm:s6], $0xF7A  }
0x23: {  	s9 =	sor.u32 $0xD0000000, s2;
	s6 =	simm.s32 $0x108;
	_ =	swait.ge @!p0 [sflag:s8], $0x0  }
0x24: {  	s3 =	sadd.s32 $0x88, s3;
	s6 =	simm.s32 @!p1 $0x1082;
	[sflag:s4] =	ssyncset.s32 $0xFFFFF086  }
0x25: {  	[simem:s6], [sflag:s4] =	dma.local [hbm:s3], $0xF7A  }
0x26: {  	[smem:$0x3F9B] =	sst s1;
	(tag) =	ssettag s2;
	_ =	strace s9  }
0x27: {  	s1 =	sld [smem:$0x3FAB]  }
0x28: {  	s2 =	sld [smem:$0x3FAC]  }
0x29: {  	s4 =	sld [smem:$0x3FAE]  }
0x2a: {  	p0 =	seq.s32 s5, $0x0;
	s5 =	sld [smem:$0x3FAF]  }
0x2b: {  	s6 =	sld [smem:$0x3FB0]  }
0x2c: {  	s7 =	sld [smem:$0x3FB1]  }
0x2d: {  	s3 =	simm.s32 $0x108;
	s8 =	sld [smem:$0x3FB2]  }
0x2e: {  	s3 =	simm.s32 @!p0 $0x1082;
	s9 =	sld [smem:$0x3FB3]  }
0x2f: {  	lr =	sadd.s32 s0, s3;
	s0 =	sld [smem:$0x3FAA]  }
0x30: {  	s3 =	sld [smem:$0x3FAD]  }
0x31: {  	[smem:$0x3FB6] =	sst s10  }
0x32: {  	s10 =	sld [smem:$0x3FB4];
	_ =	sdelay $0x3  }
0x33: {  	p0 =	seq.s32 s10, $0x1;
	s10 =	sld [smem:$0x3FB6];
	_ =	sdelay $0x3  }
0x34: {  	[smem:$0x3FB6] =	sst s10  }
0x35: {  	s10 =	sld [smem:$0x3FB5];
	_ =	sdelay $0x3  }
0x36: {  	p1 =	seq.s32 s10, $0x1;
	s10 =	sld [smem:$0x3FB6];
	_ =	sdelay $0x3  }
0x37: {  	[smem:$0x3FB6] =	sst s10  }
0x38: {  	s10 =	sld [smem:$0x3FB7]  }
0x39: {  	_ = 	snop;
	(pc) =	sbr.ind lr, $3  }
0x3a: {  	_ = 	snop  }
0x3b: {  	_ = 	snop  }
0x3c: {  	p2 =	seq.s32 s10, $0x1;
	s10 =	sld [smem:$0x3FB6]  }
0x3d: {  	_ =	shalt  }
0x3e: {  	_ =	shalt  }
0x3f: {  	_ =	shalt  }
0x40: {  	_ =	shalt  }
0x41: {  	_ =	shalt  }
0x42: {  	_ =	shalt  }
0x43: {  	_ =	shalt  }
0x44: {  	_ =	shalt  }
0x45: {  	_ =	shalt  }
0x46: {  	_ =	shalt  }
0x47: {  	_ =	shalt  }
0x48: {  	_ =	shalt  }
0x49: {  	_ =	shalt  }
0x4a: {  	_ =	shalt  }
0x4b: {  	_ =	shalt  }
0x4c: {  	_ =	shalt  }
0x4d: {  	_ =	shalt  }
0x4e: {  	_ =	shalt  }
0x4f: {  	_ =	shalt  }
0x50: {  	_ =	shalt  }
0x51: {  	_ =	shalt  }
0x52: {  	_ =	shalt  }
0x53: {  	_ =	shalt  }
0x54: {  	_ =	shalt  }
0x55: {  	_ =	shalt  }
0x56: {  	_ =	shalt  }
0x57: {  	_ =	shalt  }
0x58: {  	_ =	shalt  }
0x59: {  	_ =	shalt  }
0x5a: {  	_ =	shalt  }
0x5b: {  	_ =	shalt  }
0x5c: {  	_ =	shalt  }
0x5d: {  	_ =	shalt  }
0x5e: {  	_ =	shalt  }
0x5f: {  	_ =	shalt  }
0x60: {  	_ =	shalt  }
0x61: {  	_ =	shalt  }
0x62: {  	_ =	shalt  }
0x63: {  	_ =	shalt  }
0x64: {  	_ =	shalt  }
0x65: {  	_ =	shalt  }
0x66: {  	_ =	shalt  }
0x67: {  	_ =	shalt  }
0x68: {  	_ =	shalt  }
0x69: {  	_ =	shalt  }
0x6a: {  	_ =	shalt  }
0x6b: {  	_ =	shalt  }
0x6c: {  	_ =	shalt  }
0x6d: {  	_ =	shalt  }
0x6e: {  	_ =	shalt  }
0x6f: {  	_ =	shalt  }
0x70: {  	_ =	shalt  }
0x71: {  	_ =	shalt  }
0x72: {  	_ =	shalt  }
0x73: {  	_ =	shalt  }
0x74: {  	_ =	shalt  }
0x75: {  	_ =	shalt  }
0x76: {  	_ =	shalt  }
0x77: {  	_ =	shalt  }
0x78: {  	_ =	shalt  }
0x79: {  	_ =	shalt  }
0x7a: {  	_ =	shalt  }
0x7b: {  	_ =	shalt  }
0x7c: {  	_ =	shalt  }
0x7d: {  	_ =	shalt  }
0x7e: {  	_ =	shalt  }
0x7f: {  	_ =	shalt  }
0x80: {  	_ =	shalt  }
0x81: {  	_ =	shalt  }
0x82: {  	_ =	shalt  }
0x83: {  	_ =	shalt  }
0x84: {  	_ =	shalt  }
0x85: {  	_ =	shalt  }
0x86: {  	_ =	shalt  }
0x87: {  	_ =	shalt  }
.Lfunc_end0:
.L_simem_size_0:
called_computation.1_lowered:
.L_overlay_start_0:
0x88: {  	s2 =	sld [smem:$0x3FD9]  }
0x89: {  	s3 =	sld [smem:$0x3FFE];
	_ =	sdelay $0x1  }
0x8a: {  	s1 =	srdreg.scid  }
0x8b: {  	s0 =	sand.u32 $0x1, s1  }
0x8c: {  	s14 =	sshll.u32 s0, $0xA;
	s2 =	sadd.s32 s3, s2  }
0x8d: {  	s2 =	sadd.s32 s2, s14  }
0x8e: {  	[smem:$0x3FC2] =	sst s2  }
0x8f: {  	_ = 	snop  }
0x90: {  	s2 =	sld [smem:$0x3FD0];
	_ =	sdelay $0x2  }
0x91: {  	s15 =	simm.s32 $0xA;
	s4 =	simm.s32 $0x10  }
0x92: {  	[smem:s4], [sflag:s15] =	dma.local [hbm:s2], $0x1  }
0x93: {  	_ =	swait.eq [sflag:s15], $0x1  }
0x94: {  	[sflag:s15] =	ssyncset.done $0x0  }
0x95: {  	[sflag:s15] =	ssyncadd.s32 $0xFFFFFFFF  }
0x96: {  	s16 =	sld [smem:$0x10];
	(tm) =	ssettm $0x1  }
0x97: {  	s17 =	sld [smem:$0x3FFB];
	_ =	sdelay $0x3  }
0x98: {  	_ =	strace s17  }
0x99: {  	s3 =	sld [smem:$0x3FFC];
	_ =	sdelay $0x3  }
0x9a: {  	_ =	strace s3  }
0x9b: {  	s3 =	sld [smem:$0x3FFD];
	_ =	sdelay $0x3  }
0x9c: {  	_ =	strace s3  }
0x9d: {  	_ =	strace $0x8FFFFFFF  }
0x9e: {  	s18 =	sld [smem:$0x3FDB];
	_ =	sdelay $0x1  }
0x9f: {  	s19 =	simm.s32 $_scs_section_size  }
0xa0: {  	s5 =	simm.s32 $_size__tile_overlayer_lowered;
	s6 =	simm.s32 $_tile_overlayer_lowered  }
0xa1: {  	s22 =	simm.s32 $0x1BFF;
	s21 =	sshll.u32 s6, $0x1;
	s3 =	sadd.s32 s19, s18  }
0xa2: {  	s7 =	simm.s32 $0x0;
	s20 =	sshll.u32 s5, $0x1;
	s5 =	sadd.s32 s21, s3  }
0xa3: {  	[timem:s7], [sflag:s22] =	dma.local [hbm:s5], s20  }
0xa4: {  	_ =	swait.ge [sflag:s22], s20  }
0xa5: {  	s4 =	ssub.s32 $0x0, s20;
	[sflag:s22] =	ssyncset.done $0x0  }
0xa6: {  	[sflag:s22] =	ssyncadd.s32 s4;
	_ =	sdelay $0x1  }
0xa7: {  	s23 =	simm.s32 $0x1B8B  }
0xa8: {  	_ =	swait.ge [sflag:s23], $0x1  }
0xa9: {  	[sflag:s23] =	ssyncset.done $0x0  }
0xaa: {  	s25 =	simm.s32 $0x1B8E;
	s24 =	sld [smem:$0x3FFE];
	[sflag:s23] =	ssyncadd.s32 $0xFFFFFFFF  }
0xab: {  	s26 =	simm.s32 $execute0_lowered;
	[smem:$0x3FD2] =	sst s25  }
0xac: {  	s5 =	sshll.u32 s26, $0x1;
	_ =	strace $0x80000049;
	[dreg:$0x1] =	wrdreg $0xFFFFFFFF  }
0xad: {  	s28 =	simm.s32 $_size_execute0_lowered;
	s3 =	sadd.s32 s3, s5;
	[dreg:$0x0] =	wrdreg $0x0  }
0xae: {  	s5 =	sshll.u32 s28, $0x1;
	[dreg:$0x2] =	wrdreg s3  }
0xaf: {  	[dreg:$0x3] =	wrdreg s5  }
0xb0: {  	[dreg:$0x4] =	wrdreg $0xC0  }
0xb1: {  	_ =	task [dreg:s7], $0x5FFFF  }
0xb2: {  	[dreg:$0x1] =	wrdreg $0xFFFFFFFF  }
0xb3: {  	[dreg:$0x0] =	wrdreg $0x60  }
0xb4: {  	[dreg:$0x2] =	wrdreg s24  }
0xb5: {  	[dreg:$0x3] =	wrdreg s16  }
0xb6: {  	[dreg:$0x4] =	wrdreg $0x9  }
0xb7: {  	_ =	task.clear_ibuf [dreg:s7], $0x5FFFF;
	_ =	strace $0x90000049  }
0xb8: {  	s29 =	simm.s32 $0x9;
	_ =	strace $0x8000004B  }
0xb9: {  	_ =	swait.ge [sflag:s29], $0x1  }
0xba: {  	[sflag:s29] =	ssyncadd.s32 $0xFFFFFFFF  }
0xbb: {  	_ =	strace $0x9000004B  }
0xbc: {  	_ =	sfence  }
0xbd: {  	s30 =	sld [smem:$0x0];
	_ =	sdelay $0x2  }
0xbe: {  	s31 =	sshll.u32 s1, $0xD;
	s1 =	sshrl.u32 s1, $0x2  }
0xbf: {  	s3 =	sand.u32 $0x4000, s31;
	s1 =	sadd.s32 s1, s30  }
0xc0: {  	s0 =	sor.u32 s3, s0;
	s1 =	sshll.u32 s1, $0x11  }
0xc1: {  	s0 =	sor.u32 s1, s0  }
0xc2: {  	s0 =	sadd.s32 $0x8F2B, s0  }
0xc3: {  	[sflag:s0] =	ssyncadd.remote.s32 $0x1  }
0xc4: {  	_ =	sfence.sel $0xFFFF  }
0xc5: {  	[dreg:$0x0] =	wrdreg $0xFFFFFFFF;
	(pc) =	sbr.abs _section_cstart, $3  }
0xc6: {  	[dreg:$0x1] =	wrdreg $0xFFFFFFFF  }
0xc7: {  	_ =	task.clear_ibuf [dreg:s7], $0x2FFFF;
	_ =	strace $0x9FFFFFFF  }
0xc8: {  	(tm) =	ssettm $0x7FFFFFFF  }
0xc9: {  	_ =	shalt  }
tec
execute0_lowered:
.L_overlay_start_1:
0x0: {  	(tag) =	ssettag $0x1  }
0x1: {  	s0 =	rddreg [dreg:$0x0]  }
0x2: {  	s1 =	rddreg [dreg:$0x1];
	s3 =	srdreg.scid  }
0x3: {  	s2 =	simm.s32 $0x0;
	s4 =	stileid.u32;
	s13 =	simm.s32 $0x2  }
0x4: {  	s14 =	simm.s32 $0x200;
	s15 =	simm.s32 $0x13A00;
	s16 =	simm.s32 $0x14200  }
0x5: {  	s17 =	simm.s32 $0x14A00;
	s18 =	simm.s32 $0x15200;
	s19 =	simm.s32 $0x15A00  }
0x6: {  	s20 =	simm.s32 $0x16200;
	s21 =	simm.s32 $0x16A00;
	s22 =	simm.s32 $0x17200  }
0x7: {  	s23 =	simm.s32 $0x17A00;
	s24 =	simm.s32 $0x1;
	s25 =	simm.s32 $0x3  }
0x8: {  	s26 =	simm.s32 $0x0;
	s3 =	sand.u32 $0x1, s3;
	[smem:$0x7FF] =	sst s2  }
0x9: {  	s4 =	sshll.u32 s4, $0x4;
	s8 =	sadd.s32 $0x16A500, s0;
	s9 =	sadd.s32 $0x16A600, s0  }
0xa: {  	s5 =	sshll.u32 s3, $0x3;
	_ =	strace $0x8000004A;
	s31 =	ssub.s32 $0x2, s3  }
0xb: {  	s3 =	sadd.s32 $0x16A400, s0;
	s5 =	sor.u32 s5, s4;
	s6 =	sshrl.u32 s31, $0x1  }
0xc: {  	v2 =	vlaneseq.u32;
	s7 =	sadd.s32 s5, s0;
	s11 =	ssub.s32 s31, s6;
	s10 =	smul.u32 $0x300, s5  }
0xd: {  	vm0 =	vmmov $0xffff;
	v1 =	vshrl.u32 v2, $0x3;
	s4 =	sadd.s32 $0x1200, s7;
	s5 =	sadd.s32 $0x1400, s7;
	s6 =	sadd.s32 $0x92000, s7  }
0xe: {  	v0 =	vand.u32 $0x7, v2;
	v2 =	vor.u32 $0x8, v2;
	v1 =	vmul.u32 $0x8, v1;
	s7 =	sadd.s32 $0x92200, s7;
	s11 =	smax.u32 s11, $0x1;
	s10 =	sadd.s32 s1, s10  }
.LBB2_1:
0xf: {  	[tilespmem:s2], [sflag:$0x2] =	stream.linear.gather [hbm4b:s4+s2], $0x40, $0x38;
	[tilespmem:$0x18200] =	vst v63  }
0x10: {  	s0 =	simm.s32 $0x80  }
0x11: {  	[tilespmem:s0], [sflag:$0x2] =	stream.linear.gather [hbm4b:s5+s2], $0x40, $0x38;
	[tilespmem:$0x18200] =	vst v63  }
0x12: {  	s28 =	simm.s32 $0x100  }
0x13: {  	[tilespmem:s28], [sflag:$0x2] =	stream.linear.gather [hbm4b:s6+s2], $0x40, $0x38;
	[tilespmem:$0x18200] =	vst v63  }
0x14: {  	s29 =	simm.s32 $0x180  }
0x15: {  	[tilespmem:s29], [sflag:$0x2] =	stream.linear.gather [hbm4b:s7+s2], $0x40, $0x38;
	[tilespmem:$0x18200] =	vst v63  }
0x16: {  	_ =	swait.ge [sflag:s13], $0x40  }
0x17: {  	[sflag:s13] =	ssyncset.done $0x0  }
0x18: {  	[sflag:s13] =	ssyncadd.s32 $0xFFFFFFC0  }
0x19: {  	_ =	swait.ge [sflag:s13], $0x40  }
0x1a: {  	[sflag:s13] =	ssyncset.done $0x0  }
0x1b: {  	[sflag:s13] =	ssyncadd.s32 $0xFFFFFFC0  }
0x1c: {  	_ =	swait.ge [sflag:s13], $0x40  }
0x1d: {  	[sflag:s13] =	ssyncset.done $0x0  }
0x1e: {  	[sflag:s13] =	ssyncadd.s32 $0xFFFFFFC0  }
0x1f: {  	_ =	swait.ge [sflag:s13], $0x40  }
0x20: {  	[sflag:s13] =	ssyncset.done $0x0  }
0x21: {  	[sflag:s13] =	ssyncadd.s32 $0xFFFFFFC0  }
0x22: {  	v3 =	vld [tilespmem:$0x0];
	_ =	sdelay $0x4  }
0x23: {  	v4 =	vshrl.u32 v3, $0x3  }
0x24: {  	v4 =	vmul.u32 $0x30, v4  }
0x25: {  	v3 =	vand.u32 $0x7, v3  }
0x26: {  	v3 =	vor.u32 v3, v4  }
0x27: {  	v4 =	vperm.xlane v3, v0;
	_ =	sdelay $0x1  }
0x28: {  	v4 =	vadd.s32 v1, v4;
	_ =	sdelay $0x3  }
0x29: {  	v3 =	vperm.xlane v3, v2  }
0x2a: {  	[tilespmem:s14], [sflag:$0x1] =	stream.indirect_vreg.gather [hbm4b:s3+s2], $0x80, v4, vm0, $0xb8;
	[tilespmem:$0x18200] =	vst v63  }
0x2b: {  	s12 =	simm.s32 $0xA00;
	v3 =	vadd.s32 v1, v3  }
0x2c: {  	[tilespmem:s12], [sflag:$0x1] =	stream.indirect_vreg.gather [hbm4b:s8+s2], $0x80, v4, vm0, $0xb8;
	[tilespmem:$0x18200] =	vst v63  }
0x2d: {  	s1 =	simm.s32 $0x1200  }
0x2e: {  	[tilespmem:s1], [sflag:$0x1] =	stream.indirect_vreg.gather [hbm4b:s9+s2], $0x80, v4, vm0, $0xb8;
	[tilespmem:$0x18200] =	vst v63  }
0x2f: {  	s12 =	simm.s32 $0x1A00  }
0x30: {  	[tilespmem:s12], [sflag:$0x1] =	stream.indirect_vreg.gather [hbm4b:s3+s2], $0x80, v3, vm0, $0xb8;
	[tilespmem:$0x18200] =	vst v63  }
0x31: {  	s1 =	simm.s32 $0x2200  }
0x32: {  	[tilespmem:s1], [sflag:$0x1] =	stream.indirect_vreg.gather [hbm4b:s8+s2], $0x80, v3, vm0, $0xb8;
	[tilespmem:$0x18200] =	vst v63  }
0x33: {  	s12 =	simm.s32 $0x2A00  }
0x34: {  	[tilespmem:s12], [sflag:$0x1] =	stream.indirect_vreg.gather [hbm4b:s9+s2], $0x80, v3, vm0, $0xb8;
	[tilespmem:$0x18200] =	vst v63  }
0x35: {  	v3 =	vld [tilespmem:$0x10];
	_ =	sdelay $0x4  }
0x36: {  	v4 =	vshrl.u32 v3, $0x3  }
0x37: {  	v4 =	vmul.u32 $0x30, v4  }
0x38: {  	v3 =	vand.u32 $0x7, v3  }
0x39: {  	v3 =	vor.u32 v3, v4  }
0x3a: {  	v4 =	vperm.xlane v3, v0;
	_ =	sdelay $0x1  }
0x3b: {  	v4 =	vadd.s32 v1, v4;
	_ =	sdelay $0x3  }
0x3c: {  	s1 =	simm.s32 $0x3200;
	v3 =	vperm.xlane v3, v2  }
0x3d: {  	[tilespmem:s1], [sflag:$0x1] =	stream.indirect_vreg.gather [hbm4b:s3+s2], $0x80, v4, vm0, $0xb8;
	[tilespmem:$0x18200] =	vst v63  }
0x3e: {  	s12 =	simm.s32 $0x3A00;
	v3 =	vadd.s32 v1, v3  }
0x3f: {  	[tilespmem:s12], [sflag:$0x1] =	stream.indirect_vreg.gather [hbm4b:s8+s2], $0x80, v4, vm0, $0xb8;
	[tilespmem:$0x18200] =	vst v63  }
0x40: {  	s1 =	simm.s32 $0x4200  }
0x41: {  	[tilespmem:s1], [sflag:$0x1] =	stream.indirect_vreg.gather [hbm4b:s9+s2], $0x80, v4, vm0, $0xb8;
	[tilespmem:$0x18200] =	vst v63  }
0x42: {  	s12 =	simm.s32 $0x4A00  }
0x43: {  	[tilespmem:s12], [sflag:$0x1] =	stream.indirect_vreg.gather [hbm4b:s3+s2], $0x80, v3, vm0, $0xb8;
	[tilespmem:$0x18200] =	vst v63  }
0x44: {  	s1 =	simm.s32 $0x5200  }
0x45: {  	[tilespmem:s1], [sflag:$0x1] =	stream.indirect_vreg.gather [hbm4b:s8+s2], $0x80, v3, vm0, $0xb8;
	[tilespmem:$0x18200] =	vst v63  }
0x46: {  	s12 =	simm.s32 $0x5A00  }
0x47: {  	[tilespmem:s12], [sflag:$0x1] =	stream.indirect_vreg.gather [hbm4b:s9+s2], $0x80, v3, vm0, $0xb8;
	[tilespmem:$0x18200] =	vst v63  }
0x48: {  	v3 =	vld [tilespmem:$0x20];
	_ =	sdelay $0x4  }
0x49: {  	v4 =	vshrl.u32 v3, $0x3  }
0x4a: {  	v4 =	vmul.u32 $0x30, v4  }
0x4b: {  	v3 =	vand.u32 $0x7, v3  }
0x4c: {  	v3 =	vor.u32 v3, v4  }
0x4d: {  	v4 =	vperm.xlane v3, v0;
	_ =	sdelay $0x1  }
0x4e: {  	v4 =	vadd.s32 v1, v4;
	_ =	sdelay $0x3  }
0x4f: {  	s1 =	simm.s32 $0x6200;
	v3 =	vperm.xlane v3, v2  }
0x50: {  	[tilespmem:s1], [sflag:$0x1] =	stream.indirect_vreg.gather [hbm4b:s3+s2], $0x80, v4, vm0, $0xb8;
	[tilespmem:$0x18200] =	vst v63  }
0x51: {  	s12 =	simm.s32 $0x6A00;
	v3 =	vadd.s32 v1, v3  }
0x52: {  	[tilespmem:s12], [sflag:$0x1] =	stream.indirect_vreg.gather [hbm4b:s8+s2], $0x80, v4, vm0, $0xb8;
	[tilespmem:$0x18200] =	vst v63  }
0x53: {  	s1 =	simm.s32 $0x7200  }
0x54: {  	[tilespmem:s1], [sflag:$0x1] =	stream.indirect_vreg.gather [hbm4b:s9+s2], $0x80, v4, vm0, $0xb8;
	[tilespmem:$0x18200] =	vst v63  }
0x55: {  	s12 =	simm.s32 $0x7A00  }
0x56: {  	[tilespmem:s12], [sflag:$0x1] =	stream.indirect_vreg.gather [hbm4b:s3+s2], $0x80, v3, vm0, $0xb8;
	[tilespmem:$0x18200] =	vst v63  }
0x57: {  	s1 =	simm.s32 $0x8200  }
0x58: {  	[tilespmem:s1], [sflag:$0x1] =	stream.indirect_vreg.gather [hbm4b:s8+s2], $0x80, v3, vm0, $0xb8;
	[tilespmem:$0x18200] =	vst v63  }
0x59: {  	s12 =	simm.s32 $0x8A00  }
0x5a: {  	[tilespmem:s12], [sflag:$0x1] =	stream.indirect_vreg.gather [hbm4b:s9+s2], $0x80, v3, vm0, $0xb8;
	[tilespmem:$0x18200] =	vst v63  }
0x5b: {  	v3 =	vld [tilespmem:$0x30];
	_ =	sdelay $0x4  }
0x5c: {  	v4 =	vshrl.u32 v3, $0x3  }
0x5d: {  	v4 =	vmul.u32 $0x30, v4  }
0x5e: {  	v3 =	vand.u32 $0x7, v3  }
0x5f: {  	v3 =	vor.u32 v3, v4  }
0x60: {  	v4 =	vperm.xlane v3, v0;
	_ =	sdelay $0x1  }
0x61: {  	v4 =	vadd.s32 v1, v4;
	_ =	sdelay $0x3  }
0x62: {  	s1 =	simm.s32 $0x9200;
	v3 =	vperm.xlane v3, v2  }
0x63: {  	[tilespmem:s1], [sflag:$0x1] =	stream.indirect_vreg.gather [hbm4b:s3+s2], $0x80, v4, vm0, $0xb8;
	[tilespmem:$0x18200] =	vst v63  }
0x64: {  	s12 =	simm.s32 $0x9A00;
	v3 =	vadd.s32 v1, v3  }
0x65: {  	[tilespmem:s12], [sflag:$0x1] =	stream.indirect_vreg.gather [hbm4b:s8+s2], $0x80, v4, vm0, $0xb8;
	[tilespmem:$0x18200] =	vst v63  }
0x66: {  	s1 =	simm.s32 $0xA200  }
0x67: {  	[tilespmem:s1], [sflag:$0x1] =	stream.indirect_vreg.gather [hbm4b:s9+s2], $0x80, v4, vm0, $0xb8;
	[tilespmem:$0x18200] =	vst v63  }
0x68: {  	s12 =	simm.s32 $0xAA00  }
0x69: {  	[tilespmem:s12], [sflag:$0x1] =	stream.indirect_vreg.gather [hbm4b:s3+s2], $0x80, v3, vm0, $0xb8;
	[tilespmem:$0x18200] =	vst v63  }
0x6a: {  	s1 =	simm.s32 $0xB200  }
0x6b: {  	[tilespmem:s1], [sflag:$0x1] =	stream.indirect_vreg.gather [hbm4b:s8+s2], $0x80, v3, vm0, $0xb8;
	[tilespmem:$0x18200] =	vst v63  }
0x6c: {  	s12 =	simm.s32 $0xBA00  }
0x6d: {  	[tilespmem:s12], [sflag:$0x1] =	stream.indirect_vreg.gather [hbm4b:s9+s2], $0x80, v3, vm0, $0xb8;
	[tilespmem:$0x18200] =	vst v63  }
0x6e: {  	v3 =	vld [tilespmem:$0x80];
	_ =	sdelay $0x4  }
0x6f: {  	v4 =	vshrl.u32 v3, $0x3  }
0x70: {  	v4 =	vmul.u32 $0x30, v4  }
0x71: {  	v3 =	vand.u32 $0x7, v3  }
0x72: {  	v3 =	vor.u32 v3, v4  }
0x73: {  	v4 =	vperm.xlane v3, v0;
	_ =	sdelay $0x1  }
0x74: {  	v4 =	vadd.s32 v1, v4;
	_ =	sdelay $0x3  }
0x75: {  	s1 =	simm.s32 $0xC200;
	v3 =	vperm.xlane v3, v2  }
0x76: {  	[tilespmem:s1], [sflag:$0x1] =	stream.indirect_vreg.gather [hbm4b:s3+s2], $0x80, v4, vm0, $0xb8;
	[tilespmem:$0x18200] =	vst v63  }
0x77: {  	s12 =	simm.s32 $0xCA00;
	v3 =	vadd.s32 v1, v3  }
0x78: {  	[tilespmem:s12], [sflag:$0x1] =	stream.indirect_vreg.gather [hbm4b:s8+s2], $0x80, v4, vm0, $0xb8;
	[tilespmem:$0x18200] =	vst v63  }
0x79: {  	s1 =	simm.s32 $0xD200  }
0x7a: {  	[tilespmem:s1], [sflag:$0x1] =	stream.indirect_vreg.gather [hbm4b:s9+s2], $0x80, v4, vm0, $0xb8;
	[tilespmem:$0x18200] =	vst v63  }
0x7b: {  	s12 =	simm.s32 $0xDA00  }
0x7c: {  	[tilespmem:s12], [sflag:$0x1] =	stream.indirect_vreg.gather [hbm4b:s3+s2], $0x80, v3, vm0, $0xb8;
	[tilespmem:$0x18200] =	vst v63  }
0x7d: {  	s1 =	simm.s32 $0xE200  }
0x7e: {  	[tilespmem:s1], [sflag:$0x1] =	stream.indirect_vreg.gather [hbm4b:s8+s2], $0x80, v3, vm0, $0xb8;
	[tilespmem:$0x18200] =	vst v63  }
0x7f: {  	s12 =	simm.s32 $0xEA00  }
0x80: {  	[tilespmem:s12], [sflag:$0x1] =	stream.indirect_vreg.gather [hbm4b:s9+s2], $0x80, v3, vm0, $0xb8;
	[tilespmem:$0x18200] =	vst v63  }
0x81: {  	v3 =	vld [tilespmem:$0x90];
	_ =	sdelay $0x4  }
0x82: {  	v4 =	vshrl.u32 v3, $0x3  }
0x83: {  	v4 =	vmul.u32 $0x30, v4  }
0x84: {  	v3 =	vand.u32 $0x7, v3  }
0x85: {  	v3 =	vor.u32 v3, v4  }
0x86: {  	v4 =	vperm.xlane v3, v0;
	_ =	sdelay $0x1  }
0x87: {  	v4 =	vadd.s32 v1, v4;
	_ =	sdelay $0x3  }
0x88: {  	s1 =	simm.s32 $0xF200;
	v3 =	vperm.xlane v3, v2  }
0x89: {  	[tilespmem:s1], [sflag:$0x1] =	stream.indirect_vreg.gather [hbm4b:s3+s2], $0x80, v4, vm0, $0xb8;
	[tilespmem:$0x18200] =	vst v63  }
0x8a: {  	s12 =	simm.s32 $0xFA00;
	v3 =	vadd.s32 v1, v3  }
0x8b: {  	[tilespmem:s12], [sflag:$0x1] =	stream.indirect_vreg.gather [hbm4b:s8+s2], $0x80, v4, vm0, $0xb8;
	[tilespmem:$0x18200] =	vst v63  }
0x8c: {  	s1 =	simm.s32 $0x10200  }
0x8d: {  	[tilespmem:s1], [sflag:$0x1] =	stream.indirect_vreg.gather [hbm4b:s9+s2], $0x80, v4, vm0, $0xb8;
	[tilespmem:$0x18200] =	vst v63  }
0x8e: {  	s12 =	simm.s32 $0x10A00  }
0x8f: {  	[tilespmem:s12], [sflag:$0x1] =	stream.indirect_vreg.gather [hbm4b:s3+s2], $0x80, v3, vm0, $0xb8;
	[tilespmem:$0x18200] =	vst v63  }
0x90: {  	s1 =	simm.s32 $0x11200  }
0x91: {  	[tilespmem:s1], [sflag:$0x1] =	stream.indirect_vreg.gather [hbm4b:s8+s2], $0x80, v3, vm0, $0xb8;
	[tilespmem:$0x18200] =	vst v63  }
0x92: {  	s12 =	simm.s32 $0x11A00  }
0x93: {  	[tilespmem:s12], [sflag:$0x1] =	stream.indirect_vreg.gather [hbm4b:s9+s2], $0x80, v3, vm0, $0xb8;
	[tilespmem:$0x18200] =	vst v63  }
0x94: {  	v3 =	vld [tilespmem:$0xA0];
	_ =	sdelay $0x4  }
0x95: {  	v4 =	vshrl.u32 v3, $0x3  }
0x96: {  	v4 =	vmul.u32 $0x30, v4  }
0x97: {  	v3 =	vand.u32 $0x7, v3  }
0x98: {  	v3 =	vor.u32 v3, v4  }
0x99: {  	v4 =	vperm.xlane v3, v0;
	_ =	sdelay $0x1  }
0x9a: {  	v4 =	vadd.s32 v1, v4;
	_ =	sdelay $0x3  }
0x9b: {  	s1 =	simm.s32 $0x12200;
	v3 =	vperm.xlane v3, v2  }
0x9c: {  	[tilespmem:s1], [sflag:$0x1] =	stream.indirect_vreg.gather [hbm4b:s3+s2], $0x80, v4, vm0, $0xb8;
	[tilespmem:$0x18200] =	vst v63  }
0x9d: {  	s12 =	simm.s32 $0x12A00;
	v3 =	vadd.s32 v1, v3  }
0x9e: {  	[tilespmem:s12], [sflag:$0x1] =	stream.indirect_vreg.gather [hbm4b:s8+s2], $0x80, v4, vm0, $0xb8;
	[tilespmem:$0x18200] =	vst v63  }
0x9f: {  	s1 =	simm.s32 $0x13200  }
0xa0: {  	[tilespmem:s1], [sflag:$0x1] =	stream.indirect_vreg.gather [hbm4b:s9+s2], $0x80, v4, vm0, $0xb8;
	[tilespmem:$0x18200] =	vst v63  }
0xa1: {  	_ = 	snop  }
0xa2: {  	[tilespmem:s15], [sflag:$0x1] =	stream.indirect_vreg.gather [hbm4b:s3+s2], $0x80, v3, vm0, $0xb8;
	[tilespmem:$0x18200] =	vst v63  }
0xa3: {  	_ = 	snop  }
0xa4: {  	[tilespmem:s16], [sflag:$0x1] =	stream.indirect_vreg.gather [hbm4b:s8+s2], $0x80, v3, vm0, $0xb8;
	[tilespmem:$0x18200] =	vst v63  }
0xa5: {  	_ = 	snop  }
0xa6: {  	[tilespmem:s17], [sflag:$0x1] =	stream.indirect_vreg.gather [hbm4b:s9+s2], $0x80, v3, vm0, $0xb8;
	[tilespmem:$0x18200] =	vst v63  }
0xa7: {  	v3 =	vld [tilespmem:$0xB0];
	_ =	sdelay $0x4  }
0xa8: {  	v4 =	vshrl.u32 v3, $0x3  }
0xa9: {  	v4 =	vmul.u32 $0x30, v4  }
0xaa: {  	v3 =	vand.u32 $0x7, v3  }
0xab: {  	v3 =	vor.u32 v3, v4  }
0xac: {  	v4 =	vperm.xlane v3, v0;
	_ =	sdelay $0x1  }
0xad: {  	v4 =	vadd.s32 v1, v4;
	_ =	sdelay $0x3  }
0xae: {  	v3 =	vperm.xlane v3, v2  }
0xaf: {  	[tilespmem:s18], [sflag:$0x1] =	stream.indirect_vreg.gather [hbm4b:s3+s2], $0x80, v4, vm0, $0xb8;
	[tilespmem:$0x18200] =	vst v63  }
0xb0: {  	v3 =	vadd.s32 v1, v3  }
0xb1: {  	[tilespmem:s19], [sflag:$0x1] =	stream.indirect_vreg.gather [hbm4b:s8+s2], $0x80, v4, vm0, $0xb8;
	[tilespmem:$0x18200] =	vst v63  }
0xb2: {  	_ = 	snop  }
0xb3: {  	[tilespmem:s20], [sflag:$0x1] =	stream.indirect_vreg.gather [hbm4b:s9+s2], $0x80, v4, vm0, $0xb8;
	[tilespmem:$0x18200] =	vst v63  }
0xb4: {  	_ = 	snop  }
0xb5: {  	[tilespmem:s21], [sflag:$0x1] =	stream.indirect_vreg.gather [hbm4b:s3+s2], $0x80, v3, vm0, $0xb8;
	[tilespmem:$0x18200] =	vst v63  }
0xb6: {  	_ = 	snop  }
0xb7: {  	[tilespmem:s22], [sflag:$0x1] =	stream.indirect_vreg.gather [hbm4b:s8+s2], $0x80, v3, vm0, $0xb8;
	[tilespmem:$0x18200] =	vst v63  }
0xb8: {  	_ = 	snop  }
0xb9: {  	[tilespmem:s23], [sflag:$0x1] =	stream.indirect_vreg.gather [hbm4b:s9+s2], $0x80, v3, vm0, $0xb8;
	[tilespmem:$0x18200] =	vst v63  }
0xba: {  	_ =	swait.ge [sflag:s24], $0xC000  }
0xbb: {  	[sflag:s24] =	ssyncset.done $0x0  }
0xbc: {  	s12 =	simm.s32 $0x0;
	[sflag:s24] =	ssyncadd.s32 $0xFFFF4000  }
0xbd: {  	s0 =	smul.u32 $0x1800, s12;
	_ =	swait.ge [sflag:s24], $0xC000  }
0xbe: {  	s30 =	sand.u32 $0x380, s2;
	[sflag:s24] =	ssyncset.done $0x0  }
0xbf: {  	s0 =	sor.u32 s30, s0;
	[sflag:s24] =	ssyncadd.s32 $0xFFFF4000  }
0xc0: {  	v3 =	vld [tilespmem:s0+$0x210]  }
0xc1: {  	v4 =	vld [tilespmem:s0+$0xC210]  }
0xc2: {  	v5 =	vld [tilespmem:s0+$0x220]  }
0xc3: {  	v8 =	vld [tilespmem:s0+$0x230]  }
0xc4: {  	v9 =	vld [tilespmem:s0+$0x240]  }
0xc5: {  	v10 =	vld [tilespmem:s0+$0x250]  }
0xc6: {  	v11 =	vld [tilespmem:s0+$0x260]  }
0xc7: {  	v12 =	vld [tilespmem:s0+$0x270]  }
0xc8: {  	v13 =	vld [tilespmem:s0+$0x600]  }
0xc9: {  	v14 =	vld [tilespmem:s0+$0x610]  }
0xca: {  	v15 =	vld [tilespmem:s0+$0x620]  }
0xcb: {  	v16 =	vld [tilespmem:s0+$0x630]  }
0xcc: {  	v17 =	vld [tilespmem:s0+$0x640]  }
0xcd: {  	v18 =	vld [tilespmem:s0+$0x650]  }
0xce: {  	v19 =	vld [tilespmem:s0+$0x660]  }
0xcf: {  	v20 =	vld [tilespmem:s0+$0x670]  }
0xd0: {  	v21 =	vld [tilespmem:s0+$0xA00]  }
0xd1: {  	v22 =	vld [tilespmem:s0+$0xA10]  }
0xd2: {  	v23 =	vld [tilespmem:s0+$0xA20]  }
0xd3: {  	v24 =	vld [tilespmem:s0+$0xA30]  }
0xd4: {  	v25 =	vld [tilespmem:s0+$0xA40]  }
0xd5: {  	v26 =	vld [tilespmem:s0+$0xA50]  }
0xd6: {  	v27 =	vld [tilespmem:s0+$0xA60]  }
0xd7: {  	v28 =	vld [tilespmem:s0+$0xA70]  }
0xd8: {  	v29 =	vld [tilespmem:s0+$0xE00]  }
0xd9: {  	v30 =	vld [tilespmem:s0+$0xE10]  }
0xda: {  	v31 =	vld [tilespmem:s0+$0xE20]  }
0xdb: {  	v32 =	vld [tilespmem:s0+$0xE30]  }
0xdc: {  	v33 =	vld [tilespmem:s0+$0xE40]  }
0xdd: {  	v34 =	vld [tilespmem:s0+$0xE50]  }
0xde: {  	v35 =	vld [tilespmem:s0+$0xE60]  }
0xdf: {  	v36 =	vld [tilespmem:s0+$0xE70]  }
0xe0: {  	v37 =	vld [tilespmem:s0+$0x1200]  }
0xe1: {  	v38 =	vld [tilespmem:s0+$0x1210]  }
0xe2: {  	v39 =	vld [tilespmem:s0+$0x1220]  }
0xe3: {  	v40 =	vld [tilespmem:s0+$0x1230]  }
0xe4: {  	v41 =	vld [tilespmem:s0+$0x1240]  }
0xe5: {  	v42 =	vld [tilespmem:s0+$0x1250]  }
0xe6: {  	v43 =	vld [tilespmem:s0+$0x1260]  }
0xe7: {  	v44 =	vld [tilespmem:s0+$0x1600]  }
0xe8: {  	v45 =	vld [tilespmem:s0+$0x1610]  }
0xe9: {  	v46 =	vld [tilespmem:s0+$0xD610]  }
0xea: {  	v47 =	vld [tilespmem:s0+$0xD630]  }
0xeb: {  	v48 =	vld [tilespmem:s0+$0x1620]  }
0xec: {  	v6 =	vld.msk [tilespmem:s28+$0x0 ss:$0x0], $0xffff  }
0xed: {  	v7 =	vld.msk [tilespmem:s29+$0x0 ss:$0x0], $0xffff  }
0xee: {  	v49 =	vld [tilespmem:s0+$0x1630]  }
0xef: {  	v50 =	vld [tilespmem:s0+$0xD620]  }
0xf0: {  	v51 =	vld [tilespmem:s0+$0xD600]  }
0xf1: {  	v52 =	vld [tilespmem:s0+$0x1270]  }
0xf2: {  	v53 =	vld [tilespmem:s0+$0xD270]  }
0xf3: {  	v54 =	vld [tilespmem:s0+$0xD260];
	v49 =	vmul.f32 v49, v6  }
0xf4: {  	v55 =	vld [tilespmem:s0+$0xD250];
	v47 =	vmul.f32 v47, v7;
	v48 =	vmul.f32 v48, v6  }
0xf5: {  	v56 =	vld [tilespmem:s0+$0xD240];
	v50 =	vmul.f32 v50, v7;
	v45 =	vmul.f32 v45, v6  }
0xf6: {  	v58 =	vld [tilespmem:s0+$0xCE70];
	v46 =	vmul.f32 v46, v7;
	v44 =	vmul.f32 v44, v6  }
0xf7: {  	v60 =	vmul.f32 v51, v7;
	v51 =	vld [tilespmem:s0+$0xD230];
	v61 =	vmul.f32 v52, v6;
	v47 =	vadd.f32 v47, v49  }
0xf8: {  	v62 =	vmul.f32 v53, v7;
	v43 =	vmul.f32 v43, v6;
	v52 =	vld [tilespmem:s0+$0xCE30];
	v48 =	vadd.f32 v50, v48  }
0xf9: {  	v63 =	vmul.f32 v54, v7;
	v42 =	vmul.f32 v42, v6;
	v53 =	vld [tilespmem:s0+$0xCE20];
	v45 =	vadd.f32 v46, v45;
	[tilespmem:s0+$0x1630] =	vst v47  }
0xfa: {  	v57 =	vmul.f32 v55, v7;
	v41 =	vmul.f32 v41, v6;
	v54 =	vld [tilespmem:s0+$0xCE10];
	v44 =	vadd.f32 v60, v44;
	[tilespmem:s0+$0x1620] =	vst v48  }
0xfb: {  	v59 =	vmul.f32 v56, v7;
	v40 =	vmul.f32 v40, v6;
	v46 =	vld [tilespmem:s0+$0xD220];
	v43 =	vadd.f32 v63, v43;
	[tilespmem:s0+$0x1610] =	vst v45  }
0xfc: {  	v36 =	vmul.f32 v36, v6;
	v60 =	vld [tilespmem:s0+$0xCE60];
	v42 =	vadd.f32 v57, v42;
	[tilespmem:s0+$0x1600] =	vst v44;
	v45 =	vmul.f32 v58, v7  }
0xfd: {  	v50 =	vadd.f32 v62, v61;
	v62 =	vld [tilespmem:s0+$0xCE50];
	v41 =	vadd.f32 v59, v41;
	[tilespmem:s0+$0x1260] =	vst v43;
	v61 =	vmul.f32 v51, v7  }
0xfe: {  	v32 =	vmul.f32 v32, v6;
	v63 =	vld [tilespmem:s0+$0xCE40];
	[tilespmem:s0+$0x1250] =	vst v42;
	v42 =	vmul.f32 v52, v7;
	v36 =	vadd.f32 v45, v36  }
0xff: {  	v31 =	vmul.f32 v31, v6;
	v59 =	vld [tilespmem:s0+$0xCA50];
	[tilespmem:s0+$0x1240] =	vst v41;
	v41 =	vmul.f32 v53, v7;
	v40 =	vadd.f32 v61, v40  }
0x100: {  	v39 =	vmul.f32 v39, v6;
	v47 =	vld [tilespmem:s0+$0xD210];
	v46 =	vmul.f32 v46, v7;
	v32 =	vadd.f32 v42, v32;
	[tilespmem:s0+$0xE70] =	vst v36  }
0x101: {  	v35 =	vmul.f32 v35, v6;
	v48 =	vld [tilespmem:s0+$0xD200];
	v44 =	vmul.f32 v60, v7;
	v31 =	vadd.f32 v41, v31;
	[tilespmem:s0+$0x1230] =	vst v40  }
0x102: {  	v34 =	vmul.f32 v34, v6;
	v55 =	vld [tilespmem:s0+$0xCE00];
	v56 =	vmul.f32 v62, v7;
	v39 =	vadd.f32 v46, v39;
	[tilespmem:s0+$0xE30] =	vst v32  }
0x103: {  	v33 =	vmul.f32 v33, v6;
	v57 =	vld [tilespmem:s0+$0xCA70];
	v43 =	vmul.f32 v63, v7;
	v35 =	vadd.f32 v44, v35;
	[tilespmem:s0+$0xE20] =	vst v31  }
0x104: {  	v26 =	vmul.f32 v26, v6;
	v60 =	vld [tilespmem:s0+$0xCA40];
	v36 =	vmul.f32 v59, v7;
	v34 =	vadd.f32 v56, v34;
	[tilespmem:s0+$0x1220] =	vst v39  }
0x105: {  	v38 =	vmul.f32 v38, v6;
	v61 =	vld [tilespmem:s0+$0xCA30];
	v47 =	vmul.f32 v47, v7;
	v33 =	vadd.f32 v43, v33;
	[tilespmem:s0+$0xE60] =	vst v35  }
0x106: {  	v37 =	vmul.f32 v37, v6;
	v58 =	vld [tilespmem:s0+$0xCA60];
	v48 =	vmul.f32 v48, v7;
	v26 =	vadd.f32 v36, v26;
	[tilespmem:s0+$0xE50] =	vst v34  }
0x107: {  	v30 =	vmul.f32 v30, v6;
	v62 =	vld [tilespmem:s0+$0xCA20];
	v40 =	vmul.f32 v54, v7;
	v38 =	vadd.f32 v47, v38;
	[tilespmem:s0+$0xE40] =	vst v33  }
0x108: {  	v29 =	vmul.f32 v29, v6;
	v63 =	vld [tilespmem:s0+$0xCA10];
	v37 =	vadd.f32 v48, v37;
	v39 =	vmul.f32 v55, v7;
	[tilespmem:s0+$0xA50] =	vst v26  }
0x109: {  	v25 =	vmul.f32 v25, v6;
	v31 =	vld [tilespmem:s0+$0xCA00];
	v30 =	vadd.f32 v40, v30;
	v35 =	vmul.f32 v60, v7;
	[tilespmem:s0+$0x1210] =	vst v38  }
0x10a: {  	v24 =	vmul.f32 v24, v6;
	v34 =	vmul.f32 v61, v7;
	v26 =	vld [tilespmem:s0+$0xC630];
	[tilespmem:s0+$0x1200] =	vst v37;
	v29 =	vadd.f32 v39, v29  }
0x10b: {  	v28 =	vmul.f32 v28, v6;
	v38 =	vmul.f32 v57, v7;
	[tilespmem:s0+$0xE10] =	vst v30;
	v30 =	vld [tilespmem:s0+$0xC670];
	v25 =	vadd.f32 v35, v25  }
0x10c: {  	v27 =	vmul.f32 v27, v6;
	v37 =	vmul.f32 v58, v7;
	v24 =	vadd.f32 v34, v24;
	[tilespmem:s0+$0xE00] =	vst v29;
	v29 =	vld [tilespmem:s0+$0xC660]  }
0x10d: {  	v23 =	vmul.f32 v23, v6;
	v33 =	vmul.f32 v62, v7;
	v28 =	vadd.f32 v38, v28;
	[tilespmem:s0+$0xA40] =	vst v25;
	v25 =	vld [tilespmem:s0+$0xC620]  }
0x10e: {  	v22 =	vmul.f32 v22, v6;
	v32 =	vmul.f32 v63, v7;
	v27 =	vadd.f32 v37, v27;
	[tilespmem:s0+$0xA30] =	vst v24;
	v24 =	vld [tilespmem:s0+$0xC610]  }
0x10f: {  	v21 =	vmul.f32 v21, v6;
	v31 =	vmul.f32 v31, v7;
	v23 =	vadd.f32 v33, v23;
	[tilespmem:s0+$0xA70] =	vst v28;
	v28 =	vld [tilespmem:s0+$0xC650]  }
0x110: {  	v16 =	vmul.f32 v16, v6;
	v22 =	vadd.f32 v32, v22;
	[tilespmem:s0+$0xA60] =	vst v27;
	v27 =	vld [tilespmem:s0+$0xC640];
	v26 =	vmul.f32 v26, v7  }
0x111: {  	v20 =	vmul.f32 v20, v6;
	v21 =	vadd.f32 v31, v21;
	[tilespmem:s0+$0xA20] =	vst v23;
	v23 =	vld [tilespmem:s0+$0xC600];
	v30 =	vmul.f32 v30, v7  }
0x112: {  	v19 =	vmul.f32 v19, v6;
	[tilespmem:s0+$0xA10] =	vst v22;
	v22 =	vld [tilespmem:s0+$0xC270];
	v16 =	vadd.f32 v26, v16;
	v29 =	vmul.f32 v29, v7  }
0x113: {  	v15 =	vmul.f32 v15, v6;
	[tilespmem:s0+$0xA00] =	vst v21;
	v21 =	vld [tilespmem:s0+$0xC260];
	v20 =	vadd.f32 v30, v20;
	v25 =	vmul.f32 v25, v7  }
0x114: {  	v18 =	vmul.f32 v18, v6;
	[tilespmem:s0+$0x630] =	vst v16;
	v16 =	vld [tilespmem:s0+$0xD640];
	v28 =	vmul.f32 v28, v7;
	v19 =	vadd.f32 v29, v19  }
0x115: {  	v17 =	vmul.f32 v17, v6;
	v27 =	vmul.f32 v27, v7;
	[tilespmem:s0+$0x670] =	vst v20;
	v20 =	vld [tilespmem:s0+$0xC250];
	v15 =	vadd.f32 v25, v15  }
0x116: {  	v14 =	vmul.f32 v14, v6;
	v24 =	vmul.f32 v24, v7;
	v18 =	vadd.f32 v28, v18;
	[tilespmem:s0+$0x660] =	vst v19;
	v19 =	vld [tilespmem:s0+$0xC240]  }
0x117: {  	v13 =	vmul.f32 v13, v6;
	v23 =	vmul.f32 v23, v7;
	v17 =	vadd.f32 v27, v17;
	[tilespmem:s0+$0x620] =	vst v15;
	v15 =	vld [tilespmem:s0+$0xD650]  }
0x118: {  	v12 =	vmul.f32 v12, v6;
	v22 =	vmul.f32 v22, v7;
	v14 =	vadd.f32 v24, v14;
	[tilespmem:s0+$0x650] =	vst v18;
	v18 =	vld [tilespmem:s0+$0xC230]  }
0x119: {  	v11 =	vmul.f32 v11, v6;
	v21 =	vmul.f32 v21, v7;
	v13 =	vadd.f32 v23, v13;
	[tilespmem:s0+$0x640] =	vst v17;
	v17 =	vld [tilespmem:s0+$0xC220]  }
0x11a: {  	v10 =	vmul.f32 v10, v6;
	v12 =	vadd.f32 v22, v12;
	[tilespmem:s0+$0x610] =	vst v14;
	v14 =	vld [tilespmem:s0+$0x1640];
	v20 =	vmul.f32 v20, v7  }
0x11b: {  	v9 =	vmul.f32 v9, v6;
	v11 =	vadd.f32 v21, v11;
	[tilespmem:s0+$0x600] =	vst v13;
	v13 =	vld [tilespmem:s0+$0xD660];
	v19 =	vmul.f32 v19, v7  }
0x11c: {  	[tilespmem:s0+$0x270] =	vst v12;
	v12 =	vld [tilespmem:s0+$0x1650];
	v10 =	vadd.f32 v20, v10  }
0x11d: {  	v8 =	vmul.f32 v8, v6;
	[tilespmem:s0+$0x260] =	vst v11;
	v11 =	vld [tilespmem:s0+$0xD670];
	v18 =	vmul.f32 v18, v7;
	v9 =	vadd.f32 v19, v9  }
0x11e: {  	v5 =	vmul.f32 v5, v6;
	v17 =	vmul.f32 v17, v7;
	[tilespmem:s0+$0x250] =	vst v10;
	v10 =	vld [tilespmem:s0+$0x1660]  }
0x11f: {  	v8 =	vadd.f32 v18, v8;
	[tilespmem:s0+$0x240] =	vst v9;
	v9 =	vld [tilespmem:s0+$0x1670]  }
0x120: {  	v5 =	vadd.f32 v17, v5;
	v17 =	vld [tilespmem:s0+$0xC200]  }
0x121: {  	v3 =	vmul.f32 v3, v6;
	v4 =	vmul.f32 v4, v7;
	[tilespmem:s0+$0x230] =	vst v8;
	v8 =	vld [tilespmem:s0+$0x200]  }
0x122: {  	s30 =	simm.s32 $0x0;
	v16 =	vmul.f32 v16, v7;
	v14 =	vmul.f32 v14, v6  }
0x123: {  	s31 =	simm.s32 $0x80;
	s30 =	smul.u32 $0x1800, s30;
	v3 =	vadd.f32 v4, v3;
	v4 =	vmul.f32 v12, v6;
	[tilespmem:s0+$0x220] =	vst v5;
	v5 =	vmul.f32 v15, v7  }
0x124: {  	s1 =	sand.u32 $0x380, s31;
	[tilespmem:s0+$0x1270] =	vst v50;
	v13 =	vmul.f32 v13, v7;
	v12 =	vadd.f32 v16, v14;
	v10 =	vmul.f32 v10, v6  }
0x125: {  	s30 =	sor.u32 s1, s30;
	[tilespmem:s0+$0x210] =	vst v3;
	v11 =	vmul.f32 v11, v7;
	v5 =	vadd.f32 v5, v4;
	v9 =	vmul.f32 v9, v6  }
0x126: {  	v3 =	vld [tilespmem:s30+$0x210];
	[tilespmem:s0+$0x1640] =	vst v12;
	v10 =	vadd.f32 v13, v10;
	v7 =	vmul.f32 v17, v7;
	v8 =	vmul.f32 v8, v6  }
0x127: {  	v4 =	vld [tilespmem:s30+$0xC210];
	[tilespmem:s0+$0x1650] =	vst v5;
	v9 =	vadd.f32 v11, v9  }
0x128: {  	v5 =	vld [tilespmem:s30+$0x220];
	[tilespmem:s0+$0x1660] =	vst v10;
	v7 =	vadd.f32 v7, v8  }
0x129: {  	v6 =	vld [tilespmem:s30+$0xC220];
	[tilespmem:s0+$0x1670] =	vst v9  }
0x12a: {  	v8 =	vld [tilespmem:s30+$0x230];
	[tilespmem:s0+$0x200] =	vst v7  }
0x12b: {  	v7 =	vld [tilespmem:s30+$0xC230]  }
0x12c: {  	v10 =	vld [tilespmem:s30+$0x240]  }
0x12d: {  	v9 =	vld [tilespmem:s30+$0xC240]  }
0x12e: {  	v12 =	vld [tilespmem:s30+$0x250]  }
0x12f: {  	v11 =	vld [tilespmem:s30+$0xC250]  }
0x130: {  	v13 =	vld [tilespmem:s30+$0x260]  }
0x131: {  	v14 =	vld [tilespmem:s30+$0x270]  }
0x132: {  	v15 =	vld [tilespmem:s30+$0x600]  }
0x133: {  	v16 =	vld [tilespmem:s30+$0x610]  }
0x134: {  	v17 =	vld [tilespmem:s30+$0x620]  }
0x135: {  	v18 =	vld [tilespmem:s30+$0x630]  }
0x136: {  	v19 =	vld [tilespmem:s30+$0x640]  }
0x137: {  	v20 =	vld [tilespmem:s30+$0x650]  }
0x138: {  	v21 =	vld [tilespmem:s30+$0x660]  }
0x139: {  	v22 =	vld [tilespmem:s30+$0x670]  }
0x13a: {  	v23 =	vld [tilespmem:s30+$0xA00]  }
0x13b: {  	v24 =	vld [tilespmem:s30+$0xA10]  }
0x13c: {  	v25 =	vld [tilespmem:s30+$0xA20]  }
0x13d: {  	v26 =	vld [tilespmem:s30+$0xA30]  }
0x13e: {  	v27 =	vld [tilespmem:s30+$0xA40]  }
0x13f: {  	v28 =	vld [tilespmem:s30+$0xA50]  }
0x140: {  	v29 =	vld [tilespmem:s30+$0xA60]  }
0x141: {  	v30 =	vld [tilespmem:s30+$0xA70]  }
0x142: {  	v32 =	vld [tilespmem:s30+$0xE00]  }
0x143: {  	v34 =	vld [tilespmem:s30+$0xE10]  }
0x144: {  	v35 =	vld [tilespmem:s30+$0xE20]  }
0x145: {  	v36 =	vld [tilespmem:s30+$0xE30]  }
0x146: {  	v37 =	vld [tilespmem:s30+$0xE40]  }
0x147: {  	v38 =	vld [tilespmem:s30+$0xE50]  }
0x148: {  	v39 =	vld [tilespmem:s30+$0xE60]  }
0x149: {  	v40 =	vld [tilespmem:s30+$0xE70]  }
0x14a: {  	v41 =	vld [tilespmem:s30+$0x1200]  }
0x14b: {  	v42 =	vld [tilespmem:s30+$0x1210]  }
0x14c: {  	v43 =	vld [tilespmem:s30+$0x1220]  }
0x14d: {  	v44 =	vld [tilespmem:s30+$0x1230]  }
0x14e: {  	v45 =	vld [tilespmem:s30+$0x1240]  }
0x14f: {  	v46 =	vld [tilespmem:s30+$0x1250]  }
0x150: {  	v47 =	vld [tilespmem:s30+$0x1260]  }
0x151: {  	v48 =	vld [tilespmem:s30+$0x1600]  }
0x152: {  	v50 =	vld [tilespmem:s30+$0x1610]  }
0x153: {  	v49 =	vld [tilespmem:s30+$0xD610]  }
0x154: {  	s0 =	simm.s32 $0x2;
	v51 =	vld [tilespmem:s30+$0xD630]  }
.LBB2_2:
0x155: {  	p0 =	sne.s32 s0, $0x3F;
	v52 =	vld [tilespmem:s30+$0x1620];
	s28 =	sadd.s32 $0x1, s28  }
0x156: {  	s29 =	sadd.s32 $0x1, s29;
	v33 =	vld.msk [tilespmem:s28+$0x0 ss:$0x0], $0xffff  }
0x157: {  	v31 =	vld.msk [tilespmem:s29+$0x0 ss:$0x0], $0xffff  }
0x158: {  	v53 =	vld [tilespmem:s30+$0x1630]  }
0x159: {  	v54 =	vld [tilespmem:s30+$0xD620]  }
0x15a: {  	v55 =	vld [tilespmem:s30+$0xD600]  }
0x15b: {  	v56 =	vld [tilespmem:s30+$0x1270]  }
0x15c: {  	v50 =	vmul.f32 v50, v33;
	v52 =	vmul.f32 v52, v33;
	v57 =	vld [tilespmem:s30+$0xD270]  }
0x15d: {  	v51 =	vmul.f32 v51, v31;
	v58 =	vld [tilespmem:s30+$0xD260];
	v53 =	vmul.f32 v53, v33  }
0x15e: {  	v49 =	vmul.f32 v49, v31;
	v59 =	vld [tilespmem:s30+$0xD250];
	v54 =	vmul.f32 v54, v31  }
0x15f: {  	v48 =	vmul.f32 v48, v33;
	v60 =	vld [tilespmem:s30+$0xD240];
	v55 =	vmul.f32 v55, v31;
	v51 =	vadd.f32 v51, v53  }
0x160: {  	v49 =	vadd.f32 v49, v50;
	v53 =	vld [tilespmem:s30+$0xD230];
	v56 =	vmul.f32 v56, v33;
	v50 =	vadd.f32 v54, v52  }
0x161: {  	v47 =	vmul.f32 v47, v33;
	v52 =	vld [tilespmem:s30+$0xD220];
	v54 =	vmul.f32 v57, v31;
	v48 =	vadd.f32 v55, v48;
	[tilespmem:s30+$0x1630] =	vst v51  }
0x162: {  	v46 =	vmul.f32 v46, v33;
	v51 =	vld [tilespmem:s30+$0xD210];
	v55 =	vmul.f32 v58, v31;
	[tilespmem:s30+$0x1620] =	vst v50  }
0x163: {  	v45 =	vmul.f32 v45, v33;
	v50 =	vld [tilespmem:s30+$0xD200];
	v57 =	vmul.f32 v59, v31;
	v54 =	vadd.f32 v54, v56;
	[tilespmem:s30+$0x1610] =	vst v49  }
0x164: {  	v44 =	vmul.f32 v44, v33;
	v49 =	vld [tilespmem:s30+$0xCE70];
	v56 =	vmul.f32 v60, v31;
	v47 =	vadd.f32 v55, v47;
	[tilespmem:s30+$0x1600] =	vst v48  }
0x165: {  	v43 =	vmul.f32 v43, v33;
	v48 =	vld [tilespmem:s30+$0xCE60];
	v53 =	vmul.f32 v53, v31;
	v46 =	vadd.f32 v57, v46;
	[tilespmem:s30+$0x1270] =	vst v54  }
0x166: {  	v42 =	vmul.f32 v42, v33;
	v54 =	vld [tilespmem:s30+$0xCE50];
	v52 =	vmul.f32 v52, v31;
	v45 =	vadd.f32 v56, v45;
	[tilespmem:s30+$0x1260] =	vst v47  }
0x167: {  	v41 =	vmul.f32 v41, v33;
	v47 =	vld [tilespmem:s30+$0xCE40];
	v51 =	vmul.f32 v51, v31;
	v44 =	vadd.f32 v53, v44;
	[tilespmem:s30+$0x1250] =	vst v46  }
0x168: {  	v40 =	vmul.f32 v40, v33;
	v46 =	vld [tilespmem:s30+$0xCE30];
	v50 =	vmul.f32 v50, v31;
	v43 =	vadd.f32 v52, v43;
	[tilespmem:s30+$0x1240] =	vst v45  }
0x169: {  	v39 =	vmul.f32 v39, v33;
	v45 =	vld [tilespmem:s30+$0xCE20];
	v49 =	vmul.f32 v49, v31;
	v42 =	vadd.f32 v51, v42;
	[tilespmem:s30+$0x1230] =	vst v44  }
0x16a: {  	v38 =	vmul.f32 v38, v33;
	v44 =	vld [tilespmem:s30+$0xCE10];
	v48 =	vmul.f32 v48, v31;
	v41 =	vadd.f32 v50, v41;
	[tilespmem:s30+$0x1220] =	vst v43  }
0x16b: {  	v37 =	vmul.f32 v37, v33;
	v43 =	vld [tilespmem:s30+$0xCE00];
	v50 =	vmul.f32 v54, v31;
	v40 =	vadd.f32 v49, v40;
	[tilespmem:s30+$0x1210] =	vst v42  }
0x16c: {  	v36 =	vmul.f32 v36, v33;
	v42 =	vld [tilespmem:s30+$0xCA70];
	v47 =	vmul.f32 v47, v31;
	v39 =	vadd.f32 v48, v39;
	[tilespmem:s30+$0x1200] =	vst v41  }
0x16d: {  	v35 =	vmul.f32 v35, v33;
	v41 =	vld [tilespmem:s30+$0xCA60];
	v46 =	vmul.f32 v46, v31;
	v38 =	vadd.f32 v50, v38;
	[tilespmem:s30+$0xE70] =	vst v40  }
0x16e: {  	v34 =	vmul.f32 v34, v33;
	v40 =	vld [tilespmem:s30+$0xCA50];
	v45 =	vmul.f32 v45, v31;
	v37 =	vadd.f32 v47, v37;
	[tilespmem:s30+$0xE60] =	vst v39  }
0x16f: {  	v32 =	vmul.f32 v32, v33;
	v39 =	vld [tilespmem:s30+$0xCA40];
	v44 =	vmul.f32 v44, v31;
	v36 =	vadd.f32 v46, v36;
	[tilespmem:s30+$0xE50] =	vst v38  }
0x170: {  	v30 =	vmul.f32 v30, v33;
	v38 =	vld [tilespmem:s30+$0xCA30];
	v43 =	vmul.f32 v43, v31;
	v35 =	vadd.f32 v45, v35;
	[tilespmem:s30+$0xE40] =	vst v37  }
0x171: {  	v29 =	vmul.f32 v29, v33;
	v37 =	vld [tilespmem:s30+$0xCA20];
	v42 =	vmul.f32 v42, v31;
	v34 =	vadd.f32 v44, v34;
	[tilespmem:s30+$0xE30] =	vst v36  }
0x172: {  	v28 =	vmul.f32 v28, v33;
	v36 =	vld [tilespmem:s30+$0xCA10];
	v41 =	vmul.f32 v41, v31;
	v32 =	vadd.f32 v43, v32;
	[tilespmem:s30+$0xE20] =	vst v35  }
0x173: {  	v27 =	vmul.f32 v27, v33;
	v35 =	vld [tilespmem:s30+$0xCA00];
	v40 =	vmul.f32 v40, v31;
	v30 =	vadd.f32 v42, v30;
	[tilespmem:s30+$0xE10] =	vst v34  }
0x174: {  	v26 =	vmul.f32 v26, v33;
	v34 =	vld [tilespmem:s30+$0xC670];
	v39 =	vmul.f32 v39, v31;
	v29 =	vadd.f32 v41, v29;
	[tilespmem:s30+$0xE00] =	vst v32  }
0x175: {  	v25 =	vmul.f32 v25, v33;
	v32 =	vld [tilespmem:s30+$0xC660];
	v38 =	vmul.f32 v38, v31;
	v28 =	vadd.f32 v40, v28;
	[tilespmem:s30+$0xA70] =	vst v30  }
0x176: {  	v24 =	vmul.f32 v24, v33;
	v30 =	vld [tilespmem:s30+$0xC650];
	v37 =	vmul.f32 v37, v31;
	v27 =	vadd.f32 v39, v27;
	[tilespmem:s30+$0xA60] =	vst v29  }
0x177: {  	v23 =	vmul.f32 v23, v33;
	v29 =	vld [tilespmem:s30+$0xC640];
	v36 =	vmul.f32 v36, v31;
	v26 =	vadd.f32 v38, v26;
	[tilespmem:s30+$0xA50] =	vst v28  }
0x178: {  	v22 =	vmul.f32 v22, v33;
	v28 =	vld [tilespmem:s30+$0xC630];
	v35 =	vmul.f32 v35, v31;
	v25 =	vadd.f32 v37, v25;
	[tilespmem:s30+$0xA40] =	vst v27  }
0x179: {  	v21 =	vmul.f32 v21, v33;
	v27 =	vld [tilespmem:s30+$0xC620];
	v34 =	vmul.f32 v34, v31;
	v24 =	vadd.f32 v36, v24;
	[tilespmem:s30+$0xA30] =	vst v26  }
0x17a: {  	v20 =	vmul.f32 v20, v33;
	v26 =	vld [tilespmem:s30+$0xC610];
	v32 =	vmul.f32 v32, v31;
	v23 =	vadd.f32 v35, v23;
	[tilespmem:s30+$0xA20] =	vst v25  }
0x17b: {  	v19 =	vmul.f32 v19, v33;
	v25 =	vld [tilespmem:s30+$0xC600];
	v30 =	vmul.f32 v30, v31;
	v22 =	vadd.f32 v34, v22;
	[tilespmem:s30+$0xA10] =	vst v24  }
0x17c: {  	v18 =	vmul.f32 v18, v33;
	v24 =	vld [tilespmem:s30+$0xC270];
	v29 =	vmul.f32 v29, v31;
	v21 =	vadd.f32 v32, v21;
	[tilespmem:s30+$0xA00] =	vst v23  }
0x17d: {  	v17 =	vmul.f32 v17, v33;
	v23 =	vld [tilespmem:s30+$0xC260];
	v28 =	vmul.f32 v28, v31;
	v20 =	vadd.f32 v30, v20;
	[tilespmem:s30+$0x670] =	vst v22  }
0x17e: {  	v16 =	vmul.f32 v16, v33;
	v22 =	vmul.f32 v27, v31;
	v19 =	vadd.f32 v29, v19;
	[tilespmem:s30+$0x660] =	vst v21;
	v21 =	vld [tilespmem:s30+$0xD640]  }
0x17f: {  	v15 =	vmul.f32 v15, v33;
	v26 =	vmul.f32 v26, v31;
	v18 =	vadd.f32 v28, v18;
	[tilespmem:s30+$0x650] =	vst v20;
	v20 =	vld [tilespmem:s30+$0xD650]  }
0x180: {  	v14 =	vmul.f32 v14, v33;
	v25 =	vmul.f32 v25, v31;
	v17 =	vadd.f32 v22, v17;
	[tilespmem:s30+$0x640] =	vst v19;
	v19 =	vld [tilespmem:s30+$0xD660]  }
0x181: {  	v13 =	vmul.f32 v13, v33;
	v22 =	vmul.f32 v24, v31;
	v16 =	vadd.f32 v26, v16;
	[tilespmem:s30+$0x630] =	vst v18;
	v18 =	vld [tilespmem:s30+$0xD670]  }
0x182: {  	v12 =	vmul.f32 v12, v33;
	v23 =	vmul.f32 v23, v31;
	v15 =	vadd.f32 v25, v15;
	[tilespmem:s30+$0x620] =	vst v17;
	v17 =	vld [tilespmem:s30+$0x1640]  }
0x183: {  	v10 =	vmul.f32 v10, v33;
	v11 =	vmul.f32 v11, v31;
	v14 =	vadd.f32 v22, v14;
	[tilespmem:s30+$0x610] =	vst v16;
	v16 =	vld [tilespmem:s30+$0x1650]  }
0x184: {  	v8 =	vmul.f32 v8, v33;
	v9 =	vmul.f32 v9, v31;
	v13 =	vadd.f32 v23, v13;
	[tilespmem:s30+$0x600] =	vst v15;
	v15 =	vld [tilespmem:s30+$0x1660]  }
0x185: {  	v5 =	vmul.f32 v5, v33;
	v7 =	vmul.f32 v7, v31;
	v11 =	vadd.f32 v11, v12;
	[tilespmem:s30+$0x270] =	vst v14;
	v12 =	vld [tilespmem:s30+$0x1670]  }
0x186: {  	v3 =	vmul.f32 v3, v33;
	v6 =	vmul.f32 v6, v31;
	v9 =	vadd.f32 v9, v10;
	v14 =	vld [tilespmem:s30+$0x200];
	[tilespmem:s30+$0x260] =	vst v13  }
0x187: {  	v4 =	vmul.f32 v4, v31;
	v7 =	vadd.f32 v7, v8;
	v10 =	vld [tilespmem:s30+$0xC200];
	[tilespmem:s30+$0x250] =	vst v11;
	v8 =	vmul.f32 v17, v33  }
0x188: {  	s1 =	sshrl.u32 s0, $0x3;
	v5 =	vadd.f32 v6, v5;
	v6 =	vmul.f32 v21, v31;
	[tilespmem:s30+$0x240] =	vst v9;
	v9 =	vmul.f32 v16, v33  }
0x189: {  	s31 =	sadd.s32 $0x80, s31;
	s1 =	smul.u32 $0x1800, s1;
	v3 =	vadd.f32 v4, v3;
	v4 =	vmul.f32 v20, v31;
	[tilespmem:s30+$0x230] =	vst v7;
	v7 =	vmul.f32 v15, v33  }
0x18a: {  	s12 =	sand.u32 $0x380, s31;
	[tilespmem:s30+$0x220] =	vst v5;
	v5 =	vadd.f32 v6, v8;
	v6 =	vmul.f32 v19, v31;
	v8 =	vmul.f32 v12, v33  }
0x18b: {  	s1 =	sor.u32 s12, s1;
	v9 =	vadd.f32 v4, v9;
	v12 =	vmul.f32 v18, v31;
	v11 =	vmul.f32 v14, v33;
	[tilespmem:s30+$0x210] =	vst v3  }
0x18c: {  	v3 =	vld [tilespmem:s1+$0x210];
	v10 =	vmul.f32 v10, v31;
	[tilespmem:s30+$0x1640] =	vst v5;
	v6 =	vadd.f32 v6, v7  }
0x18d: {  	v7 =	vadd.f32 v12, v8;
	v4 =	vld [tilespmem:s1+$0xC210];
	[tilespmem:s30+$0x1650] =	vst v9  }
0x18e: {  	v5 =	vld [tilespmem:s1+$0x220];
	v9 =	vadd.f32 v10, v11;
	[tilespmem:s30+$0x1660] =	vst v6  }
0x18f: {  	v6 =	vld [tilespmem:s1+$0xC220];
	[tilespmem:s30+$0x1670] =	vst v7  }
0x190: {  	v8 =	vld [tilespmem:s1+$0x230];
	[tilespmem:s30+$0x200] =	vst v9;
	s30 =	smov.u32 s1  }
0x191: {  	v7 =	vld [tilespmem:s30+$0xC230]  }
0x192: {  	v10 =	vld [tilespmem:s30+$0x240]  }
0x193: {  	v9 =	vld [tilespmem:s30+$0xC240]  }
0x194: {  	v12 =	vld [tilespmem:s30+$0x250]  }
0x195: {  	v11 =	vld [tilespmem:s30+$0xC250]  }
0x196: {  	v13 =	vld [tilespmem:s30+$0x260]  }
0x197: {  	v14 =	vld [tilespmem:s30+$0x270]  }
0x198: {  	v15 =	vld [tilespmem:s30+$0x600]  }
0x199: {  	v16 =	vld [tilespmem:s30+$0x610]  }
0x19a: {  	v17 =	vld [tilespmem:s30+$0x620]  }
0x19b: {  	v18 =	vld [tilespmem:s30+$0x630]  }
0x19c: {  	v19 =	vld [tilespmem:s30+$0x640]  }
0x19d: {  	v20 =	vld [tilespmem:s30+$0x650]  }
0x19e: {  	v21 =	vld [tilespmem:s30+$0x660]  }
0x19f: {  	v22 =	vld [tilespmem:s30+$0x670]  }
0x1a0: {  	v23 =	vld [tilespmem:s30+$0xA00]  }
0x1a1: {  	v24 =	vld [tilespmem:s30+$0xA10]  }
0x1a2: {  	v25 =	vld [tilespmem:s30+$0xA20]  }
0x1a3: {  	v26 =	vld [tilespmem:s30+$0xA30]  }
0x1a4: {  	v27 =	vld [tilespmem:s30+$0xA40]  }
0x1a5: {  	v28 =	vld [tilespmem:s30+$0xA50]  }
0x1a6: {  	v29 =	vld [tilespmem:s30+$0xA60]  }
0x1a7: {  	v30 =	vld [tilespmem:s30+$0xA70]  }
0x1a8: {  	v32 =	vld [tilespmem:s30+$0xE00]  }
0x1a9: {  	v34 =	vld [tilespmem:s30+$0xE10]  }
0x1aa: {  	v35 =	vld [tilespmem:s30+$0xE20]  }
0x1ab: {  	v36 =	vld [tilespmem:s30+$0xE30]  }
0x1ac: {  	v37 =	vld [tilespmem:s30+$0xE40]  }
0x1ad: {  	v38 =	vld [tilespmem:s30+$0xE50]  }
0x1ae: {  	v39 =	vld [tilespmem:s30+$0xE60]  }
0x1af: {  	v40 =	vld [tilespmem:s30+$0xE70]  }
0x1b0: {  	v41 =	vld [tilespmem:s30+$0x1200]  }
0x1b1: {  	v42 =	vld [tilespmem:s30+$0x1210]  }
0x1b2: {  	v43 =	vld [tilespmem:s30+$0x1220]  }
0x1b3: {  	v44 =	vld [tilespmem:s30+$0x1230]  }
0x1b4: {  	v45 =	vld [tilespmem:s30+$0x1240]  }
0x1b5: {  	v46 =	vld [tilespmem:s30+$0x1250]  }
.Ltmp0:
0x1b6: {  	v47 =	vld [tilespmem:s30+$0x1260];
	(pc) =	sbr.rel @p0 .LBB2_2-.Ltmp0, $4  }
0x1b7: {  	v48 =	vld [tilespmem:s30+$0x1600]  }
0x1b8: {  	v50 =	vld [tilespmem:s30+$0x1610]  }
0x1b9: {  	v49 =	vld [tilespmem:s30+$0xD610]  }
0x1ba: {  	s0 =	sadd.s32 $0x1, s0;
	v51 =	vld [tilespmem:s30+$0xD630]  }
0x1bb: {  	v52 =	vld [tilespmem:s30+$0x1620]  }
0x1bc: {  	s0 =	sadd.s32 $0x1, s28;
	v53 =	vld [tilespmem:s30+$0x1630]  }
0x1bd: {  	s31 =	sadd.s32 $0x1, s29;
	v31 =	vld.msk [tilespmem:s0+$0x0 ss:$0x0], $0xffff  }
0x1be: {  	v33 =	vld.msk [tilespmem:s31+$0x0 ss:$0x0], $0xffff  }
0x1bf: {  	v54 =	vld [tilespmem:s30+$0xD620];
	_ =	sdelay $0x1  }
0x1c0: {  	v55 =	vld [tilespmem:s30+$0xD600]  }
0x1c1: {  	v56 =	vld [tilespmem:s30+$0x1270]  }
0x1c2: {  	v58 =	vld [tilespmem:s30+$0xD260];
	v53 =	vmul.f32 v53, v31;
	v51 =	vmul.f32 v51, v33  }
0x1c3: {  	v57 =	vld [tilespmem:s30+$0xD270];
	v52 =	vmul.f32 v52, v31;
	v54 =	vmul.f32 v54, v33  }
0x1c4: {  	v59 =	vld [tilespmem:s30+$0xD250];
	v50 =	vmul.f32 v50, v31;
	v49 =	vmul.f32 v49, v33  }
0x1c5: {  	v60 =	vld [tilespmem:s30+$0xD240];
	v48 =	vmul.f32 v48, v31;
	v62 =	vmul.f32 v55, v33;
	v51 =	vadd.f32 v51, v53  }
0x1c6: {  	v61 =	vld [tilespmem:s30+$0xD220];
	v63 =	vmul.f32 v56, v31;
	v47 =	vmul.f32 v47, v31;
	v52 =	vadd.f32 v54, v52  }
0x1c7: {  	v58 =	vmul.f32 v58, v33;
	v55 =	vld [tilespmem:s30+$0xC660];
	v12 =	vmul.f32 v12, v31;
	v49 =	vadd.f32 v49, v50;
	[tilespmem:s30+$0x1630] =	vst v51  }
0x1c8: {  	v56 =	vld [tilespmem:s30+$0xC650];
	v11 =	vmul.f32 v11, v33;
	v10 =	vmul.f32 v10, v31;
	v48 =	vadd.f32 v62, v48;
	[tilespmem:s30+$0x1620] =	vst v52  }
0x1c9: {  	v9 =	vmul.f32 v9, v33;
	v8 =	vmul.f32 v8, v31;
	v53 =	vld [tilespmem:s30+$0xD230];
	v47 =	vadd.f32 v58, v47;
	[tilespmem:s30+$0x1610] =	vst v49  }
0x1ca: {  	v7 =	vmul.f32 v7, v33;
	v5 =	vmul.f32 v5, v31;
	v50 =	vld [tilespmem:s30+$0xD200];
	v11 =	vadd.f32 v11, v12;
	[tilespmem:s30+$0x1600] =	vst v48  }
0x1cb: {  	v6 =	vmul.f32 v6, v33;
	v3 =	vmul.f32 v3, v31;
	v58 =	vld [tilespmem:s30+$0xCE20];
	v9 =	vadd.f32 v9, v10;
	[tilespmem:s30+$0x1260] =	vst v47  }
0x1cc: {  	v4 =	vmul.f32 v4, v33;
	v62 =	vmul.f32 v59, v33;
	v59 =	vld [tilespmem:s30+$0xCE10];
	v7 =	vadd.f32 v7, v8;
	[tilespmem:s30+$0x250] =	vst v11  }
0x1cd: {  	v57 =	vmul.f32 v57, v33;
	v54 =	vld [tilespmem:s30+$0xC670];
	v5 =	vadd.f32 v6, v5;
	[tilespmem:s30+$0x240] =	vst v9  }
0x1ce: {  	v46 =	vmul.f32 v46, v31;
	v3 =	vadd.f32 v4, v3;
	v51 =	vld [tilespmem:s30+$0xD210];
	[tilespmem:s30+$0x230] =	vst v7  }
0x1cf: {  	v45 =	vmul.f32 v45, v31;
	v49 =	vld [tilespmem:s30+$0xCE70];
	v52 =	vadd.f32 v57, v63;
	v63 =	vmul.f32 v60, v33;
	[tilespmem:s30+$0x220] =	vst v5  }
0x1d0: {  	v43 =	vmul.f32 v43, v31;
	v48 =	vld [tilespmem:s30+$0xCE60];
	v46 =	vadd.f32 v62, v46;
	v57 =	vmul.f32 v61, v33;
	[tilespmem:s30+$0x210] =	vst v3  }
0x1d1: {  	v44 =	vmul.f32 v44, v31;
	v47 =	vld [tilespmem:s30+$0xCE40];
	[tilespmem:s30+$0x1270] =	vst v52;
	v45 =	vadd.f32 v63, v45;
	v53 =	vmul.f32 v53, v33  }
0x1d2: {  	v41 =	vmul.f32 v41, v31;
	v60 =	vld [tilespmem:s30+$0xCE00];
	[tilespmem:s30+$0x1250] =	vst v46;
	v43 =	vadd.f32 v57, v43;
	v50 =	vmul.f32 v50, v33  }
0x1d3: {  	v35 =	vmul.f32 v35, v31;
	v61 =	vld [tilespmem:s30+$0xCA70];
	[tilespmem:s30+$0x1240] =	vst v45;
	v45 =	vmul.f32 v58, v33;
	v44 =	vadd.f32 v53, v44  }
0x1d4: {  	v42 =	vmul.f32 v42, v31;
	v52 =	vld [tilespmem:s30+$0xCE50];
	[tilespmem:s30+$0x1220] =	vst v43;
	v51 =	vmul.f32 v51, v33;
	v41 =	vadd.f32 v50, v41  }
0x1d5: {  	v40 =	vmul.f32 v40, v31;
	v46 =	vld [tilespmem:s30+$0xCE30];
	v49 =	vmul.f32 v49, v33;
	v35 =	vadd.f32 v45, v35;
	[tilespmem:s30+$0x1230] =	vst v44  }
0x1d6: {  	v39 =	vmul.f32 v39, v31;
	v62 =	vld [tilespmem:s30+$0xCA60];
	v48 =	vmul.f32 v48, v33;
	v42 =	vadd.f32 v51, v42;
	[tilespmem:s30+$0x1200] =	vst v41  }
0x1d7: {  	v37 =	vmul.f32 v37, v31;
	v57 =	vld [tilespmem:s30+$0xC640];
	v47 =	vmul.f32 v47, v33;
	v40 =	vadd.f32 v49, v40;
	[tilespmem:s30+$0xE20] =	vst v35  }
0x1d8: {  	v32 =	vmul.f32 v32, v31;
	v58 =	vld [tilespmem:s30+$0xC630];
	v43 =	vmul.f32 v60, v33;
	v39 =	vadd.f32 v48, v39;
	[tilespmem:s30+$0x1210] =	vst v42  }
0x1d9: {  	v38 =	vmul.f32 v38, v31;
	v50 =	vld [tilespmem:s30+$0xCA30];
	v63 =	vmul.f32 v52, v33;
	v37 =	vadd.f32 v47, v37;
	[tilespmem:s30+$0xE70] =	vst v40  }
0x1da: {  	v36 =	vmul.f32 v36, v31;
	v53 =	vld [tilespmem:s30+$0xCA00];
	v46 =	vmul.f32 v46, v33;
	v32 =	vadd.f32 v43, v32;
	[tilespmem:s30+$0xE60] =	vst v39  }
0x1db: {  	v34 =	vmul.f32 v34, v31;
	v60 =	vld [tilespmem:s30+$0xC610];
	v44 =	vmul.f32 v59, v33;
	v38 =	vadd.f32 v63, v38;
	[tilespmem:s30+$0xE40] =	vst v37  }
0x1dc: {  	v29 =	vmul.f32 v29, v31;
	v48 =	vld [tilespmem:s30+$0xCA50];
	v41 =	vmul.f32 v62, v33;
	v36 =	vadd.f32 v46, v36;
	[tilespmem:s30+$0xE00] =	vst v32  }
0x1dd: {  	v21 =	vmul.f32 v21, v31;
	v49 =	vld [tilespmem:s30+$0xCA40];
	v62 =	vmul.f32 v55, v33;
	v34 =	vadd.f32 v44, v34;
	[tilespmem:s30+$0xE50] =	vst v38  }
0x1de: {  	v30 =	vmul.f32 v30, v31;
	v51 =	vld [tilespmem:s30+$0xCA20];
	v42 =	vmul.f32 v61, v33;
	v29 =	vadd.f32 v41, v29;
	[tilespmem:s30+$0xE30] =	vst v36  }
0x1df: {  	v23 =	vmul.f32 v23, v31;
	v52 =	vld [tilespmem:s30+$0xCA10];
	v21 =	vadd.f32 v62, v21;
	v35 =	vmul.f32 v53, v33;
	[tilespmem:s30+$0xE10] =	vst v34  }
0x1e0: {  	v16 =	vmul.f32 v16, v31;
	v59 =	vld [tilespmem:s30+$0xC620];
	v41 =	vmul.f32 v60, v33;
	v30 =	vadd.f32 v42, v30;
	[tilespmem:s30+$0xA60] =	vst v29  }
0x1e1: {  	v26 =	vmul.f32 v26, v31;
	v61 =	vld [tilespmem:s30+$0xC600];
	v38 =	vmul.f32 v50, v33;
	[tilespmem:s30+$0x660] =	vst v21;
	v23 =	vadd.f32 v35, v23  }
0x1e2: {  	v22 =	vmul.f32 v22, v31;
	v63 =	vld [tilespmem:s30+$0xC270];
	v34 =	vmul.f32 v54, v33;
	v16 =	vadd.f32 v41, v16;
	[tilespmem:s30+$0xA70] =	vst v30  }
0x1e3: {  	v28 =	vmul.f32 v28, v31;
	v44 =	vld [tilespmem:s30+$0x1640];
	v40 =	vmul.f32 v48, v33;
	v26 =	vadd.f32 v38, v26;
	[tilespmem:s30+$0xA00] =	vst v23  }
0x1e4: {  	v27 =	vmul.f32 v27, v31;
	v46 =	vld [tilespmem:s30+$0x1650];
	v39 =	vmul.f32 v49, v33;
	v22 =	vadd.f32 v34, v22;
	[tilespmem:s30+$0x610] =	vst v16  }
0x1e5: {  	v25 =	vmul.f32 v25, v31;
	v42 =	vld [tilespmem:s30+$0xD670];
	v37 =	vmul.f32 v51, v33;
	v28 =	vadd.f32 v40, v28;
	[tilespmem:s30+$0xA30] =	vst v26  }
0x1e6: {  	v24 =	vmul.f32 v24, v31;
	v50 =	vld [tilespmem:s30+$0x200];
	v36 =	vmul.f32 v52, v33;
	v27 =	vadd.f32 v39, v27;
	[tilespmem:s30+$0x670] =	vst v22  }
0x1e7: {  	v19 =	vmul.f32 v19, v31;
	v35 =	vmul.f32 v57, v33;
	v48 =	vld [tilespmem:s30+$0x1660];
	v25 =	vadd.f32 v37, v25;
	[tilespmem:s30+$0xA50] =	vst v28  }
0x1e8: {  	v20 =	vmul.f32 v20, v31;
	v51 =	vld [tilespmem:s30+$0xC200];
	v30 =	vmul.f32 v56, v33;
	v24 =	vadd.f32 v36, v24;
	[tilespmem:s30+$0xA40] =	vst v27  }
0x1e9: {  	v18 =	vmul.f32 v18, v31;
	v34 =	vld [tilespmem:s30+$0xC260];
	v37 =	vmul.f32 v58, v33;
	v19 =	vadd.f32 v35, v19;
	[tilespmem:s30+$0xA20] =	vst v25  }
0x1ea: {  	v17 =	vmul.f32 v17, v31;
	v38 =	vld [tilespmem:s30+$0xD650];
	v39 =	vmul.f32 v59, v33;
	v20 =	vadd.f32 v30, v20;
	[tilespmem:s30+$0xA10] =	vst v24  }
0x1eb: {  	v15 =	vmul.f32 v15, v31;
	v36 =	vld [tilespmem:s30+$0xD640];
	v43 =	vmul.f32 v61, v33;
	v18 =	vadd.f32 v37, v18;
	[tilespmem:s30+$0x640] =	vst v19  }
0x1ec: {  	v14 =	vmul.f32 v14, v31;
	v40 =	vld [tilespmem:s30+$0xD660];
	v45 =	vmul.f32 v63, v33;
	v17 =	vadd.f32 v39, v17;
	[tilespmem:s30+$0x650] =	vst v20  }
0x1ed: {  	v49 =	vld [tilespmem:s30+$0x1670];
	v15 =	vadd.f32 v43, v15;
	v61 =	vmul.f32 v50, v31;
	v10 =	vmul.f32 v51, v33;
	[tilespmem:s30+$0x630] =	vst v18  }
0x1ee: {  	v13 =	vmul.f32 v13, v31;
	v14 =	vadd.f32 v45, v14;
	[tilespmem:s30+$0x620] =	vst v17;
	v47 =	vmul.f32 v34, v33  }
0x1ef: {  	v54 =	vmul.f32 v46, v31;
	[tilespmem:s30+$0x600] =	vst v15;
	v55 =	vmul.f32 v38, v33;
	v63 =	vadd.f32 v10, v61  }
0x1f0: {  	v52 =	vmul.f32 v44, v31;
	[tilespmem:s30+$0x270] =	vst v14;
	v53 =	vmul.f32 v36, v33;
	v13 =	vadd.f32 v47, v13  }
0x1f1: {  	v56 =	vmul.f32 v48, v31;
	v58 =	vmul.f32 v40, v33;
	v3 =	vadd.f32 v55, v54;
	[tilespmem:s30+$0x200] =	vst v63  }
0x1f2: {  	v60 =	vmul.f32 v42, v33;
	v59 =	vmul.f32 v49, v31;
	v57 =	vadd.f32 v53, v52;
	[tilespmem:s30+$0x260] =	vst v13  }
0x1f3: {  	v62 =	vadd.f32 v58, v56;
	[tilespmem:s30+$0x1650] =	vst v3  }
0x1f4: {  	s26 =	sadd.s32 $0x1, s26;
	v3 =	vadd.f32 v60, v59;
	[tilespmem:s30+$0x1640] =	vst v57  }
0x1f5: {  	p0 =	sne.s32 s26, s11;
	[tilespmem:s30+$0x1660] =	vst v62  }
.Ltmp1:
0x1f6: {  	[tilespmem:s30+$0x1670] =	vst v3;
	(pc) =	sbr.rel @p0 .LBB2_1-.Ltmp1, $4  }
0x1f7: {  	[hbm4b:s10+s2] =	stream.linear.scatter [tilespmem:s14], [sflag:$0x3], $0xC000, $0x38;
	[tilespmem:$0x18200] =	vst v63  }
0x1f8: {  	_ =	swait.ge [sflag:s25], $0xC000  }
0x1f9: {  	[sflag:s25] =	ssyncset.done $0x0  }
0x1fa: {  	[sflag:s25] =	ssyncadd.s32 $0xFFFF4000  }
0x1fb: {  	_ =	sfence.sel $0x180000  }
0x1fc: {  	[bflag:$0x0] =	sbarrier.arrive $0xFFFF  }
0x1fd: {  	_ =	strace $0x9000004A  }
0x1fe: {  	s0 =	stileid.u32;
	[bflag:$0x2] =	sbarrier.arrive $0xFFFF  }
0x1ff: {  	p0 =	sne.s32 s0, $0x0;
	s0 =	rddreg [dreg:$0x2]  }
0x200: {  	s0 =	sadd.s32 @!p0 $0x100000, s0  }
0x201: {  	[sflag:s0] =	ssyncadd.tile.s32 @!p0 $0x1;
	_ =	shalt  }
.Lfunc_end2:
_tile_overlayer_lowered:
.L_overlay_start_2:
0x202: {  	(tag) =	ssettag $0x2  }
0x203: {  	s0 =	rddreg [dreg:$0x0];
	s2 =	stileid.u32  }
0x204: {  	s1 =	rddreg [dreg:$0x1];
	p0 =	sne.s32 s2, $0x0  }
0x205: {  	s3 =	rddreg [dreg:$0x2];
	[bflag:$0x3] =	sbarrier.arrive $0xFFFF;
	s2 =	simm.s32 @!p0 $0x1C03  }
0x206: {  	[timem:s3], [sflag:s2] =	dma.local @!p0 [hbm:s0], s1  }
0x207: {  	s0 =	simm.s32 @!p0 $0x3  }
0x208: {  	_ =	swait.ge @!p0 [sflag:s0], s1  }
0x209: {  	s1 =	ssub.s32 @!p0 $0x0, s1;
	[sflag:s0] =	ssyncset.done @!p0 $0x0  }
0x20a: {  	[sflag:s0] =	ssyncadd.s32 @!p0 s1  }
0x20b: {  	[bflag:$0x3] =	sbarrier.arrive $0xFFFF  }
0x20c: {  	_ =	shalt  }

</sc_bundles>
